<compile_context>
chip_gen: v7x
topology: tpu7x:2x2x1
jax: 0.10.2.dev20260603
libtpu: 0.0.44.dev20260713+nightly
codegen_flags: <defaults>
</compile_context>

<pallas_src>
import functools

import jax
import jax.numpy as jnp
from jax import lax
from jax.experimental import pallas as pl
from jax.experimental.pallas import tpu as pltpu
from jax.experimental.pallas import tpu_sc as plsc

NUM_EMB = 1_000_000
D = 64
BATCH = 16384
HIST = 50
NC = 2
NS = 16
NW = NC * NS
BPW = BATCH // NW
UPW = 4
NUNITS = HIST * UPW

_mesh = plsc.VectorSubcoreMesh(core_axis_name="c", subcore_axis_name="s")


@functools.partial(
    pl.kernel,
    mesh=_mesh,
    compiler_params=pltpu.CompilerParams(
        use_tc_tiling_on_sc=False, needs_layout_passes=False
    ),
    out_type=jax.ShapeDtypeStruct((HIST, 8, 128, 8, 128), jnp.float32),
    scratch_types=[
        pltpu.VMEM((BPW, HIST), jnp.int32),
        pltpu.VMEM((HIST, BPW), jnp.int32),
        pltpu.VMEM((2, 128, D), jnp.float32),
        pltpu.VMEM((2, D, 128), jnp.float32),
    ]
    + [pltpu.SemaphoreType.DMA] * 4,
)
def _emb5(x_hbm, table_hbm, out_hbm, idx_v, idxt_v, rows_v, trans_v, *sems):
    gsems, ssems = sems[:2], sems[2:]
    wid = lax.axis_index("s") * NC + lax.axis_index("c")
    ii = lax.broadcasted_iota(jnp.int32, (16,), 0)

    pltpu.sync_copy(x_hbm.at[pl.ds(wid * BPW, BPW)], idx_v)

    def tr_idx(h, carry):
        col = jnp.full((16,), h, jnp.int32)
        for t in range(BPW // 16):
            v = plsc.load_gather(idx_v, [ii + 16 * t, col])
            idxt_v[h, pl.ds(16 * t, 16)] = v
        return carry

    lax.fori_loop(0, HIST, tr_idx, 0)

    def issue_gather(s, buf):
        h = lax.shift_right_logical(s, 2)
        u = jnp.bitwise_and(s, 3)
        pltpu.async_copy(
            table_hbm.at[idxt_v.at[h, pl.ds(128 * u, 128)]],
            rows_v.at[buf],
            gsems[buf],
        )

    def wait_gather(buf):
        pltpu.make_async_copy(
            table_hbm.at[idxt_v.at[0, pl.ds(0, 128)]], rows_v.at[buf], gsems[buf]
        ).wait()

    def transpose(buf):
        def body(c, carry):
            col = jnp.full((16,), c, jnp.int32)
            for t in range(8):
                v = plsc.load_gather(rows_v.at[buf], [ii + 16 * t, col])
                trans_v[buf, c, pl.ds(16 * t, 16)] = v
            return carry

        lax.fori_loop(0, D, body, 0)

    def issue_stores(s, buf):
        h = lax.shift_right_logical(s, 2)
        u = jnp.bitwise_and(s, 3)
        bh = wid * UPW + u
        for ch in range(8):
            pltpu.async_copy(
                trans_v.at[buf, pl.ds(8 * ch, 8)],
                out_hbm.at[h, ch, bh],
                ssems[buf],
            )

    def wait_stores(buf):
        for ch in range(8):
            pltpu.make_async_copy(
                trans_v.at[buf, pl.ds(0, 8)], out_hbm.at[0, 0, 0], ssems[buf]
            ).wait()

    def slot(s, buf):
        @pl.when(s + 1 < NUNITS)
        def _():
            issue_gather(s + 1, 1 - buf)

        wait_gather(buf)

        @pl.when(s >= 2)
        def _():
            wait_stores(buf)

        transpose(buf)
        issue_stores(s, buf)

    issue_gather(jnp.int32(0), 0)

    def grp(g, carry):
        slot(2 * g, 0)
        slot(2 * g + 1, 1)
        return carry

    lax.fori_loop(0, NUNITS // 2, grp, 0)
    wait_stores(0)
    wait_stores(1)


def kernel(x, weight):
    out5 = _emb5(x.astype(jnp.int32), weight)
    return out5.transpose(2, 4, 0, 1, 3).reshape(BATCH, HIST, D)

# --- scband reference (transcript-rebuilt; emitter-appended) ---
"""Pipeline reference for scband-embedding-36524401885353 (READ-ONLY COPY).

The authoritative reference and input builder live on the scoring server;
editing this copy changes nothing except your own understanding.
"""

import jax, jax.numpy as jnp
import numpy as np

NUM_EMBEDDINGS = 1000000
D_MODEL = 64
BATCH = 16384
HIST = 50

def setup_inputs(seed: int = 0) -> dict:
    key = jax.random.key(seed)
    k1, k2 = jax.random.split(key)
    x = jax.random.randint(k1, (BATCH, HIST), 0, NUM_EMBEDDINGS, dtype=jnp.int64 if jax.config.jax_enable_x64 else jnp.int32)
    # trunc_normal_(mean=0, std=1, a=-3, b=3)
    weight = jax.random.truncated_normal(k2, -3.0, 3.0, (NUM_EMBEDDINGS, D_MODEL), dtype=jnp.float32)
    return {"x": x, "weight": weight}

def reference(x, weight):
    # Embedding.forward: self.weight[x]
    return jnp.take(weight, x, axis=0)

if __name__ == "__main__":
    import jax
    _d = setup_inputs()
    print(jax.jit(kernel)(*tuple(_d.values())))

</pallas_src>

<mosaic_0001>
#map = affine_map<(d0, d1) -> (0, 0)>
#map1 = affine_map<(d0, d1) -> (0, 0, 0, 0, 0)>
module attributes {stable_mosaic.version = 14 : i64} {
  func.func @_emb5(%arg0: i32, %arg1: i32, %arg2: memref<16384x50xi32, #tpu.memory_space<hbm>>, %arg3: memref<1000000x64xf32, #tpu.memory_space<hbm>>, %arg4: memref<50x8x128x8x128xf32, #tpu.memory_space<hbm>>, %arg5: memref<512x50xi32, #tpu.memory_space<vmem>>, %arg6: memref<50x512xi32, #tpu.memory_space<vmem>>, %arg7: memref<2x128x64xf32, #tpu.memory_space<vmem>>, %arg8: memref<2x64x128xf32, #tpu.memory_space<vmem>>, %arg9: memref<!tpu.dma_semaphore, #tpu.memory_space<semaphore_mem>>, %arg10: memref<!tpu.dma_semaphore, #tpu.memory_space<semaphore_mem>>, %arg11: memref<!tpu.dma_semaphore, #tpu.memory_space<semaphore_mem>>, %arg12: memref<!tpu.dma_semaphore, #tpu.memory_space<semaphore_mem>>) attributes {dimension_semantics = [#tpu.dimension_semantics<core_parallel>, #tpu.dimension_semantics<subcore_parallel>], iteration_bounds = array<i64: 2, 16>, scalar_prefetch = 0 : i64, scratch_operands = 8 : i64, tpu.core_type = #tpu.core_type<sc_vector_subcore>, window_params = [{transform_indices = #map}, {transform_indices = #map}, {transform_indices = #map1}]} {
    %mul3A = arith.constant 2 : i32
    %mul3A_0 = arith.muli %arg1, %mul3A : i32
    %add3A = arith.addi %mul3A_0, %arg0 : i32
    %iota3A = tpu.iota {dimensions = array<i32: 0>} : vector<16xi32>
    %mul3A_1 = arith.constant 512 : i32
    %mul3A_2 = arith.muli %add3A, %mul3A_1 : i32
    "tpu.region"() ({
      %run_scoped3A = tpu.sem_alloc : memref<!tpu.dma_semaphore, #tpu.memory_space<semaphore_mem>>
      %dma_start3A_348 = arith.constant 0 : i32
      %dma_start3A_349 = tpu.memref_slice %arg2[%mul3A_2, %dma_start3A_348] : memref<16384x50xi32, #tpu.memory_space<hbm>> -> memref<512x50xi32, #tpu.memory_space<hbm>>
      %dma_start3A_350 = arith.constant 0 : i32
      %dma_start3A_351 = tpu.memref_slice %arg2[%mul3A_2, %dma_start3A_350] : memref<16384x50xi32, #tpu.memory_space<hbm>> -> memref<512x50xi32, #tpu.memory_space<hbm>>
      tpu.enqueue_dma source(%dma_start3A_351 : memref<512x50xi32, #tpu.memory_space<hbm>>) target(%arg5 : memref<512x50xi32, #tpu.memory_space<vmem>>) target_semaphore(%run_scoped3A : memref<!tpu.dma_semaphore, #tpu.memory_space<semaphore_mem>>)
      %dma_wait3A_352 = arith.constant 0 : i32
      %dma_wait3A_353 = tpu.memref_slice %arg2[%mul3A_2, %dma_wait3A_352] : memref<16384x50xi32, #tpu.memory_space<hbm>> -> memref<512x50xi32, #tpu.memory_space<hbm>>
      %dma_wait3A_354 = arith.constant 0 : i32
      %dma_wait3A_355 = tpu.memref_slice %arg2[%mul3A_2, %dma_wait3A_354] : memref<16384x50xi32, #tpu.memory_space<hbm>> -> memref<512x50xi32, #tpu.memory_space<hbm>>
      tpu.wait_dma2 semaphore(%run_scoped3A : memref<!tpu.dma_semaphore, #tpu.memory_space<semaphore_mem>>) src(%dma_wait3A_355 : memref<512x50xi32, #tpu.memory_space<hbm>>) dst(%arg5 : memref<512x50xi32, #tpu.memory_space<vmem>>)
      tpu.yield
    }) : () -> ()
    %scan3A = arith.constant 0 : i32
    %scan3A_3 = arith.constant 0 : i32
    %scan3A_4 = arith.constant 50 : i32
    %scan3A_5 = arith.addi %scan3A_3, %scan3A_4 : i32
    %scan3A_6 = arith.constant 1 : i32
    scf.for %scan3A_348 = %scan3A_3 to %scan3A_5 step %scan3A_6  : i32 {
      %broadcast_in_dim3A = vector.broadcast %scan3A_348 : i32 to vector<16xi32>
      %add3A_349 = arith.constant 0 : i32
      %add3A_350 = vector.broadcast %add3A_349 : i32 to vector<16xi32>
      %add3A_351 = arith.addi %iota3A, %add3A_350 : vector<16xi32>
      %gather3A = tpu.vector_load_idx %arg5[%add3A_351, %broadcast_in_dim3A] : memref<512x50xi32, #tpu.memory_space<vmem>>[vector<16xi32>, vector<16xi32>], vector<16xi32>,
      %swap3A = arith.index_cast %scan3A_348 : i32 to index
      %swap3A_352 = arith.constant 0 : index
      %swap3A_353 = tpu.vector_load %arg6[%swap3A, %swap3A_352] {strides = array<i32>} : memref<50x512xi32, #tpu.memory_space<vmem>>, vector<16xi32>,
      tpu.vector_store %arg6[%swap3A, %swap3A_352], %gather3A {strides = array<i32>} : memref<50x512xi32, #tpu.memory_space<vmem>>, vector<16xi32>,
      %add3A_354 = arith.constant 16 : i32
      %add3A_355 = vector.broadcast %add3A_354 : i32 to vector<16xi32>
      %add3A_356 = arith.addi %iota3A, %add3A_355 : vector<16xi32>
      %gather3A_357 = tpu.vector_load_idx %arg5[%add3A_356, %broadcast_in_dim3A] : memref<512x50xi32, #tpu.memory_space<vmem>>[vector<16xi32>, vector<16xi32>], vector<16xi32>,
      %swap3A_358 = arith.index_cast %scan3A_348 : i32 to index
      %swap3A_359 = arith.constant 16 : index
      %swap3A_360 = tpu.vector_load %arg6[%swap3A_358, %swap3A_359] {strides = array<i32>} : memref<50x512xi32, #tpu.memory_space<vmem>>, vector<16xi32>,
      tpu.vector_store %arg6[%swap3A_358, %swap3A_359], %gather3A_357 {strides = array<i32>} : memref<50x512xi32, #tpu.memory_space<vmem>>, vector<16xi32>,
      %add3A_361 = arith.constant 32 : i32
      %add3A_362 = vector.broadcast %add3A_361 : i32 to vector<16xi32>
      %add3A_363 = arith.addi %iota3A, %add3A_362 : vector<16xi32>
      %gather3A_364 = tpu.vector_load_idx %arg5[%add3A_363, %broadcast_in_dim3A] : memref<512x50xi32, #tpu.memory_space<vmem>>[vector<16xi32>, vector<16xi32>], vector<16xi32>,
      %swap3A_365 = arith.index_cast %scan3A_348 : i32 to index
      %swap3A_366 = arith.constant 32 : index
      %swap3A_367 = tpu.vector_load %arg6[%swap3A_365, %swap3A_366] {strides = array<i32>} : memref<50x512xi32, #tpu.memory_space<vmem>>, vector<16xi32>,
      tpu.vector_store %arg6[%swap3A_365, %swap3A_366], %gather3A_364 {strides = array<i32>} : memref<50x512xi32, #tpu.memory_space<vmem>>, vector<16xi32>,
      %add3A_368 = arith.constant 48 : i32
      %add3A_369 = vector.broadcast %add3A_368 : i32 to vector<16xi32>
      %add3A_370 = arith.addi %iota3A, %add3A_369 : vector<16xi32>
      %gather3A_371 = tpu.vector_load_idx %arg5[%add3A_370, %broadcast_in_dim3A] : memref<512x50xi32, #tpu.memory_space<vmem>>[vector<16xi32>, vector<16xi32>], vector<16xi32>,
      %swap3A_372 = arith.index_cast %scan3A_348 : i32 to index
      %swap3A_373 = arith.constant 48 : index
      %swap3A_374 = tpu.vector_load %arg6[%swap3A_372, %swap3A_373] {strides = array<i32>} : memref<50x512xi32, #tpu.memory_space<vmem>>, vector<16xi32>,
      tpu.vector_store %arg6[%swap3A_372, %swap3A_373], %gather3A_371 {strides = array<i32>} : memref<50x512xi32, #tpu.memory_space<vmem>>, vector<16xi32>,
      %add3A_375 = arith.constant 64 : i32
      %add3A_376 = vector.broadcast %add3A_375 : i32 to vector<16xi32>
      %add3A_377 = arith.addi %iota3A, %add3A_376 : vector<16xi32>
      %gather3A_378 = tpu.vector_load_idx %arg5[%add3A_377, %broadcast_in_dim3A] : memref<512x50xi32, #tpu.memory_space<vmem>>[vector<16xi32>, vector<16xi32>], vector<16xi32>,
      %swap3A_379 = arith.index_cast %scan3A_348 : i32 to index
      %swap3A_380 = arith.constant 64 : index
      %swap3A_381 = tpu.vector_load %arg6[%swap3A_379, %swap3A_380] {strides = array<i32>} : memref<50x512xi32, #tpu.memory_space<vmem>>, vector<16xi32>,
      tpu.vector_store %arg6[%swap3A_379, %swap3A_380], %gather3A_378 {strides = array<i32>} : memref<50x512xi32, #tpu.memory_space<vmem>>, vector<16xi32>,
      %add3A_382 = arith.constant 80 : i32
      %add3A_383 = vector.broadcast %add3A_382 : i32 to vector<16xi32>
      %add3A_384 = arith.addi %iota3A, %add3A_383 : vector<16xi32>
      %gather3A_385 = tpu.vector_load_idx %arg5[%add3A_384, %broadcast_in_dim3A] : memref<512x50xi32, #tpu.memory_space<vmem>>[vector<16xi32>, vector<16xi32>], vector<16xi32>,
      %swap3A_386 = arith.index_cast %scan3A_348 : i32 to index
      %swap3A_387 = arith.constant 80 : index
      %swap3A_388 = tpu.vector_load %arg6[%swap3A_386, %swap3A_387] {strides = array<i32>} : memref<50x512xi32, #tpu.memory_space<vmem>>, vector<16xi32>,
      tpu.vector_store %arg6[%swap3A_386, %swap3A_387], %gather3A_385 {strides = array<i32>} : memref<50x512xi32, #tpu.memory_space<vmem>>, vector<16xi32>,
      %add3A_389 = arith.constant 96 : i32
      %add3A_390 = vector.broadcast %add3A_389 : i32 to vector<16xi32>
      %add3A_391 = arith.addi %iota3A, %add3A_390 : vector<16xi32>
      %gather3A_392 = tpu.vector_load_idx %arg5[%add3A_391, %broadcast_in_dim3A] : memref<512x50xi32, #tpu.memory_space<vmem>>[vector<16xi32>, vector<16xi32>], vector<16xi32>,
      %swap3A_393 = arith.index_cast %scan3A_348 : i32 to index
      %swap3A_394 = arith.constant 96 : index
      %swap3A_395 = tpu.vector_load %arg6[%swap3A_393, %swap3A_394] {strides = array<i32>} : memref<50x512xi32, #tpu.memory_space<vmem>>, vector<16xi32>,
      tpu.vector_store %arg6[%swap3A_393, %swap3A_394], %gather3A_392 {strides = array<i32>} : memref<50x512xi32, #tpu.memory_space<vmem>>, vector<16xi32>,
      %add3A_396 = arith.constant 112 : i32
      %add3A_397 = vector.broadcast %add3A_396 : i32 to vector<16xi32>
      %add3A_398 = arith.addi %iota3A, %add3A_397 : vector<16xi32>
      %gather3A_399 = tpu.vector_load_idx %arg5[%add3A_398, %broadcast_in_dim3A] : memref<512x50xi32, #tpu.memory_space<vmem>>[vector<16xi32>, vector<16xi32>], vector<16xi32>,
      %swap3A_400 = arith.index_cast %scan3A_348 : i32 to index
      %swap3A_401 = arith.constant 112 : index
      %swap3A_402 = tpu.vector_load %arg6[%swap3A_400, %swap3A_401] {strides = array<i32>} : memref<50x512xi32, #tpu.memory_space<vmem>>, vector<16xi32>,
      tpu.vector_store %arg6[%swap3A_400, %swap3A_401], %gather3A_399 {strides = array<i32>} : memref<50x512xi32, #tpu.memory_space<vmem>>, vector<16xi32>,
      %add3A_403 = arith.constant 128 : i32
      %add3A_404 = vector.broadcast %add3A_403 : i32 to vector<16xi32>
      %add3A_405 = arith.addi %iota3A, %add3A_404 : vector<16xi32>
      %gather3A_406 = tpu.vector_load_idx %arg5[%add3A_405, %broadcast_in_dim3A] : memref<512x50xi32, #tpu.memory_space<vmem>>[vector<16xi32>, vector<16xi32>], vector<16xi32>,
      %swap3A_407 = arith.index_cast %scan3A_348 : i32 to index
      %swap3A_408 = arith.constant 128 : index
      %swap3A_409 = tpu.vector_load %arg6[%swap3A_407, %swap3A_408] {strides = array<i32>} : memref<50x512xi32, #tpu.memory_space<vmem>>, vector<16xi32>,
      tpu.vector_store %arg6[%swap3A_407, %swap3A_408], %gather3A_406 {strides = array<i32>} : memref<50x512xi32, #tpu.memory_space<vmem>>, vector<16xi32>,
      %add3A_410 = arith.constant 144 : i32
      %add3A_411 = vector.broadcast %add3A_410 : i32 to vector<16xi32>
      %add3A_412 = arith.addi %iota3A, %add3A_411 : vector<16xi32>
      %gather3A_413 = tpu.vector_load_idx %arg5[%add3A_412, %broadcast_in_dim3A] : memref<512x50xi32, #tpu.memory_space<vmem>>[vector<16xi32>, vector<16xi32>], vector<16xi32>,
      %swap3A_414 = arith.index_cast %scan3A_348 : i32 to index
      %swap3A_415 = arith.constant 144 : index
      %swap3A_416 = tpu.vector_load %arg6[%swap3A_414, %swap3A_415] {strides = array<i32>} : memref<50x512xi32, #tpu.memory_space<vmem>>, vector<16xi32>,
      tpu.vector_store %arg6[%swap3A_414, %swap3A_415], %gather3A_413 {strides = array<i32>} : memref<50x512xi32, #tpu.memory_space<vmem>>, vector<16xi32>,
      %add3A_417 = arith.constant 160 : i32
      %add3A_418 = vector.broadcast %add3A_417 : i32 to vector<16xi32>
      %add3A_419 = arith.addi %iota3A, %add3A_418 : vector<16xi32>
      %gather3A_420 = tpu.vector_load_idx %arg5[%add3A_419, %broadcast_in_dim3A] : memref<512x50xi32, #tpu.memory_space<vmem>>[vector<16xi32>, vector<16xi32>], vector<16xi32>,
      %swap3A_421 = arith.index_cast %scan3A_348 : i32 to index
      %swap3A_422 = arith.constant 160 : index
      %swap3A_423 = tpu.vector_load %arg6[%swap3A_421, %swap3A_422] {strides = array<i32>} : memref<50x512xi32, #tpu.memory_space<vmem>>, vector<16xi32>,
      tpu.vector_store %arg6[%swap3A_421, %swap3A_422], %gather3A_420 {strides = array<i32>} : memref<50x512xi32, #tpu.memory_space<vmem>>, vector<16xi32>,
      %add3A_424 = arith.constant 176 : i32
      %add3A_425 = vector.broadcast %add3A_424 : i32 to vector<16xi32>
      %add3A_426 = arith.addi %iota3A, %add3A_425 : vector<16xi32>
      %gather3A_427 = tpu.vector_load_idx %arg5[%add3A_426, %broadcast_in_dim3A] : memref<512x50xi32, #tpu.memory_space<vmem>>[vector<16xi32>, vector<16xi32>], vector<16xi32>,
      %swap3A_428 = arith.index_cast %scan3A_348 : i32 to index
      %swap3A_429 = arith.constant 176 : index
      %swap3A_430 = tpu.vector_load %arg6[%swap3A_428, %swap3A_429] {strides = array<i32>} : memref<50x512xi32, #tpu.memory_space<vmem>>, vector<16xi32>,
      tpu.vector_store %arg6[%swap3A_428, %swap3A_429], %gather3A_427 {strides = array<i32>} : memref<50x512xi32, #tpu.memory_space<vmem>>, vector<16xi32>,
      %add3A_431 = arith.constant 192 : i32
      %add3A_432 = vector.broadcast %add3A_431 : i32 to vector<16xi32>
      %add3A_433 = arith.addi %iota3A, %add3A_432 : vector<16xi32>
      %gather3A_434 = tpu.vector_load_idx %arg5[%add3A_433, %broadcast_in_dim3A] : memref<512x50xi32, #tpu.memory_space<vmem>>[vector<16xi32>, vector<16xi32>], vector<16xi32>,
      %swap3A_435 = arith.index_cast %scan3A_348 : i32 to index
      %swap3A_436 = arith.constant 192 : index
      %swap3A_437 = tpu.vector_load %arg6[%swap3A_435, %swap3A_436] {strides = array<i32>} : memref<50x512xi32, #tpu.memory_space<vmem>>, vector<16xi32>,
      tpu.vector_store %arg6[%swap3A_435, %swap3A_436], %gather3A_434 {strides = array<i32>} : memref<50x512xi32, #tpu.memory_space<vmem>>, vector<16xi32>,
      %add3A_438 = arith.constant 208 : i32
      %add3A_439 = vector.broadcast %add3A_438 : i32 to vector<16xi32>
      %add3A_440 = arith.addi %iota3A, %add3A_439 : vector<16xi32>
      %gather3A_441 = tpu.vector_load_idx %arg5[%add3A_440, %broadcast_in_dim3A] : memref<512x50xi32, #tpu.memory_space<vmem>>[vector<16xi32>, vector<16xi32>], vector<16xi32>,
      %swap3A_442 = arith.index_cast %scan3A_348 : i32 to index
      %swap3A_443 = arith.constant 208 : index
      %swap3A_444 = tpu.vector_load %arg6[%swap3A_442, %swap3A_443] {strides = array<i32>} : memref<50x512xi32, #tpu.memory_space<vmem>>, vector<16xi32>,
      tpu.vector_store %arg6[%swap3A_442, %swap3A_443], %gather3A_441 {strides = array<i32>} : memref<50x512xi32, #tpu.memory_space<vmem>>, vector<16xi32>,
      %add3A_445 = arith.constant 224 : i32
      %add3A_446 = vector.broadcast %add3A_445 : i32 to vector<16xi32>
      %add3A_447 = arith.addi %iota3A, %add3A_446 : vector<16xi32>
      %gather3A_448 = tpu.vector_load_idx %arg5[%add3A_447, %broadcast_in_dim3A] : memref<512x50xi32, #tpu.memory_space<vmem>>[vector<16xi32>, vector<16xi32>], vector<16xi32>,
      %swap3A_449 = arith.index_cast %scan3A_348 : i32 to index
      %swap3A_450 = arith.constant 224 : index
      %swap3A_451 = tpu.vector_load %arg6[%swap3A_449, %swap3A_450] {strides = array<i32>} : memref<50x512xi32, #tpu.memory_space<vmem>>, vector<16xi32>,
      tpu.vector_store %arg6[%swap3A_449, %swap3A_450], %gather3A_448 {strides = array<i32>} : memref<50x512xi32, #tpu.memory_space<vmem>>, vector<16xi32>,
      %add3A_452 = arith.constant 240 : i32
      %add3A_453 = vector.broadcast %add3A_452 : i32 to vector<16xi32>
      %add3A_454 = arith.addi %iota3A, %add3A_453 : vector<16xi32>
      %gather3A_455 = tpu.vector_load_idx %arg5[%add3A_454, %broadcast_in_dim3A] : memref<512x50xi32, #tpu.memory_space<vmem>>[vector<16xi32>, vector<16xi32>], vector<16xi32>,
      %swap3A_456 = arith.index_cast %scan3A_348 : i32 to index
      %swap3A_457 = arith.constant 240 : index
      %swap3A_458 = tpu.vector_load %arg6[%swap3A_456, %swap3A_457] {strides = array<i32>} : memref<50x512xi32, #tpu.memory_space<vmem>>, vector<16xi32>,
      tpu.vector_store %arg6[%swap3A_456, %swap3A_457], %gather3A_455 {strides = array<i32>} : memref<50x512xi32, #tpu.memory_space<vmem>>, vector<16xi32>,
      %add3A_459 = arith.constant 256 : i32
      %add3A_460 = vector.broadcast %add3A_459 : i32 to vector<16xi32>
      %add3A_461 = arith.addi %iota3A, %add3A_460 : vector<16xi32>
      %gather3A_462 = tpu.vector_load_idx %arg5[%add3A_461, %broadcast_in_dim3A] : memref<512x50xi32, #tpu.memory_space<vmem>>[vector<16xi32>, vector<16xi32>], vector<16xi32>,
      %swap3A_463 = arith.index_cast %scan3A_348 : i32 to index
      %swap3A_464 = arith.constant 256 : index
      %swap3A_465 = tpu.vector_load %arg6[%swap3A_463, %swap3A_464] {strides = array<i32>} : memref<50x512xi32, #tpu.memory_space<vmem>>, vector<16xi32>,
      tpu.vector_store %arg6[%swap3A_463, %swap3A_464], %gather3A_462 {strides = array<i32>} : memref<50x512xi32, #tpu.memory_space<vmem>>, vector<16xi32>,
      %add3A_466 = arith.constant 272 : i32
      %add3A_467 = vector.broadcast %add3A_466 : i32 to vector<16xi32>
      %add3A_468 = arith.addi %iota3A, %add3A_467 : vector<16xi32>
      %gather3A_469 = tpu.vector_load_idx %arg5[%add3A_468, %broadcast_in_dim3A] : memref<512x50xi32, #tpu.memory_space<vmem>>[vector<16xi32>, vector<16xi32>], vector<16xi32>,
      %swap3A_470 = arith.index_cast %scan3A_348 : i32 to index
      %swap3A_471 = arith.constant 272 : index
      %swap3A_472 = tpu.vector_load %arg6[%swap3A_470, %swap3A_471] {strides = array<i32>} : memref<50x512xi32, #tpu.memory_space<vmem>>, vector<16xi32>,
      tpu.vector_store %arg6[%swap3A_470, %swap3A_471], %gather3A_469 {strides = array<i32>} : memref<50x512xi32, #tpu.memory_space<vmem>>, vector<16xi32>,
      %add3A_473 = arith.constant 288 : i32
      %add3A_474 = vector.broadcast %add3A_473 : i32 to vector<16xi32>
      %add3A_475 = arith.addi %iota3A, %add3A_474 : vector<16xi32>
      %gather3A_476 = tpu.vector_load_idx %arg5[%add3A_475, %broadcast_in_dim3A] : memref<512x50xi32, #tpu.memory_space<vmem>>[vector<16xi32>, vector<16xi32>], vector<16xi32>,
      %swap3A_477 = arith.index_cast %scan3A_348 : i32 to index
      %swap3A_478 = arith.constant 288 : index
      %swap3A_479 = tpu.vector_load %arg6[%swap3A_477, %swap3A_478] {strides = array<i32>} : memref<50x512xi32, #tpu.memory_space<vmem>>, vector<16xi32>,
      tpu.vector_store %arg6[%swap3A_477, %swap3A_478], %gather3A_476 {strides = array<i32>} : memref<50x512xi32, #tpu.memory_space<vmem>>, vector<16xi32>,
      %add3A_480 = arith.constant 304 : i32
      %add3A_481 = vector.broadcast %add3A_480 : i32 to vector<16xi32>
      %add3A_482 = arith.addi %iota3A, %add3A_481 : vector<16xi32>
      %gather3A_483 = tpu.vector_load_idx %arg5[%add3A_482, %broadcast_in_dim3A] : memref<512x50xi32, #tpu.memory_space<vmem>>[vector<16xi32>, vector<16xi32>], vector<16xi32>,
      %swap3A_484 = arith.index_cast %scan3A_348 : i32 to index
      %swap3A_485 = arith.constant 304 : index
      %swap3A_486 = tpu.vector_load %arg6[%swap3A_484, %swap3A_485] {strides = array<i32>} : memref<50x512xi32, #tpu.memory_space<vmem>>, vector<16xi32>,
      tpu.vector_store %arg6[%swap3A_484, %swap3A_485], %gather3A_483 {strides = array<i32>} : memref<50x512xi32, #tpu.memory_space<vmem>>, vector<16xi32>,
      %add3A_487 = arith.constant 320 : i32
      %add3A_488 = vector.broadcast %add3A_487 : i32 to vector<16xi32>
      %add3A_489 = arith.addi %iota3A, %add3A_488 : vector<16xi32>
      %gather3A_490 = tpu.vector_load_idx %arg5[%add3A_489, %broadcast_in_dim3A] : memref<512x50xi32, #tpu.memory_space<vmem>>[vector<16xi32>, vector<16xi32>], vector<16xi32>,
      %swap3A_491 = arith.index_cast %scan3A_348 : i32 to index
      %swap3A_492 = arith.constant 320 : index
      %swap3A_493 = tpu.vector_load %arg6[%swap3A_491, %swap3A_492] {strides = array<i32>} : memref<50x512xi32, #tpu.memory_space<vmem>>, vector<16xi32>,
      tpu.vector_store %arg6[%swap3A_491, %swap3A_492], %gather3A_490 {strides = array<i32>} : memref<50x512xi32, #tpu.memory_space<vmem>>, vector<16xi32>,
      %add3A_494 = arith.constant 336 : i32
      %add3A_495 = vector.broadcast %add3A_494 : i32 to vector<16xi32>
      %add3A_496 = arith.addi %iota3A, %add3A_495 : vector<16xi32>
      %gather3A_497 = tpu.vector_load_idx %arg5[%add3A_496, %broadcast_in_dim3A] : memref<512x50xi32, #tpu.memory_space<vmem>>[vector<16xi32>, vector<16xi32>], vector<16xi32>,
      %swap3A_498 = arith.index_cast %scan3A_348 : i32 to index
      %swap3A_499 = arith.constant 336 : index
      %swap3A_500 = tpu.vector_load %arg6[%swap3A_498, %swap3A_499] {strides = array<i32>} : memref<50x512xi32, #tpu.memory_space<vmem>>, vector<16xi32>,
      tpu.vector_store %arg6[%swap3A_498, %swap3A_499], %gather3A_497 {strides = array<i32>} : memref<50x512xi32, #tpu.memory_space<vmem>>, vector<16xi32>,
      %add3A_501 = arith.constant 352 : i32
      %add3A_502 = vector.broadcast %add3A_501 : i32 to vector<16xi32>
      %add3A_503 = arith.addi %iota3A, %add3A_502 : vector<16xi32>
      %gather3A_504 = tpu.vector_load_idx %arg5[%add3A_503, %broadcast_in_dim3A] : memref<512x50xi32, #tpu.memory_space<vmem>>[vector<16xi32>, vector<16xi32>], vector<16xi32>,
      %swap3A_505 = arith.index_cast %scan3A_348 : i32 to index
      %swap3A_506 = arith.constant 352 : index
      %swap3A_507 = tpu.vector_load %arg6[%swap3A_505, %swap3A_506] {strides = array<i32>} : memref<50x512xi32, #tpu.memory_space<vmem>>, vector<16xi32>,
      tpu.vector_store %arg6[%swap3A_505, %swap3A_506], %gather3A_504 {strides = array<i32>} : memref<50x512xi32, #tpu.memory_space<vmem>>, vector<16xi32>,
      %add3A_508 = arith.constant 368 : i32
      %add3A_509 = vector.broadcast %add3A_508 : i32 to vector<16xi32>
      %add3A_510 = arith.addi %iota3A, %add3A_509 : vector<16xi32>
      %gather3A_511 = tpu.vector_load_idx %arg5[%add3A_510, %broadcast_in_dim3A] : memref<512x50xi32, #tpu.memory_space<vmem>>[vector<16xi32>, vector<16xi32>], vector<16xi32>,
      %swap3A_512 = arith.index_cast %scan3A_348 : i32 to index
      %swap3A_513 = arith.constant 368 : index
      %swap3A_514 = tpu.vector_load %arg6[%swap3A_512, %swap3A_513] {strides = array<i32>} : memref<50x512xi32, #tpu.memory_space<vmem>>, vector<16xi32>,
      tpu.vector_store %arg6[%swap3A_512, %swap3A_513], %gather3A_511 {strides = array<i32>} : memref<50x512xi32, #tpu.memory_space<vmem>>, vector<16xi32>,
      %add3A_515 = arith.constant 384 : i32
      %add3A_516 = vector.broadcast %add3A_515 : i32 to vector<16xi32>
      %add3A_517 = arith.addi %iota3A, %add3A_516 : vector<16xi32>
      %gather3A_518 = tpu.vector_load_idx %arg5[%add3A_517, %broadcast_in_dim3A] : memref<512x50xi32, #tpu.memory_space<vmem>>[vector<16xi32>, vector<16xi32>], vector<16xi32>,
      %swap3A_519 = arith.index_cast %scan3A_348 : i32 to index
      %swap3A_520 = arith.constant 384 : index
      %swap3A_521 = tpu.vector_load %arg6[%swap3A_519, %swap3A_520] {strides = array<i32>} : memref<50x512xi32, #tpu.memory_space<vmem>>, vector<16xi32>,
      tpu.vector_store %arg6[%swap3A_519, %swap3A_520], %gather3A_518 {strides = array<i32>} : memref<50x512xi32, #tpu.memory_space<vmem>>, vector<16xi32>,
      %add3A_522 = arith.constant 400 : i32
      %add3A_523 = vector.broadcast %add3A_522 : i32 to vector<16xi32>
      %add3A_524 = arith.addi %iota3A, %add3A_523 : vector<16xi32>
      %gather3A_525 = tpu.vector_load_idx %arg5[%add3A_524, %broadcast_in_dim3A] : memref<512x50xi32, #tpu.memory_space<vmem>>[vector<16xi32>, vector<16xi32>], vector<16xi32>,
      %swap3A_526 = arith.index_cast %scan3A_348 : i32 to index
      %swap3A_527 = arith.constant 400 : index
      %swap3A_528 = tpu.vector_load %arg6[%swap3A_526, %swap3A_527] {strides = array<i32>} : memref<50x512xi32, #tpu.memory_space<vmem>>, vector<16xi32>,
      tpu.vector_store %arg6[%swap3A_526, %swap3A_527], %gather3A_525 {strides = array<i32>} : memref<50x512xi32, #tpu.memory_space<vmem>>, vector<16xi32>,
      %add3A_529 = arith.constant 416 : i32
      %add3A_530 = vector.broadcast %add3A_529 : i32 to vector<16xi32>
      %add3A_531 = arith.addi %iota3A, %add3A_530 : vector<16xi32>
      %gather3A_532 = tpu.vector_load_idx %arg5[%add3A_531, %broadcast_in_dim3A] : memref<512x50xi32, #tpu.memory_space<vmem>>[vector<16xi32>, vector<16xi32>], vector<16xi32>,
      %swap3A_533 = arith.index_cast %scan3A_348 : i32 to index
      %swap3A_534 = arith.constant 416 : index
      %swap3A_535 = tpu.vector_load %arg6[%swap3A_533, %swap3A_534] {strides = array<i32>} : memref<50x512xi32, #tpu.memory_space<vmem>>, vector<16xi32>,
      tpu.vector_store %arg6[%swap3A_533, %swap3A_534], %gather3A_532 {strides = array<i32>} : memref<50x512xi32, #tpu.memory_space<vmem>>, vector<16xi32>,
      %add3A_536 = arith.constant 432 : i32
      %add3A_537 = vector.broadcast %add3A_536 : i32 to vector<16xi32>
      %add3A_538 = arith.addi %iota3A, %add3A_537 : vector<16xi32>
      %gather3A_539 = tpu.vector_load_idx %arg5[%add3A_538, %broadcast_in_dim3A] : memref<512x50xi32, #tpu.memory_space<vmem>>[vector<16xi32>, vector<16xi32>], vector<16xi32>,
      %swap3A_540 = arith.index_cast %scan3A_348 : i32 to index
      %swap3A_541 = arith.constant 432 : index
      %swap3A_542 = tpu.vector_load %arg6[%swap3A_540, %swap3A_541] {strides = array<i32>} : memref<50x512xi32, #tpu.memory_space<vmem>>, vector<16xi32>,
      tpu.vector_store %arg6[%swap3A_540, %swap3A_541], %gather3A_539 {strides = array<i32>} : memref<50x512xi32, #tpu.memory_space<vmem>>, vector<16xi32>,
      %add3A_543 = arith.constant 448 : i32
      %add3A_544 = vector.broadcast %add3A_543 : i32 to vector<16xi32>
      %add3A_545 = arith.addi %iota3A, %add3A_544 : vector<16xi32>
      %gather3A_546 = tpu.vector_load_idx %arg5[%add3A_545, %broadcast_in_dim3A] : memref<512x50xi32, #tpu.memory_space<vmem>>[vector<16xi32>, vector<16xi32>], vector<16xi32>,
      %swap3A_547 = arith.index_cast %scan3A_348 : i32 to index
      %swap3A_548 = arith.constant 448 : index
      %swap3A_549 = tpu.vector_load %arg6[%swap3A_547, %swap3A_548] {strides = array<i32>} : memref<50x512xi32, #tpu.memory_space<vmem>>, vector<16xi32>,
      tpu.vector_store %arg6[%swap3A_547, %swap3A_548], %gather3A_546 {strides = array<i32>} : memref<50x512xi32, #tpu.memory_space<vmem>>, vector<16xi32>,
      %add3A_550 = arith.constant 464 : i32
      %add3A_551 = vector.broadcast %add3A_550 : i32 to vector<16xi32>
      %add3A_552 = arith.addi %iota3A, %add3A_551 : vector<16xi32>
      %gather3A_553 = tpu.vector_load_idx %arg5[%add3A_552, %broadcast_in_dim3A] : memref<512x50xi32, #tpu.memory_space<vmem>>[vector<16xi32>, vector<16xi32>], vector<16xi32>,
      %swap3A_554 = arith.index_cast %scan3A_348 : i32 to index
      %swap3A_555 = arith.constant 464 : index
      %swap3A_556 = tpu.vector_load %arg6[%swap3A_554, %swap3A_555] {strides = array<i32>} : memref<50x512xi32, #tpu.memory_space<vmem>>, vector<16xi32>,
      tpu.vector_store %arg6[%swap3A_554, %swap3A_555], %gather3A_553 {strides = array<i32>} : memref<50x512xi32, #tpu.memory_space<vmem>>, vector<16xi32>,
      %add3A_557 = arith.constant 480 : i32
      %add3A_558 = vector.broadcast %add3A_557 : i32 to vector<16xi32>
      %add3A_559 = arith.addi %iota3A, %add3A_558 : vector<16xi32>
      %gather3A_560 = tpu.vector_load_idx %arg5[%add3A_559, %broadcast_in_dim3A] : memref<512x50xi32, #tpu.memory_space<vmem>>[vector<16xi32>, vector<16xi32>], vector<16xi32>,
      %swap3A_561 = arith.index_cast %scan3A_348 : i32 to index
      %swap3A_562 = arith.constant 480 : index
      %swap3A_563 = tpu.vector_load %arg6[%swap3A_561, %swap3A_562] {strides = array<i32>} : memref<50x512xi32, #tpu.memory_space<vmem>>, vector<16xi32>,
      tpu.vector_store %arg6[%swap3A_561, %swap3A_562], %gather3A_560 {strides = array<i32>} : memref<50x512xi32, #tpu.memory_space<vmem>>, vector<16xi32>,
      %add3A_564 = arith.constant 496 : i32
      %add3A_565 = vector.broadcast %add3A_564 : i32 to vector<16xi32>
      %add3A_566 = arith.addi %iota3A, %add3A_565 : vector<16xi32>
      %gather3A_567 = tpu.vector_load_idx %arg5[%add3A_566, %broadcast_in_dim3A] : memref<512x50xi32, #tpu.memory_space<vmem>>[vector<16xi32>, vector<16xi32>], vector<16xi32>,
      %swap3A_568 = arith.index_cast %scan3A_348 : i32 to index
      %swap3A_569 = arith.constant 496 : index
      %swap3A_570 = tpu.vector_load %arg6[%swap3A_568, %swap3A_569] {strides = array<i32>} : memref<50x512xi32, #tpu.memory_space<vmem>>, vector<16xi32>,
      tpu.vector_store %arg6[%swap3A_568, %swap3A_569], %gather3A_567 {strides = array<i32>} : memref<50x512xi32, #tpu.memory_space<vmem>>, vector<16xi32>,
    }
    %scan3A_7 = arith.constant 50 : i32
    %shift_right_logical3A = arith.constant 0 : i32
    %shift_right_logical3A_8 = arith.constant 2 : i32
    %shift_right_logical3A_9 = arith.shrui %shift_right_logical3A, %shift_right_logical3A_8 : i32
    %and3A = arith.constant 0 : i32
    %and3A_10 = arith.constant 3 : i32
    %and3A_11 = arith.andi %and3A, %and3A_10 : i32
    %mul3A_12 = arith.constant 128 : i32
    %mul3A_13 = arith.muli %mul3A_12, %and3A_11 : i32
    %dma_start3A = arith.constant 0 : i32
    %dma_start3A_14 = arith.constant 0 : i32
    %dma_start3A_15 = arith.constant 0 : i32
    %dma_start3A_16 = tpu.memref_slice %arg7[%dma_start3A, %dma_start3A_14, %dma_start3A_15] : memref<2x128x64xf32, #tpu.memory_space<vmem>> -> memref<1x128x64xf32, #tpu.memory_space<vmem>>
    %dma_start3A_17 = tpu.memref_squeeze %dma_start3A_16 : memref<1x128x64xf32, #tpu.memory_space<vmem>> -> memref<128x64xf32, #tpu.memory_space<vmem>>
    %dma_start3A_18 = tpu.memref_slice %arg6[%shift_right_logical3A_9, %mul3A_13] : memref<50x512xi32, #tpu.memory_space<vmem>> -> memref<1x128xi32, #tpu.memory_space<vmem>>
    %dma_start3A_19 = tpu.memref_squeeze %dma_start3A_18 : memref<1x128xi32, #tpu.memory_space<vmem>> -> memref<128xi32, #tpu.memory_space<vmem>>
    %dma_start3A_20 = arith.constant 0 : i32
    %dma_start3A_21 = arith.constant 0 : i32
    %dma_start3A_22 = tpu.memref_slice %arg3[%dma_start3A_20, %dma_start3A_21] : memref<1000000x64xf32, #tpu.memory_space<hbm>> -> memref<1000000x64xf32, #tpu.memory_space<hbm>>
    tpu.enqueue_indirect_dma source(%dma_start3A_22 : memref<1000000x64xf32, #tpu.memory_space<hbm>>) target(%dma_start3A_17 : memref<128x64xf32, #tpu.memory_space<vmem>>) offsets(%dma_start3A_19 : memref<128xi32, #tpu.memory_space<vmem>>) semaphore(%arg9 : memref<!tpu.dma_semaphore, #tpu.memory_space<semaphore_mem>>)
    %scan3A_23 = arith.constant 0 : i32
    %scan3A_24 = arith.constant 0 : i32
    %scan3A_25 = arith.constant 100 : i32
    %scan3A_26 = arith.addi %scan3A_24, %scan3A_25 : i32
    %scan3A_27 = arith.constant 1 : i32
    scf.for %scan3A_348 = %scan3A_24 to %scan3A_26 step %scan3A_27  : i32 {
      %mul3A_349 = arith.constant 2 : i32
      %mul3A_350 = arith.muli %mul3A_349, %scan3A_348 : i32
      %add3A_351 = arith.constant 1 : i32
      %add3A_352 = arith.addi %mul3A_350, %add3A_351 : i32
      %lt3A = arith.constant 200 : i32
      %lt3A_353 = arith.cmpi slt, %add3A_352, %lt3A : i32
      %convert_element_type3A = arith.extui %lt3A_353 : i1 to i32
      %cond3A = arith.constant 0 : i32
      %cond3A_354 = arith.cmpi ne, %convert_element_type3A, %cond3A : i32
      scf.if %cond3A_354 {
        %add3A_713 = arith.constant 1 : i32
        %add3A_714 = arith.addi %mul3A_350, %add3A_713 : i32
        %shift_right_logical3A_715 = arith.constant 2 : i32
        %shift_right_logical3A_716 = arith.shrui %add3A_714, %shift_right_logical3A_715 : i32
        %and3A_717 = arith.constant 3 : i32
        %and3A_718 = arith.andi %add3A_714, %and3A_717 : i32
        %mul3A_719 = arith.constant 128 : i32
        %mul3A_720 = arith.muli %mul3A_719, %and3A_718 : i32
        %dma_start3A_721 = arith.constant 1 : i32
        %dma_start3A_722 = arith.constant 0 : i32
        %dma_start3A_723 = arith.constant 0 : i32
        %dma_start3A_724 = tpu.memref_slice %arg7[%dma_start3A_721, %dma_start3A_722, %dma_start3A_723] : memref<2x128x64xf32, #tpu.memory_space<vmem>> -> memref<1x128x64xf32, #tpu.memory_space<vmem>>
        %dma_start3A_725 = tpu.memref_squeeze %dma_start3A_724 : memref<1x128x64xf32, #tpu.memory_space<vmem>> -> memref<128x64xf32, #tpu.memory_space<vmem>>
        %dma_start3A_726 = tpu.memref_slice %arg6[%shift_right_logical3A_716, %mul3A_720] : memref<50x512xi32, #tpu.memory_space<vmem>> -> memref<1x128xi32, #tpu.memory_space<vmem>>
        %dma_start3A_727 = tpu.memref_squeeze %dma_start3A_726 : memref<1x128xi32, #tpu.memory_space<vmem>> -> memref<128xi32, #tpu.memory_space<vmem>>
        %dma_start3A_728 = arith.constant 0 : i32
        %dma_start3A_729 = arith.constant 0 : i32
        %dma_start3A_730 = tpu.memref_slice %arg3[%dma_start3A_728, %dma_start3A_729] : memref<1000000x64xf32, #tpu.memory_space<hbm>> -> memref<1000000x64xf32, #tpu.memory_space<hbm>>
        tpu.enqueue_indirect_dma source(%dma_start3A_730 : memref<1000000x64xf32, #tpu.memory_space<hbm>>) target(%dma_start3A_725 : memref<128x64xf32, #tpu.memory_space<vmem>>) offsets(%dma_start3A_727 : memref<128xi32, #tpu.memory_space<vmem>>) semaphore(%arg10 : memref<!tpu.dma_semaphore, #tpu.memory_space<semaphore_mem>>)
      } else {
      }
      %dma_wait3A_355 = arith.constant 0 : i32
      %dma_wait3A_356 = arith.constant 0 : i32
      %dma_wait3A_357 = arith.constant 0 : i32
      %dma_wait3A_358 = arith.constant 0 : i32
      %dma_wait3A_359 = tpu.memref_slice %arg7[%dma_wait3A_356, %dma_wait3A_357, %dma_wait3A_358] : memref<2x128x64xf32, #tpu.memory_space<vmem>> -> memref<1x128x64xf32, #tpu.memory_space<vmem>>
      %dma_wait3A_360 = tpu.memref_squeeze %dma_wait3A_359 : memref<1x128x64xf32, #tpu.memory_space<vmem>> -> memref<128x64xf32, #tpu.memory_space<vmem>>
      %dma_wait3A_361 = arith.constant 0 : i32
      %dma_wait3A_362 = tpu.memref_slice %arg6[%dma_wait3A_355, %dma_wait3A_361] : memref<50x512xi32, #tpu.memory_space<vmem>> -> memref<1x128xi32, #tpu.memory_space<vmem>>
      %dma_wait3A_363 = tpu.memref_squeeze %dma_wait3A_362 : memref<1x128xi32, #tpu.memory_space<vmem>> -> memref<128xi32, #tpu.memory_space<vmem>>
      %dma_wait3A_364 = arith.constant 0 : i32
      %dma_wait3A_365 = arith.constant 0 : i32
      %dma_wait3A_366 = tpu.memref_slice %arg3[%dma_wait3A_364, %dma_wait3A_365] : memref<1000000x64xf32, #tpu.memory_space<hbm>> -> memref<1000000x64xf32, #tpu.memory_space<hbm>>
      tpu.wait_indirect_dma semaphore(%arg9 : memref<!tpu.dma_semaphore, #tpu.memory_space<semaphore_mem>>) src(%dma_wait3A_366 : memref<1000000x64xf32, #tpu.memory_space<hbm>>) dst(%dma_wait3A_360 : memref<128x64xf32, #tpu.memory_space<vmem>>)
      %ge3A = arith.constant 2 : i32
      %ge3A_367 = arith.cmpi sge, %mul3A_350, %ge3A : i32
      %convert_element_type3A_368 = arith.extui %ge3A_367 : i1 to i32
      %cond3A_369 = arith.constant 0 : i32
      %cond3A_370 = arith.cmpi ne, %convert_element_type3A_368, %cond3A_369 : i32
      scf.if %cond3A_370 {
        %dma_wait3A_713 = arith.constant 0 : i32
        %dma_wait3A_714 = arith.constant 0 : i32
        %dma_wait3A_715 = arith.constant 0 : i32
        %dma_wait3A_716 = arith.constant 0 : i32
        %dma_wait3A_717 = arith.constant 0 : i32
        %dma_wait3A_718 = arith.constant 0 : i32
        %dma_wait3A_719 = tpu.memref_slice %arg8[%dma_wait3A_713, %dma_wait3A_717, %dma_wait3A_718] : memref<2x64x128xf32, #tpu.memory_space<vmem>> -> memref<1x8x128xf32, #tpu.memory_space<vmem>>
        %dma_wait3A_720 = tpu.memref_squeeze %dma_wait3A_719 : memref<1x8x128xf32, #tpu.memory_space<vmem>> -> memref<8x128xf32, #tpu.memory_space<vmem>>
        %dma_wait3A_721 = arith.constant 0 : i32
        %dma_wait3A_722 = arith.constant 0 : i32
        %dma_wait3A_723 = tpu.memref_slice %arg4[%dma_wait3A_714, %dma_wait3A_715, %dma_wait3A_716, %dma_wait3A_721, %dma_wait3A_722] : memref<50x8x128x8x128xf32, #tpu.memory_space<hbm>> -> memref<1x1x1x8x128xf32, #tpu.memory_space<hbm>>
        %dma_wait3A_724 = tpu.memref_squeeze %dma_wait3A_723 : memref<1x1x1x8x128xf32, #tpu.memory_space<hbm>> -> memref<8x128xf32, #tpu.memory_space<hbm>>
        %dma_wait3A_725 = arith.constant 0 : i32
        %dma_wait3A_726 = arith.constant 0 : i32
        %dma_wait3A_727 = tpu.memref_slice %arg4[%dma_wait3A_714, %dma_wait3A_715, %dma_wait3A_716, %dma_wait3A_725, %dma_wait3A_726] : memref<50x8x128x8x128xf32, #tpu.memory_space<hbm>> -> memref<1x1x1x8x128xf32, #tpu.memory_space<hbm>>
        %dma_wait3A_728 = tpu.memref_squeeze %dma_wait3A_727 : memref<1x1x1x8x128xf32, #tpu.memory_space<hbm>> -> memref<8x128xf32, #tpu.memory_space<hbm>>
        %dma_wait3A_729 = arith.constant 0 : i32
        %dma_wait3A_730 = arith.constant 0 : i32
        %dma_wait3A_731 = tpu.memref_slice %arg8[%dma_wait3A_713, %dma_wait3A_729, %dma_wait3A_730] : memref<2x64x128xf32, #tpu.memory_space<vmem>> -> memref<1x8x128xf32, #tpu.memory_space<vmem>>
        %dma_wait3A_732 = tpu.memref_squeeze %dma_wait3A_731 : memref<1x8x128xf32, #tpu.memory_space<vmem>> -> memref<8x128xf32, #tpu.memory_space<vmem>>
        tpu.wait_dma2 semaphore(%arg11 : memref<!tpu.dma_semaphore, #tpu.memory_space<semaphore_mem>>) src(%dma_wait3A_732 : memref<8x128xf32, #tpu.memory_space<vmem>>) dst(%dma_wait3A_728 : memref<8x128xf32, #tpu.memory_space<hbm>>)
        %dma_wait3A_733 = arith.constant 0 : i32
        %dma_wait3A_734 = arith.constant 0 : i32
        %dma_wait3A_735 = arith.constant 0 : i32
        %dma_wait3A_736 = arith.constant 0 : i32
        %dma_wait3A_737 = arith.constant 0 : i32
        %dma_wait3A_738 = arith.constant 0 : i32
        %dma_wait3A_739 = tpu.memref_slice %arg8[%dma_wait3A_733, %dma_wait3A_737, %dma_wait3A_738] : memref<2x64x128xf32, #tpu.memory_space<vmem>> -> memref<1x8x128xf32, #tpu.memory_space<vmem>>
        %dma_wait3A_740 = tpu.memref_squeeze %dma_wait3A_739 : memref<1x8x128xf32, #tpu.memory_space<vmem>> -> memref<8x128xf32, #tpu.memory_space<vmem>>
        %dma_wait3A_741 = arith.constant 0 : i32
        %dma_wait3A_742 = arith.constant 0 : i32
        %dma_wait3A_743 = tpu.memref_slice %arg4[%dma_wait3A_734, %dma_wait3A_735, %dma_wait3A_736, %dma_wait3A_741, %dma_wait3A_742] : memref<50x8x128x8x128xf32, #tpu.memory_space<hbm>> -> memref<1x1x1x8x128xf32, #tpu.memory_space<hbm>>
        %dma_wait3A_744 = tpu.memref_squeeze %dma_wait3A_743 : memref<1x1x1x8x128xf32, #tpu.memory_space<hbm>> -> memref<8x128xf32, #tpu.memory_space<hbm>>
        %dma_wait3A_745 = arith.constant 0 : i32
        %dma_wait3A_746 = arith.constant 0 : i32
        %dma_wait3A_747 = tpu.memref_slice %arg4[%dma_wait3A_734, %dma_wait3A_735, %dma_wait3A_736, %dma_wait3A_745, %dma_wait3A_746] : memref<50x8x128x8x128xf32, #tpu.memory_space<hbm>> -> memref<1x1x1x8x128xf32, #tpu.memory_space<hbm>>
        %dma_wait3A_748 = tpu.memref_squeeze %dma_wait3A_747 : memref<1x1x1x8x128xf32, #tpu.memory_space<hbm>> -> memref<8x128xf32, #tpu.memory_space<hbm>>
        %dma_wait3A_749 = arith.constant 0 : i32
        %dma_wait3A_750 = arith.constant 0 : i32
        %dma_wait3A_751 = tpu.memref_slice %arg8[%dma_wait3A_733, %dma_wait3A_749, %dma_wait3A_750] : memref<2x64x128xf32, #tpu.memory_space<vmem>> -> memref<1x8x128xf32, #tpu.memory_space<vmem>>
        %dma_wait3A_752 = tpu.memref_squeeze %dma_wait3A_751 : memref<1x8x128xf32, #tpu.memory_space<vmem>> -> memref<8x128xf32, #tpu.memory_space<vmem>>
        tpu.wait_dma2 semaphore(%arg11 : memref<!tpu.dma_semaphore, #tpu.memory_space<semaphore_mem>>) src(%dma_wait3A_752 : memref<8x128xf32, #tpu.memory_space<vmem>>) dst(%dma_wait3A_748 : memref<8x128xf32, #tpu.memory_space<hbm>>)
        %dma_wait3A_753 = arith.constant 0 : i32
        %dma_wait3A_754 = arith.constant 0 : i32
        %dma_wait3A_755 = arith.constant 0 : i32
        %dma_wait3A_756 = arith.constant 0 : i32
        %dma_wait3A_757 = arith.constant 0 : i32
        %dma_wait3A_758 = arith.constant 0 : i32
        %dma_wait3A_759 = tpu.memref_slice %arg8[%dma_wait3A_753, %dma_wait3A_757, %dma_wait3A_758] : memref<2x64x128xf32, #tpu.memory_space<vmem>> -> memref<1x8x128xf32, #tpu.memory_space<vmem>>
        %dma_wait3A_760 = tpu.memref_squeeze %dma_wait3A_759 : memref<1x8x128xf32, #tpu.memory_space<vmem>> -> memref<8x128xf32, #tpu.memory_space<vmem>>
        %dma_wait3A_761 = arith.constant 0 : i32
        %dma_wait3A_762 = arith.constant 0 : i32
        %dma_wait3A_763 = tpu.memref_slice %arg4[%dma_wait3A_754, %dma_wait3A_755, %dma_wait3A_756, %dma_wait3A_761, %dma_wait3A_762] : memref<50x8x128x8x128xf32, #tpu.memory_space<hbm>> -> memref<1x1x1x8x128xf32, #tpu.memory_space<hbm>>
        %dma_wait3A_764 = tpu.memref_squeeze %dma_wait3A_763 : memref<1x1x1x8x128xf32, #tpu.memory_space<hbm>> -> memref<8x128xf32, #tpu.memory_space<hbm>>
        %dma_wait3A_765 = arith.constant 0 : i32
        %dma_wait3A_766 = arith.constant 0 : i32
        %dma_wait3A_767 = tpu.memref_slice %arg4[%dma_wait3A_754, %dma_wait3A_755, %dma_wait3A_756, %dma_wait3A_765, %dma_wait3A_766] : memref<50x8x128x8x128xf32, #tpu.memory_space<hbm>> -> memref<1x1x1x8x128xf32, #tpu.memory_space<hbm>>
        %dma_wait3A_768 = tpu.memref_squeeze %dma_wait3A_767 : memref<1x1x1x8x128xf32, #tpu.memory_space<hbm>> -> memref<8x128xf32, #tpu.memory_space<hbm>>
        %dma_wait3A_769 = arith.constant 0 : i32
        %dma_wait3A_770 = arith.constant 0 : i32
        %dma_wait3A_771 = tpu.memref_slice %arg8[%dma_wait3A_753, %dma_wait3A_769, %dma_wait3A_770] : memref<2x64x128xf32, #tpu.memory_space<vmem>> -> memref<1x8x128xf32, #tpu.memory_space<vmem>>
        %dma_wait3A_772 = tpu.memref_squeeze %dma_wait3A_771 : memref<1x8x128xf32, #tpu.memory_space<vmem>> -> memref<8x128xf32, #tpu.memory_space<vmem>>
        tpu.wait_dma2 semaphore(%arg11 : memref<!tpu.dma_semaphore, #tpu.memory_space<semaphore_mem>>) src(%dma_wait3A_772 : memref<8x128xf32, #tpu.memory_space<vmem>>) dst(%dma_wait3A_768 : memref<8x128xf32, #tpu.memory_space<hbm>>)
        %dma_wait3A_773 = arith.constant 0 : i32
        %dma_wait3A_774 = arith.constant 0 : i32
        %dma_wait3A_775 = arith.constant 0 : i32
        %dma_wait3A_776 = arith.constant 0 : i32
        %dma_wait3A_777 = arith.constant 0 : i32
        %dma_wait3A_778 = arith.constant 0 : i32
        %dma_wait3A_779 = tpu.memref_slice %arg8[%dma_wait3A_773, %dma_wait3A_777, %dma_wait3A_778] : memref<2x64x128xf32, #tpu.memory_space<vmem>> -> memref<1x8x128xf32, #tpu.memory_space<vmem>>
        %dma_wait3A_780 = tpu.memref_squeeze %dma_wait3A_779 : memref<1x8x128xf32, #tpu.memory_space<vmem>> -> memref<8x128xf32, #tpu.memory_space<vmem>>
        %dma_wait3A_781 = arith.constant 0 : i32
        %dma_wait3A_782 = arith.constant 0 : i32
        %dma_wait3A_783 = tpu.memref_slice %arg4[%dma_wait3A_774, %dma_wait3A_775, %dma_wait3A_776, %dma_wait3A_781, %dma_wait3A_782] : memref<50x8x128x8x128xf32, #tpu.memory_space<hbm>> -> memref<1x1x1x8x128xf32, #tpu.memory_space<hbm>>
        %dma_wait3A_784 = tpu.memref_squeeze %dma_wait3A_783 : memref<1x1x1x8x128xf32, #tpu.memory_space<hbm>> -> memref<8x128xf32, #tpu.memory_space<hbm>>
        %dma_wait3A_785 = arith.constant 0 : i32
        %dma_wait3A_786 = arith.constant 0 : i32
        %dma_wait3A_787 = tpu.memref_slice %arg4[%dma_wait3A_774, %dma_wait3A_775, %dma_wait3A_776, %dma_wait3A_785, %dma_wait3A_786] : memref<50x8x128x8x128xf32, #tpu.memory_space<hbm>> -> memref<1x1x1x8x128xf32, #tpu.memory_space<hbm>>
        %dma_wait3A_788 = tpu.memref_squeeze %dma_wait3A_787 : memref<1x1x1x8x128xf32, #tpu.memory_space<hbm>> -> memref<8x128xf32, #tpu.memory_space<hbm>>
        %dma_wait3A_789 = arith.constant 0 : i32
        %dma_wait3A_790 = arith.constant 0 : i32
        %dma_wait3A_791 = tpu.memref_slice %arg8[%dma_wait3A_773, %dma_wait3A_789, %dma_wait3A_790] : memref<2x64x128xf32, #tpu.memory_space<vmem>> -> memref<1x8x128xf32, #tpu.memory_space<vmem>>
        %dma_wait3A_792 = tpu.memref_squeeze %dma_wait3A_791 : memref<1x8x128xf32, #tpu.memory_space<vmem>> -> memref<8x128xf32, #tpu.memory_space<vmem>>
        tpu.wait_dma2 semaphore(%arg11 : memref<!tpu.dma_semaphore, #tpu.memory_space<semaphore_mem>>) src(%dma_wait3A_792 : memref<8x128xf32, #tpu.memory_space<vmem>>) dst(%dma_wait3A_788 : memref<8x128xf32, #tpu.memory_space<hbm>>)
        %dma_wait3A_793 = arith.constant 0 : i32
        %dma_wait3A_794 = arith.constant 0 : i32
        %dma_wait3A_795 = arith.constant 0 : i32
        %dma_wait3A_796 = arith.constant 0 : i32
        %dma_wait3A_797 = arith.constant 0 : i32
        %dma_wait3A_798 = arith.constant 0 : i32
        %dma_wait3A_799 = tpu.memref_slice %arg8[%dma_wait3A_793, %dma_wait3A_797, %dma_wait3A_798] : memref<2x64x128xf32, #tpu.memory_space<vmem>> -> memref<1x8x128xf32, #tpu.memory_space<vmem>>
        %dma_wait3A_800 = tpu.memref_squeeze %dma_wait3A_799 : memref<1x8x128xf32, #tpu.memory_space<vmem>> -> memref<8x128xf32, #tpu.memory_space<vmem>>
        %dma_wait3A_801 = arith.constant 0 : i32
        %dma_wait3A_802 = arith.constant 0 : i32
        %dma_wait3A_803 = tpu.memref_slice %arg4[%dma_wait3A_794, %dma_wait3A_795, %dma_wait3A_796, %dma_wait3A_801, %dma_wait3A_802] : memref<50x8x128x8x128xf32, #tpu.memory_space<hbm>> -> memref<1x1x1x8x128xf32, #tpu.memory_space<hbm>>
        %dma_wait3A_804 = tpu.memref_squeeze %dma_wait3A_803 : memref<1x1x1x8x128xf32, #tpu.memory_space<hbm>> -> memref<8x128xf32, #tpu.memory_space<hbm>>
        %dma_wait3A_805 = arith.constant 0 : i32
        %dma_wait3A_806 = arith.constant 0 : i32
        %dma_wait3A_807 = tpu.memref_slice %arg4[%dma_wait3A_794, %dma_wait3A_795, %dma_wait3A_796, %dma_wait3A_805, %dma_wait3A_806] : memref<50x8x128x8x128xf32, #tpu.memory_space<hbm>> -> memref<1x1x1x8x128xf32, #tpu.memory_space<hbm>>
        %dma_wait3A_808 = tpu.memref_squeeze %dma_wait3A_807 : memref<1x1x1x8x128xf32, #tpu.memory_space<hbm>> -> memref<8x128xf32, #tpu.memory_space<hbm>>
        %dma_wait3A_809 = arith.constant 0 : i32
        %dma_wait3A_810 = arith.constant 0 : i32
        %dma_wait3A_811 = tpu.memref_slice %arg8[%dma_wait3A_793, %dma_wait3A_809, %dma_wait3A_810] : memref<2x64x128xf32, #tpu.memory_space<vmem>> -> memref<1x8x128xf32, #tpu.memory_space<vmem>>
        %dma_wait3A_812 = tpu.memref_squeeze %dma_wait3A_811 : memref<1x8x128xf32, #tpu.memory_space<vmem>> -> memref<8x128xf32, #tpu.memory_space<vmem>>
        tpu.wait_dma2 semaphore(%arg11 : memref<!tpu.dma_semaphore, #tpu.memory_space<semaphore_mem>>) src(%dma_wait3A_812 : memref<8x128xf32, #tpu.memory_space<vmem>>) dst(%dma_wait3A_808 : memref<8x128xf32, #tpu.memory_space<hbm>>)
        %dma_wait3A_813 = arith.constant 0 : i32
        %dma_wait3A_814 = arith.constant 0 : i32
        %dma_wait3A_815 = arith.constant 0 : i32
        %dma_wait3A_816 = arith.constant 0 : i32
        %dma_wait3A_817 = arith.constant 0 : i32
        %dma_wait3A_818 = arith.constant 0 : i32
        %dma_wait3A_819 = tpu.memref_slice %arg8[%dma_wait3A_813, %dma_wait3A_817, %dma_wait3A_818] : memref<2x64x128xf32, #tpu.memory_space<vmem>> -> memref<1x8x128xf32, #tpu.memory_space<vmem>>
        %dma_wait3A_820 = tpu.memref_squeeze %dma_wait3A_819 : memref<1x8x128xf32, #tpu.memory_space<vmem>> -> memref<8x128xf32, #tpu.memory_space<vmem>>
        %dma_wait3A_821 = arith.constant 0 : i32
        %dma_wait3A_822 = arith.constant 0 : i32
        %dma_wait3A_823 = tpu.memref_slice %arg4[%dma_wait3A_814, %dma_wait3A_815, %dma_wait3A_816, %dma_wait3A_821, %dma_wait3A_822] : memref<50x8x128x8x128xf32, #tpu.memory_space<hbm>> -> memref<1x1x1x8x128xf32, #tpu.memory_space<hbm>>
        %dma_wait3A_824 = tpu.memref_squeeze %dma_wait3A_823 : memref<1x1x1x8x128xf32, #tpu.memory_space<hbm>> -> memref<8x128xf32, #tpu.memory_space<hbm>>
        %dma_wait3A_825 = arith.constant 0 : i32
        %dma_wait3A_826 = arith.constant 0 : i32
        %dma_wait3A_827 = tpu.memref_slice %arg4[%dma_wait3A_814, %dma_wait3A_815, %dma_wait3A_816, %dma_wait3A_825, %dma_wait3A_826] : memref<50x8x128x8x128xf32, #tpu.memory_space<hbm>> -> memref<1x1x1x8x128xf32, #tpu.memory_space<hbm>>
        %dma_wait3A_828 = tpu.memref_squeeze %dma_wait3A_827 : memref<1x1x1x8x128xf32, #tpu.memory_space<hbm>> -> memref<8x128xf32, #tpu.memory_space<hbm>>
        %dma_wait3A_829 = arith.constant 0 : i32
        %dma_wait3A_830 = arith.constant 0 : i32
        %dma_wait3A_831 = tpu.memref_slice %arg8[%dma_wait3A_813, %dma_wait3A_829, %dma_wait3A_830] : memref<2x64x128xf32, #tpu.memory_space<vmem>> -> memref<1x8x128xf32, #tpu.memory_space<vmem>>
        %dma_wait3A_832 = tpu.memref_squeeze %dma_wait3A_831 : memref<1x8x128xf32, #tpu.memory_space<vmem>> -> memref<8x128xf32, #tpu.memory_space<vmem>>
        tpu.wait_dma2 semaphore(%arg11 : memref<!tpu.dma_semaphore, #tpu.memory_space<semaphore_mem>>) src(%dma_wait3A_832 : memref<8x128xf32, #tpu.memory_space<vmem>>) dst(%dma_wait3A_828 : memref<8x128xf32, #tpu.memory_space<hbm>>)
        %dma_wait3A_833 = arith.constant 0 : i32
        %dma_wait3A_834 = arith.constant 0 : i32
        %dma_wait3A_835 = arith.constant 0 : i32
        %dma_wait3A_836 = arith.constant 0 : i32
        %dma_wait3A_837 = arith.constant 0 : i32
        %dma_wait3A_838 = arith.constant 0 : i32
        %dma_wait3A_839 = tpu.memref_slice %arg8[%dma_wait3A_833, %dma_wait3A_837, %dma_wait3A_838] : memref<2x64x128xf32, #tpu.memory_space<vmem>> -> memref<1x8x128xf32, #tpu.memory_space<vmem>>
        %dma_wait3A_840 = tpu.memref_squeeze %dma_wait3A_839 : memref<1x8x128xf32, #tpu.memory_space<vmem>> -> memref<8x128xf32, #tpu.memory_space<vmem>>
        %dma_wait3A_841 = arith.constant 0 : i32
        %dma_wait3A_842 = arith.constant 0 : i32
        %dma_wait3A_843 = tpu.memref_slice %arg4[%dma_wait3A_834, %dma_wait3A_835, %dma_wait3A_836, %dma_wait3A_841, %dma_wait3A_842] : memref<50x8x128x8x128xf32, #tpu.memory_space<hbm>> -> memref<1x1x1x8x128xf32, #tpu.memory_space<hbm>>
        %dma_wait3A_844 = tpu.memref_squeeze %dma_wait3A_843 : memref<1x1x1x8x128xf32, #tpu.memory_space<hbm>> -> memref<8x128xf32, #tpu.memory_space<hbm>>
        %dma_wait3A_845 = arith.constant 0 : i32
        %dma_wait3A_846 = arith.constant 0 : i32
        %dma_wait3A_847 = tpu.memref_slice %arg4[%dma_wait3A_834, %dma_wait3A_835, %dma_wait3A_836, %dma_wait3A_845, %dma_wait3A_846] : memref<50x8x128x8x128xf32, #tpu.memory_space<hbm>> -> memref<1x1x1x8x128xf32, #tpu.memory_space<hbm>>
        %dma_wait3A_848 = tpu.memref_squeeze %dma_wait3A_847 : memref<1x1x1x8x128xf32, #tpu.memory_space<hbm>> -> memref<8x128xf32, #tpu.memory_space<hbm>>
        %dma_wait3A_849 = arith.constant 0 : i32
        %dma_wait3A_850 = arith.constant 0 : i32
        %dma_wait3A_851 = tpu.memref_slice %arg8[%dma_wait3A_833, %dma_wait3A_849, %dma_wait3A_850] : memref<2x64x128xf32, #tpu.memory_space<vmem>> -> memref<1x8x128xf32, #tpu.memory_space<vmem>>
        %dma_wait3A_852 = tpu.memref_squeeze %dma_wait3A_851 : memref<1x8x128xf32, #tpu.memory_space<vmem>> -> memref<8x128xf32, #tpu.memory_space<vmem>>
        tpu.wait_dma2 semaphore(%arg11 : memref<!tpu.dma_semaphore, #tpu.memory_space<semaphore_mem>>) src(%dma_wait3A_852 : memref<8x128xf32, #tpu.memory_space<vmem>>) dst(%dma_wait3A_848 : memref<8x128xf32, #tpu.memory_space<hbm>>)
        %dma_wait3A_853 = arith.constant 0 : i32
        %dma_wait3A_854 = arith.constant 0 : i32
        %dma_wait3A_855 = arith.constant 0 : i32
        %dma_wait3A_856 = arith.constant 0 : i32
        %dma_wait3A_857 = arith.constant 0 : i32
        %dma_wait3A_858 = arith.constant 0 : i32
        %dma_wait3A_859 = tpu.memref_slice %arg8[%dma_wait3A_853, %dma_wait3A_857, %dma_wait3A_858] : memref<2x64x128xf32, #tpu.memory_space<vmem>> -> memref<1x8x128xf32, #tpu.memory_space<vmem>>
        %dma_wait3A_860 = tpu.memref_squeeze %dma_wait3A_859 : memref<1x8x128xf32, #tpu.memory_space<vmem>> -> memref<8x128xf32, #tpu.memory_space<vmem>>
        %dma_wait3A_861 = arith.constant 0 : i32
        %dma_wait3A_862 = arith.constant 0 : i32
        %dma_wait3A_863 = tpu.memref_slice %arg4[%dma_wait3A_854, %dma_wait3A_855, %dma_wait3A_856, %dma_wait3A_861, %dma_wait3A_862] : memref<50x8x128x8x128xf32, #tpu.memory_space<hbm>> -> memref<1x1x1x8x128xf32, #tpu.memory_space<hbm>>
        %dma_wait3A_864 = tpu.memref_squeeze %dma_wait3A_863 : memref<1x1x1x8x128xf32, #tpu.memory_space<hbm>> -> memref<8x128xf32, #tpu.memory_space<hbm>>
        %dma_wait3A_865 = arith.constant 0 : i32
        %dma_wait3A_866 = arith.constant 0 : i32
        %dma_wait3A_867 = tpu.memref_slice %arg4[%dma_wait3A_854, %dma_wait3A_855, %dma_wait3A_856, %dma_wait3A_865, %dma_wait3A_866] : memref<50x8x128x8x128xf32, #tpu.memory_space<hbm>> -> memref<1x1x1x8x128xf32, #tpu.memory_space<hbm>>
        %dma_wait3A_868 = tpu.memref_squeeze %dma_wait3A_867 : memref<1x1x1x8x128xf32, #tpu.memory_space<hbm>> -> memref<8x128xf32, #tpu.memory_space<hbm>>
        %dma_wait3A_869 = arith.constant 0 : i32
        %dma_wait3A_870 = arith.constant 0 : i32
        %dma_wait3A_871 = tpu.memref_slice %arg8[%dma_wait3A_853, %dma_wait3A_869, %dma_wait3A_870] : memref<2x64x128xf32, #tpu.memory_space<vmem>> -> memref<1x8x128xf32, #tpu.memory_space<vmem>>
        %dma_wait3A_872 = tpu.memref_squeeze %dma_wait3A_871 : memref<1x8x128xf32, #tpu.memory_space<vmem>> -> memref<8x128xf32, #tpu.memory_space<vmem>>
        tpu.wait_dma2 semaphore(%arg11 : memref<!tpu.dma_semaphore, #tpu.memory_space<semaphore_mem>>) src(%dma_wait3A_872 : memref<8x128xf32, #tpu.memory_space<vmem>>) dst(%dma_wait3A_868 : memref<8x128xf32, #tpu.memory_space<hbm>>)
      } else {
      }
      %scan3A_371 = arith.constant 0 : i32
      %scan3A_372 = arith.constant 0 : i32
      %scan3A_373 = arith.constant 64 : i32
      %scan3A_374 = arith.addi %scan3A_372, %scan3A_373 : i32
      %scan3A_375 = arith.constant 1 : i32
      scf.for %scan3A_713 = %scan3A_372 to %scan3A_374 step %scan3A_375  : i32 {
        %broadcast_in_dim3A = vector.broadcast %scan3A_713 : i32 to vector<16xi32>
        %add3A_714 = arith.constant 0 : i32
        %add3A_715 = vector.broadcast %add3A_714 : i32 to vector<16xi32>
        %add3A_716 = arith.addi %iota3A, %add3A_715 : vector<16xi32>
        %gather3A = arith.constant 0 : i32
        %gather3A_717 = arith.constant 0 : i32
        %gather3A_718 = arith.constant 0 : i32
        %gather3A_719 = tpu.memref_slice %arg7[%gather3A, %gather3A_717, %gather3A_718] : memref<2x128x64xf32, #tpu.memory_space<vmem>> -> memref<1x128x64xf32, #tpu.memory_space<vmem>>
        %gather3A_720 = tpu.memref_squeeze %gather3A_719 : memref<1x128x64xf32, #tpu.memory_space<vmem>> -> memref<128x64xf32, #tpu.memory_space<vmem>>
        %gather3A_721 = tpu.vector_load_idx %gather3A_720[%add3A_716, %broadcast_in_dim3A] : memref<128x64xf32, #tpu.memory_space<vmem>>[vector<16xi32>, vector<16xi32>], vector<16xf32>,
        %swap3A = arith.constant 0 : i32
        %swap3A_722 = arith.index_cast %swap3A : i32 to index
        %swap3A_723 = arith.index_cast %scan3A_713 : i32 to index
        %swap3A_724 = arith.constant 0 : index
        %swap3A_725 = tpu.vector_load %arg8[%swap3A_722, %swap3A_723, %swap3A_724] {strides = array<i32>} : memref<2x64x128xf32, #tpu.memory_space<vmem>>, vector<16xf32>,
        tpu.vector_store %arg8[%swap3A_722, %swap3A_723, %swap3A_724], %gather3A_721 {strides = array<i32>} : memref<2x64x128xf32, #tpu.memory_space<vmem>>, vector<16xf32>,
        %add3A_726 = arith.constant 16 : i32
        %add3A_727 = vector.broadcast %add3A_726 : i32 to vector<16xi32>
        %add3A_728 = arith.addi %iota3A, %add3A_727 : vector<16xi32>
        %gather3A_729 = arith.constant 0 : i32
        %gather3A_730 = arith.constant 0 : i32
        %gather3A_731 = arith.constant 0 : i32
        %gather3A_732 = tpu.memref_slice %arg7[%gather3A_729, %gather3A_730, %gather3A_731] : memref<2x128x64xf32, #tpu.memory_space<vmem>> -> memref<1x128x64xf32, #tpu.memory_space<vmem>>
        %gather3A_733 = tpu.memref_squeeze %gather3A_732 : memref<1x128x64xf32, #tpu.memory_space<vmem>> -> memref<128x64xf32, #tpu.memory_space<vmem>>
        %gather3A_734 = tpu.vector_load_idx %gather3A_733[%add3A_728, %broadcast_in_dim3A] : memref<128x64xf32, #tpu.memory_space<vmem>>[vector<16xi32>, vector<16xi32>], vector<16xf32>,
        %swap3A_735 = arith.constant 0 : i32
        %swap3A_736 = arith.index_cast %swap3A_735 : i32 to index
        %swap3A_737 = arith.index_cast %scan3A_713 : i32 to index
        %swap3A_738 = arith.constant 16 : index
        %swap3A_739 = tpu.vector_load %arg8[%swap3A_736, %swap3A_737, %swap3A_738] {strides = array<i32>} : memref<2x64x128xf32, #tpu.memory_space<vmem>>, vector<16xf32>,
        tpu.vector_store %arg8[%swap3A_736, %swap3A_737, %swap3A_738], %gather3A_734 {strides = array<i32>} : memref<2x64x128xf32, #tpu.memory_space<vmem>>, vector<16xf32>,
        %add3A_740 = arith.constant 32 : i32
        %add3A_741 = vector.broadcast %add3A_740 : i32 to vector<16xi32>
        %add3A_742 = arith.addi %iota3A, %add3A_741 : vector<16xi32>
        %gather3A_743 = arith.constant 0 : i32
        %gather3A_744 = arith.constant 0 : i32
        %gather3A_745 = arith.constant 0 : i32
        %gather3A_746 = tpu.memref_slice %arg7[%gather3A_743, %gather3A_744, %gather3A_745] : memref<2x128x64xf32, #tpu.memory_space<vmem>> -> memref<1x128x64xf32, #tpu.memory_space<vmem>>
        %gather3A_747 = tpu.memref_squeeze %gather3A_746 : memref<1x128x64xf32, #tpu.memory_space<vmem>> -> memref<128x64xf32, #tpu.memory_space<vmem>>
        %gather3A_748 = tpu.vector_load_idx %gather3A_747[%add3A_742, %broadcast_in_dim3A] : memref<128x64xf32, #tpu.memory_space<vmem>>[vector<16xi32>, vector<16xi32>], vector<16xf32>,
        %swap3A_749 = arith.constant 0 : i32
        %swap3A_750 = arith.index_cast %swap3A_749 : i32 to index
        %swap3A_751 = arith.index_cast %scan3A_713 : i32 to index
        %swap3A_752 = arith.constant 32 : index
        %swap3A_753 = tpu.vector_load %arg8[%swap3A_750, %swap3A_751, %swap3A_752] {strides = array<i32>} : memref<2x64x128xf32, #tpu.memory_space<vmem>>, vector<16xf32>,
        tpu.vector_store %arg8[%swap3A_750, %swap3A_751, %swap3A_752], %gather3A_748 {strides = array<i32>} : memref<2x64x128xf32, #tpu.memory_space<vmem>>, vector<16xf32>,
        %add3A_754 = arith.constant 48 : i32
        %add3A_755 = vector.broadcast %add3A_754 : i32 to vector<16xi32>
        %add3A_756 = arith.addi %iota3A, %add3A_755 : vector<16xi32>
        %gather3A_757 = arith.constant 0 : i32
        %gather3A_758 = arith.constant 0 : i32
        %gather3A_759 = arith.constant 0 : i32
        %gather3A_760 = tpu.memref_slice %arg7[%gather3A_757, %gather3A_758, %gather3A_759] : memref<2x128x64xf32, #tpu.memory_space<vmem>> -> memref<1x128x64xf32, #tpu.memory_space<vmem>>
        %gather3A_761 = tpu.memref_squeeze %gather3A_760 : memref<1x128x64xf32, #tpu.memory_space<vmem>> -> memref<128x64xf32, #tpu.memory_space<vmem>>
        %gather3A_762 = tpu.vector_load_idx %gather3A_761[%add3A_756, %broadcast_in_dim3A] : memref<128x64xf32, #tpu.memory_space<vmem>>[vector<16xi32>, vector<16xi32>], vector<16xf32>,
        %swap3A_763 = arith.constant 0 : i32
        %swap3A_764 = arith.index_cast %swap3A_763 : i32 to index
        %swap3A_765 = arith.index_cast %scan3A_713 : i32 to index
        %swap3A_766 = arith.constant 48 : index
        %swap3A_767 = tpu.vector_load %arg8[%swap3A_764, %swap3A_765, %swap3A_766] {strides = array<i32>} : memref<2x64x128xf32, #tpu.memory_space<vmem>>, vector<16xf32>,
        tpu.vector_store %arg8[%swap3A_764, %swap3A_765, %swap3A_766], %gather3A_762 {strides = array<i32>} : memref<2x64x128xf32, #tpu.memory_space<vmem>>, vector<16xf32>,
        %add3A_768 = arith.constant 64 : i32
        %add3A_769 = vector.broadcast %add3A_768 : i32 to vector<16xi32>
        %add3A_770 = arith.addi %iota3A, %add3A_769 : vector<16xi32>
        %gather3A_771 = arith.constant 0 : i32
        %gather3A_772 = arith.constant 0 : i32
        %gather3A_773 = arith.constant 0 : i32
        %gather3A_774 = tpu.memref_slice %arg7[%gather3A_771, %gather3A_772, %gather3A_773] : memref<2x128x64xf32, #tpu.memory_space<vmem>> -> memref<1x128x64xf32, #tpu.memory_space<vmem>>
        %gather3A_775 = tpu.memref_squeeze %gather3A_774 : memref<1x128x64xf32, #tpu.memory_space<vmem>> -> memref<128x64xf32, #tpu.memory_space<vmem>>
        %gather3A_776 = tpu.vector_load_idx %gather3A_775[%add3A_770, %broadcast_in_dim3A] : memref<128x64xf32, #tpu.memory_space<vmem>>[vector<16xi32>, vector<16xi32>], vector<16xf32>,
        %swap3A_777 = arith.constant 0 : i32
        %swap3A_778 = arith.index_cast %swap3A_777 : i32 to index
        %swap3A_779 = arith.index_cast %scan3A_713 : i32 to index
        %swap3A_780 = arith.constant 64 : index
        %swap3A_781 = tpu.vector_load %arg8[%swap3A_778, %swap3A_779, %swap3A_780] {strides = array<i32>} : memref<2x64x128xf32, #tpu.memory_space<vmem>>, vector<16xf32>,
        tpu.vector_store %arg8[%swap3A_778, %swap3A_779, %swap3A_780], %gather3A_776 {strides = array<i32>} : memref<2x64x128xf32, #tpu.memory_space<vmem>>, vector<16xf32>,
        %add3A_782 = arith.constant 80 : i32
        %add3A_783 = vector.broadcast %add3A_782 : i32 to vector<16xi32>
        %add3A_784 = arith.addi %iota3A, %add3A_783 : vector<16xi32>
        %gather3A_785 = arith.constant 0 : i32
        %gather3A_786 = arith.constant 0 : i32
        %gather3A_787 = arith.constant 0 : i32
        %gather3A_788 = tpu.memref_slice %arg7[%gather3A_785, %gather3A_786, %gather3A_787] : memref<2x128x64xf32, #tpu.memory_space<vmem>> -> memref<1x128x64xf32, #tpu.memory_space<vmem>>
        %gather3A_789 = tpu.memref_squeeze %gather3A_788 : memref<1x128x64xf32, #tpu.memory_space<vmem>> -> memref<128x64xf32, #tpu.memory_space<vmem>>
        %gather3A_790 = tpu.vector_load_idx %gather3A_789[%add3A_784, %broadcast_in_dim3A] : memref<128x64xf32, #tpu.memory_space<vmem>>[vector<16xi32>, vector<16xi32>], vector<16xf32>,
        %swap3A_791 = arith.constant 0 : i32
        %swap3A_792 = arith.index_cast %swap3A_791 : i32 to index
        %swap3A_793 = arith.index_cast %scan3A_713 : i32 to index
        %swap3A_794 = arith.constant 80 : index
        %swap3A_795 = tpu.vector_load %arg8[%swap3A_792, %swap3A_793, %swap3A_794] {strides = array<i32>} : memref<2x64x128xf32, #tpu.memory_space<vmem>>, vector<16xf32>,
        tpu.vector_store %arg8[%swap3A_792, %swap3A_793, %swap3A_794], %gather3A_790 {strides = array<i32>} : memref<2x64x128xf32, #tpu.memory_space<vmem>>, vector<16xf32>,
        %add3A_796 = arith.constant 96 : i32
        %add3A_797 = vector.broadcast %add3A_796 : i32 to vector<16xi32>
        %add3A_798 = arith.addi %iota3A, %add3A_797 : vector<16xi32>
        %gather3A_799 = arith.constant 0 : i32
        %gather3A_800 = arith.constant 0 : i32
        %gather3A_801 = arith.constant 0 : i32
        %gather3A_802 = tpu.memref_slice %arg7[%gather3A_799, %gather3A_800, %gather3A_801] : memref<2x128x64xf32, #tpu.memory_space<vmem>> -> memref<1x128x64xf32, #tpu.memory_space<vmem>>
        %gather3A_803 = tpu.memref_squeeze %gather3A_802 : memref<1x128x64xf32, #tpu.memory_space<vmem>> -> memref<128x64xf32, #tpu.memory_space<vmem>>
        %gather3A_804 = tpu.vector_load_idx %gather3A_803[%add3A_798, %broadcast_in_dim3A] : memref<128x64xf32, #tpu.memory_space<vmem>>[vector<16xi32>, vector<16xi32>], vector<16xf32>,
        %swap3A_805 = arith.constant 0 : i32
        %swap3A_806 = arith.index_cast %swap3A_805 : i32 to index
        %swap3A_807 = arith.index_cast %scan3A_713 : i32 to index
        %swap3A_808 = arith.constant 96 : index
        %swap3A_809 = tpu.vector_load %arg8[%swap3A_806, %swap3A_807, %swap3A_808] {strides = array<i32>} : memref<2x64x128xf32, #tpu.memory_space<vmem>>, vector<16xf32>,
        tpu.vector_store %arg8[%swap3A_806, %swap3A_807, %swap3A_808], %gather3A_804 {strides = array<i32>} : memref<2x64x128xf32, #tpu.memory_space<vmem>>, vector<16xf32>,
        %add3A_810 = arith.constant 112 : i32
        %add3A_811 = vector.broadcast %add3A_810 : i32 to vector<16xi32>
        %add3A_812 = arith.addi %iota3A, %add3A_811 : vector<16xi32>
        %gather3A_813 = arith.constant 0 : i32
        %gather3A_814 = arith.constant 0 : i32
        %gather3A_815 = arith.constant 0 : i32
        %gather3A_816 = tpu.memref_slice %arg7[%gather3A_813, %gather3A_814, %gather3A_815] : memref<2x128x64xf32, #tpu.memory_space<vmem>> -> memref<1x128x64xf32, #tpu.memory_space<vmem>>
        %gather3A_817 = tpu.memref_squeeze %gather3A_816 : memref<1x128x64xf32, #tpu.memory_space<vmem>> -> memref<128x64xf32, #tpu.memory_space<vmem>>
        %gather3A_818 = tpu.vector_load_idx %gather3A_817[%add3A_812, %broadcast_in_dim3A] : memref<128x64xf32, #tpu.memory_space<vmem>>[vector<16xi32>, vector<16xi32>], vector<16xf32>,
        %swap3A_819 = arith.constant 0 : i32
        %swap3A_820 = arith.index_cast %swap3A_819 : i32 to index
        %swap3A_821 = arith.index_cast %scan3A_713 : i32 to index
        %swap3A_822 = arith.constant 112 : index
        %swap3A_823 = tpu.vector_load %arg8[%swap3A_820, %swap3A_821, %swap3A_822] {strides = array<i32>} : memref<2x64x128xf32, #tpu.memory_space<vmem>>, vector<16xf32>,
        tpu.vector_store %arg8[%swap3A_820, %swap3A_821, %swap3A_822], %gather3A_818 {strides = array<i32>} : memref<2x64x128xf32, #tpu.memory_space<vmem>>, vector<16xf32>,
      }
      %scan3A_376 = arith.constant 64 : i32
      %shift_right_logical3A_377 = arith.constant 2 : i32
      %shift_right_logical3A_378 = arith.shrui %mul3A_350, %shift_right_logical3A_377 : i32
      %and3A_379 = arith.constant 3 : i32
      %and3A_380 = arith.andi %mul3A_350, %and3A_379 : i32
      %mul3A_381 = arith.constant 4 : i32
      %mul3A_382 = arith.muli %add3A, %mul3A_381 : i32
      %add3A_383 = arith.addi %mul3A_382, %and3A_380 : i32
      %dma_start3A_384 = arith.constant 0 : i32
      %dma_start3A_385 = arith.constant 0 : i32
      %dma_start3A_386 = arith.constant 0 : i32
      %dma_start3A_387 = arith.constant 0 : i32
      %dma_start3A_388 = tpu.memref_slice %arg8[%dma_start3A_384, %dma_start3A_386, %dma_start3A_387] : memref<2x64x128xf32, #tpu.memory_space<vmem>> -> memref<1x8x128xf32, #tpu.memory_space<vmem>>
      %dma_start3A_389 = tpu.memref_squeeze %dma_start3A_388 : memref<1x8x128xf32, #tpu.memory_space<vmem>> -> memref<8x128xf32, #tpu.memory_space<vmem>>
      %dma_start3A_390 = arith.constant 0 : i32
      %dma_start3A_391 = arith.constant 0 : i32
      %dma_start3A_392 = tpu.memref_slice %arg4[%shift_right_logical3A_378, %dma_start3A_385, %add3A_383, %dma_start3A_390, %dma_start3A_391] : memref<50x8x128x8x128xf32, #tpu.memory_space<hbm>> -> memref<1x1x1x8x128xf32, #tpu.memory_space<hbm>>
      %dma_start3A_393 = tpu.memref_squeeze %dma_start3A_392 : memref<1x1x1x8x128xf32, #tpu.memory_space<hbm>> -> memref<8x128xf32, #tpu.memory_space<hbm>>
      %dma_start3A_394 = arith.constant 0 : i32
      %dma_start3A_395 = arith.constant 0 : i32
      %dma_start3A_396 = tpu.memref_slice %arg4[%shift_right_logical3A_378, %dma_start3A_385, %add3A_383, %dma_start3A_394, %dma_start3A_395] : memref<50x8x128x8x128xf32, #tpu.memory_space<hbm>> -> memref<1x1x1x8x128xf32, #tpu.memory_space<hbm>>
      %dma_start3A_397 = tpu.memref_squeeze %dma_start3A_396 : memref<1x1x1x8x128xf32, #tpu.memory_space<hbm>> -> memref<8x128xf32, #tpu.memory_space<hbm>>
      %dma_start3A_398 = arith.constant 0 : i32
      %dma_start3A_399 = arith.constant 0 : i32
      %dma_start3A_400 = tpu.memref_slice %arg8[%dma_start3A_384, %dma_start3A_398, %dma_start3A_399] : memref<2x64x128xf32, #tpu.memory_space<vmem>> -> memref<1x8x128xf32, #tpu.memory_space<vmem>>
      %dma_start3A_401 = tpu.memref_squeeze %dma_start3A_400 : memref<1x8x128xf32, #tpu.memory_space<vmem>> -> memref<8x128xf32, #tpu.memory_space<vmem>>
      tpu.enqueue_dma source(%dma_start3A_401 : memref<8x128xf32, #tpu.memory_space<vmem>>) target(%dma_start3A_397 : memref<8x128xf32, #tpu.memory_space<hbm>>) target_semaphore(%arg11 : memref<!tpu.dma_semaphore, #tpu.memory_space<semaphore_mem>>)
      %dma_start3A_402 = arith.constant 0 : i32
      %dma_start3A_403 = arith.constant 1 : i32
      %dma_start3A_404 = arith.constant 8 : i32
      %dma_start3A_405 = arith.constant 0 : i32
      %dma_start3A_406 = tpu.memref_slice %arg8[%dma_start3A_402, %dma_start3A_404, %dma_start3A_405] : memref<2x64x128xf32, #tpu.memory_space<vmem>> -> memref<1x8x128xf32, #tpu.memory_space<vmem>>
      %dma_start3A_407 = tpu.memref_squeeze %dma_start3A_406 : memref<1x8x128xf32, #tpu.memory_space<vmem>> -> memref<8x128xf32, #tpu.memory_space<vmem>>
      %dma_start3A_408 = arith.constant 0 : i32
      %dma_start3A_409 = arith.constant 0 : i32
      %dma_start3A_410 = tpu.memref_slice %arg4[%shift_right_logical3A_378, %dma_start3A_403, %add3A_383, %dma_start3A_408, %dma_start3A_409] : memref<50x8x128x8x128xf32, #tpu.memory_space<hbm>> -> memref<1x1x1x8x128xf32, #tpu.memory_space<hbm>>
      %dma_start3A_411 = tpu.memref_squeeze %dma_start3A_410 : memref<1x1x1x8x128xf32, #tpu.memory_space<hbm>> -> memref<8x128xf32, #tpu.memory_space<hbm>>
      %dma_start3A_412 = arith.constant 0 : i32
      %dma_start3A_413 = arith.constant 0 : i32
      %dma_start3A_414 = tpu.memref_slice %arg4[%shift_right_logical3A_378, %dma_start3A_403, %add3A_383, %dma_start3A_412, %dma_start3A_413] : memref<50x8x128x8x128xf32, #tpu.memory_space<hbm>> -> memref<1x1x1x8x128xf32, #tpu.memory_space<hbm>>
      %dma_start3A_415 = tpu.memref_squeeze %dma_start3A_414 : memref<1x1x1x8x128xf32, #tpu.memory_space<hbm>> -> memref<8x128xf32, #tpu.memory_space<hbm>>
      %dma_start3A_416 = arith.constant 8 : i32
      %dma_start3A_417 = arith.constant 0 : i32
      %dma_start3A_418 = tpu.memref_slice %arg8[%dma_start3A_402, %dma_start3A_416, %dma_start3A_417] : memref<2x64x128xf32, #tpu.memory_space<vmem>> -> memref<1x8x128xf32, #tpu.memory_space<vmem>>
      %dma_start3A_419 = tpu.memref_squeeze %dma_start3A_418 : memref<1x8x128xf32, #tpu.memory_space<vmem>> -> memref<8x128xf32, #tpu.memory_space<vmem>>
      tpu.enqueue_dma source(%dma_start3A_419 : memref<8x128xf32, #tpu.memory_space<vmem>>) target(%dma_start3A_415 : memref<8x128xf32, #tpu.memory_space<hbm>>) target_semaphore(%arg11 : memref<!tpu.dma_semaphore, #tpu.memory_space<semaphore_mem>>)
      %dma_start3A_420 = arith.constant 0 : i32
      %dma_start3A_421 = arith.constant 2 : i32
      %dma_start3A_422 = arith.constant 16 : i32
      %dma_start3A_423 = arith.constant 0 : i32
      %dma_start3A_424 = tpu.memref_slice %arg8[%dma_start3A_420, %dma_start3A_422, %dma_start3A_423] : memref<2x64x128xf32, #tpu.memory_space<vmem>> -> memref<1x8x128xf32, #tpu.memory_space<vmem>>
      %dma_start3A_425 = tpu.memref_squeeze %dma_start3A_424 : memref<1x8x128xf32, #tpu.memory_space<vmem>> -> memref<8x128xf32, #tpu.memory_space<vmem>>
      %dma_start3A_426 = arith.constant 0 : i32
      %dma_start3A_427 = arith.constant 0 : i32
      %dma_start3A_428 = tpu.memref_slice %arg4[%shift_right_logical3A_378, %dma_start3A_421, %add3A_383, %dma_start3A_426, %dma_start3A_427] : memref<50x8x128x8x128xf32, #tpu.memory_space<hbm>> -> memref<1x1x1x8x128xf32, #tpu.memory_space<hbm>>
      %dma_start3A_429 = tpu.memref_squeeze %dma_start3A_428 : memref<1x1x1x8x128xf32, #tpu.memory_space<hbm>> -> memref<8x128xf32, #tpu.memory_space<hbm>>
      %dma_start3A_430 = arith.constant 0 : i32
      %dma_start3A_431 = arith.constant 0 : i32
      %dma_start3A_432 = tpu.memref_slice %arg4[%shift_right_logical3A_378, %dma_start3A_421, %add3A_383, %dma_start3A_430, %dma_start3A_431] : memref<50x8x128x8x128xf32, #tpu.memory_space<hbm>> -> memref<1x1x1x8x128xf32, #tpu.memory_space<hbm>>
      %dma_start3A_433 = tpu.memref_squeeze %dma_start3A_432 : memref<1x1x1x8x128xf32, #tpu.memory_space<hbm>> -> memref<8x128xf32, #tpu.memory_space<hbm>>
      %dma_start3A_434 = arith.constant 16 : i32
      %dma_start3A_435 = arith.constant 0 : i32
      %dma_start3A_436 = tpu.memref_slice %arg8[%dma_start3A_420, %dma_start3A_434, %dma_start3A_435] : memref<2x64x128xf32, #tpu.memory_space<vmem>> -> memref<1x8x128xf32, #tpu.memory_space<vmem>>
      %dma_start3A_437 = tpu.memref_squeeze %dma_start3A_436 : memref<1x8x128xf32, #tpu.memory_space<vmem>> -> memref<8x128xf32, #tpu.memory_space<vmem>>
      tpu.enqueue_dma source(%dma_start3A_437 : memref<8x128xf32, #tpu.memory_space<vmem>>) target(%dma_start3A_433 : memref<8x128xf32, #tpu.memory_space<hbm>>) target_semaphore(%arg11 : memref<!tpu.dma_semaphore, #tpu.memory_space<semaphore_mem>>)
      %dma_start3A_438 = arith.constant 0 : i32
      %dma_start3A_439 = arith.constant 3 : i32
      %dma_start3A_440 = arith.constant 24 : i32
      %dma_start3A_441 = arith.constant 0 : i32
      %dma_start3A_442 = tpu.memref_slice %arg8[%dma_start3A_438, %dma_start3A_440, %dma_start3A_441] : memref<2x64x128xf32, #tpu.memory_space<vmem>> -> memref<1x8x128xf32, #tpu.memory_space<vmem>>
      %dma_start3A_443 = tpu.memref_squeeze %dma_start3A_442 : memref<1x8x128xf32, #tpu.memory_space<vmem>> -> memref<8x128xf32, #tpu.memory_space<vmem>>
      %dma_start3A_444 = arith.constant 0 : i32
      %dma_start3A_445 = arith.constant 0 : i32
      %dma_start3A_446 = tpu.memref_slice %arg4[%shift_right_logical3A_378, %dma_start3A_439, %add3A_383, %dma_start3A_444, %dma_start3A_445] : memref<50x8x128x8x128xf32, #tpu.memory_space<hbm>> -> memref<1x1x1x8x128xf32, #tpu.memory_space<hbm>>
      %dma_start3A_447 = tpu.memref_squeeze %dma_start3A_446 : memref<1x1x1x8x128xf32, #tpu.memory_space<hbm>> -> memref<8x128xf32, #tpu.memory_space<hbm>>
      %dma_start3A_448 = arith.constant 0 : i32
      %dma_start3A_449 = arith.constant 0 : i32
      %dma_start3A_450 = tpu.memref_slice %arg4[%shift_right_logical3A_378, %dma_start3A_439, %add3A_383, %dma_start3A_448, %dma_start3A_449] : memref<50x8x128x8x128xf32, #tpu.memory_space<hbm>> -> memref<1x1x1x8x128xf32, #tpu.memory_space<hbm>>
      %dma_start3A_451 = tpu.memref_squeeze %dma_start3A_450 : memref<1x1x1x8x128xf32, #tpu.memory_space<hbm>> -> memref<8x128xf32, #tpu.memory_space<hbm>>
      %dma_start3A_452 = arith.constant 24 : i32
      %dma_start3A_453 = arith.constant 0 : i32
      %dma_start3A_454 = tpu.memref_slice %arg8[%dma_start3A_438, %dma_start3A_452, %dma_start3A_453] : memref<2x64x128xf32, #tpu.memory_space<vmem>> -> memref<1x8x128xf32, #tpu.memory_space<vmem>>
      %dma_start3A_455 = tpu.memref_squeeze %dma_start3A_454 : memref<1x8x128xf32, #tpu.memory_space<vmem>> -> memref<8x128xf32, #tpu.memory_space<vmem>>
      tpu.enqueue_dma source(%dma_start3A_455 : memref<8x128xf32, #tpu.memory_space<vmem>>) target(%dma_start3A_451 : memref<8x128xf32, #tpu.memory_space<hbm>>) target_semaphore(%arg11 : memref<!tpu.dma_semaphore, #tpu.memory_space<semaphore_mem>>)
      %dma_start3A_456 = arith.constant 0 : i32
      %dma_start3A_457 = arith.constant 4 : i32
      %dma_start3A_458 = arith.constant 32 : i32
      %dma_start3A_459 = arith.constant 0 : i32
      %dma_start3A_460 = tpu.memref_slice %arg8[%dma_start3A_456, %dma_start3A_458, %dma_start3A_459] : memref<2x64x128xf32, #tpu.memory_space<vmem>> -> memref<1x8x128xf32, #tpu.memory_space<vmem>>
      %dma_start3A_461 = tpu.memref_squeeze %dma_start3A_460 : memref<1x8x128xf32, #tpu.memory_space<vmem>> -> memref<8x128xf32, #tpu.memory_space<vmem>>
      %dma_start3A_462 = arith.constant 0 : i32
      %dma_start3A_463 = arith.constant 0 : i32
      %dma_start3A_464 = tpu.memref_slice %arg4[%shift_right_logical3A_378, %dma_start3A_457, %add3A_383, %dma_start3A_462, %dma_start3A_463] : memref<50x8x128x8x128xf32, #tpu.memory_space<hbm>> -> memref<1x1x1x8x128xf32, #tpu.memory_space<hbm>>
      %dma_start3A_465 = tpu.memref_squeeze %dma_start3A_464 : memref<1x1x1x8x128xf32, #tpu.memory_space<hbm>> -> memref<8x128xf32, #tpu.memory_space<hbm>>
      %dma_start3A_466 = arith.constant 0 : i32
      %dma_start3A_467 = arith.constant 0 : i32
      %dma_start3A_468 = tpu.memref_slice %arg4[%shift_right_logical3A_378, %dma_start3A_457, %add3A_383, %dma_start3A_466, %dma_start3A_467] : memref<50x8x128x8x128xf32, #tpu.memory_space<hbm>> -> memref<1x1x1x8x128xf32, #tpu.memory_space<hbm>>
      %dma_start3A_469 = tpu.memref_squeeze %dma_start3A_468 : memref<1x1x1x8x128xf32, #tpu.memory_space<hbm>> -> memref<8x128xf32, #tpu.memory_space<hbm>>
      %dma_start3A_470 = arith.constant 32 : i32
      %dma_start3A_471 = arith.constant 0 : i32
      %dma_start3A_472 = tpu.memref_slice %arg8[%dma_start3A_456, %dma_start3A_470, %dma_start3A_471] : memref<2x64x128xf32, #tpu.memory_space<vmem>> -> memref<1x8x128xf32, #tpu.memory_space<vmem>>
      %dma_start3A_473 = tpu.memref_squeeze %dma_start3A_472 : memref<1x8x128xf32, #tpu.memory_space<vmem>> -> memref<8x128xf32, #tpu.memory_space<vmem>>
      tpu.enqueue_dma source(%dma_start3A_473 : memref<8x128xf32, #tpu.memory_space<vmem>>) target(%dma_start3A_469 : memref<8x128xf32, #tpu.memory_space<hbm>>) target_semaphore(%arg11 : memref<!tpu.dma_semaphore, #tpu.memory_space<semaphore_mem>>)
      %dma_start3A_474 = arith.constant 0 : i32
      %dma_start3A_475 = arith.constant 5 : i32
      %dma_start3A_476 = arith.constant 40 : i32
      %dma_start3A_477 = arith.constant 0 : i32
      %dma_start3A_478 = tpu.memref_slice %arg8[%dma_start3A_474, %dma_start3A_476, %dma_start3A_477] : memref<2x64x128xf32, #tpu.memory_space<vmem>> -> memref<1x8x128xf32, #tpu.memory_space<vmem>>
      %dma_start3A_479 = tpu.memref_squeeze %dma_start3A_478 : memref<1x8x128xf32, #tpu.memory_space<vmem>> -> memref<8x128xf32, #tpu.memory_space<vmem>>
      %dma_start3A_480 = arith.constant 0 : i32
      %dma_start3A_481 = arith.constant 0 : i32
      %dma_start3A_482 = tpu.memref_slice %arg4[%shift_right_logical3A_378, %dma_start3A_475, %add3A_383, %dma_start3A_480, %dma_start3A_481] : memref<50x8x128x8x128xf32, #tpu.memory_space<hbm>> -> memref<1x1x1x8x128xf32, #tpu.memory_space<hbm>>
      %dma_start3A_483 = tpu.memref_squeeze %dma_start3A_482 : memref<1x1x1x8x128xf32, #tpu.memory_space<hbm>> -> memref<8x128xf32, #tpu.memory_space<hbm>>
      %dma_start3A_484 = arith.constant 0 : i32
      %dma_start3A_485 = arith.constant 0 : i32
      %dma_start3A_486 = tpu.memref_slice %arg4[%shift_right_logical3A_378, %dma_start3A_475, %add3A_383, %dma_start3A_484, %dma_start3A_485] : memref<50x8x128x8x128xf32, #tpu.memory_space<hbm>> -> memref<1x1x1x8x128xf32, #tpu.memory_space<hbm>>
      %dma_start3A_487 = tpu.memref_squeeze %dma_start3A_486 : memref<1x1x1x8x128xf32, #tpu.memory_space<hbm>> -> memref<8x128xf32, #tpu.memory_space<hbm>>
      %dma_start3A_488 = arith.constant 40 : i32
      %dma_start3A_489 = arith.constant 0 : i32
      %dma_start3A_490 = tpu.memref_slice %arg8[%dma_start3A_474, %dma_start3A_488, %dma_start3A_489] : memref<2x64x128xf32, #tpu.memory_space<vmem>> -> memref<1x8x128xf32, #tpu.memory_space<vmem>>
      %dma_start3A_491 = tpu.memref_squeeze %dma_start3A_490 : memref<1x8x128xf32, #tpu.memory_space<vmem>> -> memref<8x128xf32, #tpu.memory_space<vmem>>
      tpu.enqueue_dma source(%dma_start3A_491 : memref<8x128xf32, #tpu.memory_space<vmem>>) target(%dma_start3A_487 : memref<8x128xf32, #tpu.memory_space<hbm>>) target_semaphore(%arg11 : memref<!tpu.dma_semaphore, #tpu.memory_space<semaphore_mem>>)
      %dma_start3A_492 = arith.constant 0 : i32
      %dma_start3A_493 = arith.constant 6 : i32
      %dma_start3A_494 = arith.constant 48 : i32
      %dma_start3A_495 = arith.constant 0 : i32
      %dma_start3A_496 = tpu.memref_slice %arg8[%dma_start3A_492, %dma_start3A_494, %dma_start3A_495] : memref<2x64x128xf32, #tpu.memory_space<vmem>> -> memref<1x8x128xf32, #tpu.memory_space<vmem>>
      %dma_start3A_497 = tpu.memref_squeeze %dma_start3A_496 : memref<1x8x128xf32, #tpu.memory_space<vmem>> -> memref<8x128xf32, #tpu.memory_space<vmem>>
      %dma_start3A_498 = arith.constant 0 : i32
      %dma_start3A_499 = arith.constant 0 : i32
      %dma_start3A_500 = tpu.memref_slice %arg4[%shift_right_logical3A_378, %dma_start3A_493, %add3A_383, %dma_start3A_498, %dma_start3A_499] : memref<50x8x128x8x128xf32, #tpu.memory_space<hbm>> -> memref<1x1x1x8x128xf32, #tpu.memory_space<hbm>>
      %dma_start3A_501 = tpu.memref_squeeze %dma_start3A_500 : memref<1x1x1x8x128xf32, #tpu.memory_space<hbm>> -> memref<8x128xf32, #tpu.memory_space<hbm>>
      %dma_start3A_502 = arith.constant 0 : i32
      %dma_start3A_503 = arith.constant 0 : i32
      %dma_start3A_504 = tpu.memref_slice %arg4[%shift_right_logical3A_378, %dma_start3A_493, %add3A_383, %dma_start3A_502, %dma_start3A_503] : memref<50x8x128x8x128xf32, #tpu.memory_space<hbm>> -> memref<1x1x1x8x128xf32, #tpu.memory_space<hbm>>
      %dma_start3A_505 = tpu.memref_squeeze %dma_start3A_504 : memref<1x1x1x8x128xf32, #tpu.memory_space<hbm>> -> memref<8x128xf32, #tpu.memory_space<hbm>>
      %dma_start3A_506 = arith.constant 48 : i32
      %dma_start3A_507 = arith.constant 0 : i32
      %dma_start3A_508 = tpu.memref_slice %arg8[%dma_start3A_492, %dma_start3A_506, %dma_start3A_507] : memref<2x64x128xf32, #tpu.memory_space<vmem>> -> memref<1x8x128xf32, #tpu.memory_space<vmem>>
      %dma_start3A_509 = tpu.memref_squeeze %dma_start3A_508 : memref<1x8x128xf32, #tpu.memory_space<vmem>> -> memref<8x128xf32, #tpu.memory_space<vmem>>
      tpu.enqueue_dma source(%dma_start3A_509 : memref<8x128xf32, #tpu.memory_space<vmem>>) target(%dma_start3A_505 : memref<8x128xf32, #tpu.memory_space<hbm>>) target_semaphore(%arg11 : memref<!tpu.dma_semaphore, #tpu.memory_space<semaphore_mem>>)
      %dma_start3A_510 = arith.constant 0 : i32
      %dma_start3A_511 = arith.constant 7 : i32
      %dma_start3A_512 = arith.constant 56 : i32
      %dma_start3A_513 = arith.constant 0 : i32
      %dma_start3A_514 = tpu.memref_slice %arg8[%dma_start3A_510, %dma_start3A_512, %dma_start3A_513] : memref<2x64x128xf32, #tpu.memory_space<vmem>> -> memref<1x8x128xf32, #tpu.memory_space<vmem>>
      %dma_start3A_515 = tpu.memref_squeeze %dma_start3A_514 : memref<1x8x128xf32, #tpu.memory_space<vmem>> -> memref<8x128xf32, #tpu.memory_space<vmem>>
      %dma_start3A_516 = arith.constant 0 : i32
      %dma_start3A_517 = arith.constant 0 : i32
      %dma_start3A_518 = tpu.memref_slice %arg4[%shift_right_logical3A_378, %dma_start3A_511, %add3A_383, %dma_start3A_516, %dma_start3A_517] : memref<50x8x128x8x128xf32, #tpu.memory_space<hbm>> -> memref<1x1x1x8x128xf32, #tpu.memory_space<hbm>>
      %dma_start3A_519 = tpu.memref_squeeze %dma_start3A_518 : memref<1x1x1x8x128xf32, #tpu.memory_space<hbm>> -> memref<8x128xf32, #tpu.memory_space<hbm>>
      %dma_start3A_520 = arith.constant 0 : i32
      %dma_start3A_521 = arith.constant 0 : i32
      %dma_start3A_522 = tpu.memref_slice %arg4[%shift_right_logical3A_378, %dma_start3A_511, %add3A_383, %dma_start3A_520, %dma_start3A_521] : memref<50x8x128x8x128xf32, #tpu.memory_space<hbm>> -> memref<1x1x1x8x128xf32, #tpu.memory_space<hbm>>
      %dma_start3A_523 = tpu.memref_squeeze %dma_start3A_522 : memref<1x1x1x8x128xf32, #tpu.memory_space<hbm>> -> memref<8x128xf32, #tpu.memory_space<hbm>>
      %dma_start3A_524 = arith.constant 56 : i32
      %dma_start3A_525 = arith.constant 0 : i32
      %dma_start3A_526 = tpu.memref_slice %arg8[%dma_start3A_510, %dma_start3A_524, %dma_start3A_525] : memref<2x64x128xf32, #tpu.memory_space<vmem>> -> memref<1x8x128xf32, #tpu.memory_space<vmem>>
      %dma_start3A_527 = tpu.memref_squeeze %dma_start3A_526 : memref<1x8x128xf32, #tpu.memory_space<vmem>> -> memref<8x128xf32, #tpu.memory_space<vmem>>
      tpu.enqueue_dma source(%dma_start3A_527 : memref<8x128xf32, #tpu.memory_space<vmem>>) target(%dma_start3A_523 : memref<8x128xf32, #tpu.memory_space<hbm>>) target_semaphore(%arg11 : memref<!tpu.dma_semaphore, #tpu.memory_space<semaphore_mem>>)
      %mul3A_528 = arith.constant 2 : i32
      %mul3A_529 = arith.muli %mul3A_528, %scan3A_348 : i32
      %add3A_530 = arith.constant 1 : i32
      %add3A_531 = arith.addi %mul3A_529, %add3A_530 : i32
      %add3A_532 = arith.constant 1 : i32
      %add3A_533 = arith.addi %add3A_531, %add3A_532 : i32
      %lt3A_534 = arith.constant 200 : i32
      %lt3A_535 = arith.cmpi slt, %add3A_533, %lt3A_534 : i32
      %convert_element_type3A_536 = arith.extui %lt3A_535 : i1 to i32
      %cond3A_537 = arith.constant 0 : i32
      %cond3A_538 = arith.cmpi ne, %convert_element_type3A_536, %cond3A_537 : i32
      scf.if %cond3A_538 {
        %add3A_713 = arith.constant 1 : i32
        %add3A_714 = arith.addi %add3A_531, %add3A_713 : i32
        %shift_right_logical3A_715 = arith.constant 2 : i32
        %shift_right_logical3A_716 = arith.shrui %add3A_714, %shift_right_logical3A_715 : i32
        %and3A_717 = arith.constant 3 : i32
        %and3A_718 = arith.andi %add3A_714, %and3A_717 : i32
        %mul3A_719 = arith.constant 128 : i32
        %mul3A_720 = arith.muli %mul3A_719, %and3A_718 : i32
        %dma_start3A_721 = arith.constant 0 : i32
        %dma_start3A_722 = arith.constant 0 : i32
        %dma_start3A_723 = arith.constant 0 : i32
        %dma_start3A_724 = tpu.memref_slice %arg7[%dma_start3A_721, %dma_start3A_722, %dma_start3A_723] : memref<2x128x64xf32, #tpu.memory_space<vmem>> -> memref<1x128x64xf32, #tpu.memory_space<vmem>>
        %dma_start3A_725 = tpu.memref_squeeze %dma_start3A_724 : memref<1x128x64xf32, #tpu.memory_space<vmem>> -> memref<128x64xf32, #tpu.memory_space<vmem>>
        %dma_start3A_726 = tpu.memref_slice %arg6[%shift_right_logical3A_716, %mul3A_720] : memref<50x512xi32, #tpu.memory_space<vmem>> -> memref<1x128xi32, #tpu.memory_space<vmem>>
        %dma_start3A_727 = tpu.memref_squeeze %dma_start3A_726 : memref<1x128xi32, #tpu.memory_space<vmem>> -> memref<128xi32, #tpu.memory_space<vmem>>
        %dma_start3A_728 = arith.constant 0 : i32
        %dma_start3A_729 = arith.constant 0 : i32
        %dma_start3A_730 = tpu.memref_slice %arg3[%dma_start3A_728, %dma_start3A_729] : memref<1000000x64xf32, #tpu.memory_space<hbm>> -> memref<1000000x64xf32, #tpu.memory_space<hbm>>
        tpu.enqueue_indirect_dma source(%dma_start3A_730 : memref<1000000x64xf32, #tpu.memory_space<hbm>>) target(%dma_start3A_725 : memref<128x64xf32, #tpu.memory_space<vmem>>) offsets(%dma_start3A_727 : memref<128xi32, #tpu.memory_space<vmem>>) semaphore(%arg9 : memref<!tpu.dma_semaphore, #tpu.memory_space<semaphore_mem>>)
      } else {
      }
      %dma_wait3A_539 = arith.constant 0 : i32
      %dma_wait3A_540 = arith.constant 1 : i32
      %dma_wait3A_541 = arith.constant 0 : i32
      %dma_wait3A_542 = arith.constant 0 : i32
      %dma_wait3A_543 = tpu.memref_slice %arg7[%dma_wait3A_540, %dma_wait3A_541, %dma_wait3A_542] : memref<2x128x64xf32, #tpu.memory_space<vmem>> -> memref<1x128x64xf32, #tpu.memory_space<vmem>>
      %dma_wait3A_544 = tpu.memref_squeeze %dma_wait3A_543 : memref<1x128x64xf32, #tpu.memory_space<vmem>> -> memref<128x64xf32, #tpu.memory_space<vmem>>
      %dma_wait3A_545 = arith.constant 0 : i32
      %dma_wait3A_546 = tpu.memref_slice %arg6[%dma_wait3A_539, %dma_wait3A_545] : memref<50x512xi32, #tpu.memory_space<vmem>> -> memref<1x128xi32, #tpu.memory_space<vmem>>
      %dma_wait3A_547 = tpu.memref_squeeze %dma_wait3A_546 : memref<1x128xi32, #tpu.memory_space<vmem>> -> memref<128xi32, #tpu.memory_space<vmem>>
      %dma_wait3A_548 = arith.constant 0 : i32
      %dma_wait3A_549 = arith.constant 0 : i32
      %dma_wait3A_550 = tpu.memref_slice %arg3[%dma_wait3A_548, %dma_wait3A_549] : memref<1000000x64xf32, #tpu.memory_space<hbm>> -> memref<1000000x64xf32, #tpu.memory_space<hbm>>
      tpu.wait_indirect_dma semaphore(%arg10 : memref<!tpu.dma_semaphore, #tpu.memory_space<semaphore_mem>>) src(%dma_wait3A_550 : memref<1000000x64xf32, #tpu.memory_space<hbm>>) dst(%dma_wait3A_544 : memref<128x64xf32, #tpu.memory_space<vmem>>)
      %ge3A_551 = arith.constant 2 : i32
      %ge3A_552 = arith.cmpi sge, %add3A_531, %ge3A_551 : i32
      %convert_element_type3A_553 = arith.extui %ge3A_552 : i1 to i32
      %cond3A_554 = arith.constant 0 : i32
      %cond3A_555 = arith.cmpi ne, %convert_element_type3A_553, %cond3A_554 : i32
      scf.if %cond3A_555 {
        %dma_wait3A_713 = arith.constant 1 : i32
        %dma_wait3A_714 = arith.constant 0 : i32
        %dma_wait3A_715 = arith.constant 0 : i32
        %dma_wait3A_716 = arith.constant 0 : i32
        %dma_wait3A_717 = arith.constant 0 : i32
        %dma_wait3A_718 = arith.constant 0 : i32
        %dma_wait3A_719 = tpu.memref_slice %arg8[%dma_wait3A_713, %dma_wait3A_717, %dma_wait3A_718] : memref<2x64x128xf32, #tpu.memory_space<vmem>> -> memref<1x8x128xf32, #tpu.memory_space<vmem>>
        %dma_wait3A_720 = tpu.memref_squeeze %dma_wait3A_719 : memref<1x8x128xf32, #tpu.memory_space<vmem>> -> memref<8x128xf32, #tpu.memory_space<vmem>>
        %dma_wait3A_721 = arith.constant 0 : i32
        %dma_wait3A_722 = arith.constant 0 : i32
        %dma_wait3A_723 = tpu.memref_slice %arg4[%dma_wait3A_714, %dma_wait3A_715, %dma_wait3A_716, %dma_wait3A_721, %dma_wait3A_722] : memref<50x8x128x8x128xf32, #tpu.memory_space<hbm>> -> memref<1x1x1x8x128xf32, #tpu.memory_space<hbm>>
        %dma_wait3A_724 = tpu.memref_squeeze %dma_wait3A_723 : memref<1x1x1x8x128xf32, #tpu.memory_space<hbm>> -> memref<8x128xf32, #tpu.memory_space<hbm>>
        %dma_wait3A_725 = arith.constant 0 : i32
        %dma_wait3A_726 = arith.constant 0 : i32
        %dma_wait3A_727 = tpu.memref_slice %arg4[%dma_wait3A_714, %dma_wait3A_715, %dma_wait3A_716, %dma_wait3A_725, %dma_wait3A_726] : memref<50x8x128x8x128xf32, #tpu.memory_space<hbm>> -> memref<1x1x1x8x128xf32, #tpu.memory_space<hbm>>
        %dma_wait3A_728 = tpu.memref_squeeze %dma_wait3A_727 : memref<1x1x1x8x128xf32, #tpu.memory_space<hbm>> -> memref<8x128xf32, #tpu.memory_space<hbm>>
        %dma_wait3A_729 = arith.constant 0 : i32
        %dma_wait3A_730 = arith.constant 0 : i32
        %dma_wait3A_731 = tpu.memref_slice %arg8[%dma_wait3A_713, %dma_wait3A_729, %dma_wait3A_730] : memref<2x64x128xf32, #tpu.memory_space<vmem>> -> memref<1x8x128xf32, #tpu.memory_space<vmem>>
        %dma_wait3A_732 = tpu.memref_squeeze %dma_wait3A_731 : memref<1x8x128xf32, #tpu.memory_space<vmem>> -> memref<8x128xf32, #tpu.memory_space<vmem>>
        tpu.wait_dma2 semaphore(%arg12 : memref<!tpu.dma_semaphore, #tpu.memory_space<semaphore_mem>>) src(%dma_wait3A_732 : memref<8x128xf32, #tpu.memory_space<vmem>>) dst(%dma_wait3A_728 : memref<8x128xf32, #tpu.memory_space<hbm>>)
        %dma_wait3A_733 = arith.constant 1 : i32
        %dma_wait3A_734 = arith.constant 0 : i32
        %dma_wait3A_735 = arith.constant 0 : i32
        %dma_wait3A_736 = arith.constant 0 : i32
        %dma_wait3A_737 = arith.constant 0 : i32
        %dma_wait3A_738 = arith.constant 0 : i32
        %dma_wait3A_739 = tpu.memref_slice %arg8[%dma_wait3A_733, %dma_wait3A_737, %dma_wait3A_738] : memref<2x64x128xf32, #tpu.memory_space<vmem>> -> memref<1x8x128xf32, #tpu.memory_space<vmem>>
        %dma_wait3A_740 = tpu.memref_squeeze %dma_wait3A_739 : memref<1x8x128xf32, #tpu.memory_space<vmem>> -> memref<8x128xf32, #tpu.memory_space<vmem>>
        %dma_wait3A_741 = arith.constant 0 : i32
        %dma_wait3A_742 = arith.constant 0 : i32
        %dma_wait3A_743 = tpu.memref_slice %arg4[%dma_wait3A_734, %dma_wait3A_735, %dma_wait3A_736, %dma_wait3A_741, %dma_wait3A_742] : memref<50x8x128x8x128xf32, #tpu.memory_space<hbm>> -> memref<1x1x1x8x128xf32, #tpu.memory_space<hbm>>
        %dma_wait3A_744 = tpu.memref_squeeze %dma_wait3A_743 : memref<1x1x1x8x128xf32, #tpu.memory_space<hbm>> -> memref<8x128xf32, #tpu.memory_space<hbm>>
        %dma_wait3A_745 = arith.constant 0 : i32
        %dma_wait3A_746 = arith.constant 0 : i32
        %dma_wait3A_747 = tpu.memref_slice %arg4[%dma_wait3A_734, %dma_wait3A_735, %dma_wait3A_736, %dma_wait3A_745, %dma_wait3A_746] : memref<50x8x128x8x128xf32, #tpu.memory_space<hbm>> -> memref<1x1x1x8x128xf32, #tpu.memory_space<hbm>>
        %dma_wait3A_748 = tpu.memref_squeeze %dma_wait3A_747 : memref<1x1x1x8x128xf32, #tpu.memory_space<hbm>> -> memref<8x128xf32, #tpu.memory_space<hbm>>
        %dma_wait3A_749 = arith.constant 0 : i32
        %dma_wait3A_750 = arith.constant 0 : i32
        %dma_wait3A_751 = tpu.memref_slice %arg8[%dma_wait3A_733, %dma_wait3A_749, %dma_wait3A_750] : memref<2x64x128xf32, #tpu.memory_space<vmem>> -> memref<1x8x128xf32, #tpu.memory_space<vmem>>
        %dma_wait3A_752 = tpu.memref_squeeze %dma_wait3A_751 : memref<1x8x128xf32, #tpu.memory_space<vmem>> -> memref<8x128xf32, #tpu.memory_space<vmem>>
        tpu.wait_dma2 semaphore(%arg12 : memref<!tpu.dma_semaphore, #tpu.memory_space<semaphore_mem>>) src(%dma_wait3A_752 : memref<8x128xf32, #tpu.memory_space<vmem>>) dst(%dma_wait3A_748 : memref<8x128xf32, #tpu.memory_space<hbm>>)
        %dma_wait3A_753 = arith.constant 1 : i32
        %dma_wait3A_754 = arith.constant 0 : i32
        %dma_wait3A_755 = arith.constant 0 : i32
        %dma_wait3A_756 = arith.constant 0 : i32
        %dma_wait3A_757 = arith.constant 0 : i32
        %dma_wait3A_758 = arith.constant 0 : i32
        %dma_wait3A_759 = tpu.memref_slice %arg8[%dma_wait3A_753, %dma_wait3A_757, %dma_wait3A_758] : memref<2x64x128xf32, #tpu.memory_space<vmem>> -> memref<1x8x128xf32, #tpu.memory_space<vmem>>
        %dma_wait3A_760 = tpu.memref_squeeze %dma_wait3A_759 : memref<1x8x128xf32, #tpu.memory_space<vmem>> -> memref<8x128xf32, #tpu.memory_space<vmem>>
        %dma_wait3A_761 = arith.constant 0 : i32
        %dma_wait3A_762 = arith.constant 0 : i32
        %dma_wait3A_763 = tpu.memref_slice %arg4[%dma_wait3A_754, %dma_wait3A_755, %dma_wait3A_756, %dma_wait3A_761, %dma_wait3A_762] : memref<50x8x128x8x128xf32, #tpu.memory_space<hbm>> -> memref<1x1x1x8x128xf32, #tpu.memory_space<hbm>>
        %dma_wait3A_764 = tpu.memref_squeeze %dma_wait3A_763 : memref<1x1x1x8x128xf32, #tpu.memory_space<hbm>> -> memref<8x128xf32, #tpu.memory_space<hbm>>
        %dma_wait3A_765 = arith.constant 0 : i32
        %dma_wait3A_766 = arith.constant 0 : i32
        %dma_wait3A_767 = tpu.memref_slice %arg4[%dma_wait3A_754, %dma_wait3A_755, %dma_wait3A_756, %dma_wait3A_765, %dma_wait3A_766] : memref<50x8x128x8x128xf32, #tpu.memory_space<hbm>> -> memref<1x1x1x8x128xf32, #tpu.memory_space<hbm>>
        %dma_wait3A_768 = tpu.memref_squeeze %dma_wait3A_767 : memref<1x1x1x8x128xf32, #tpu.memory_space<hbm>> -> memref<8x128xf32, #tpu.memory_space<hbm>>
        %dma_wait3A_769 = arith.constant 0 : i32
        %dma_wait3A_770 = arith.constant 0 : i32
        %dma_wait3A_771 = tpu.memref_slice %arg8[%dma_wait3A_753, %dma_wait3A_769, %dma_wait3A_770] : memref<2x64x128xf32, #tpu.memory_space<vmem>> -> memref<1x8x128xf32, #tpu.memory_space<vmem>>
        %dma_wait3A_772 = tpu.memref_squeeze %dma_wait3A_771 : memref<1x8x128xf32, #tpu.memory_space<vmem>> -> memref<8x128xf32, #tpu.memory_space<vmem>>
        tpu.wait_dma2 semaphore(%arg12 : memref<!tpu.dma_semaphore, #tpu.memory_space<semaphore_mem>>) src(%dma_wait3A_772 : memref<8x128xf32, #tpu.memory_space<vmem>>) dst(%dma_wait3A_768 : memref<8x128xf32, #tpu.memory_space<hbm>>)
        %dma_wait3A_773 = arith.constant 1 : i32
        %dma_wait3A_774 = arith.constant 0 : i32
        %dma_wait3A_775 = arith.constant 0 : i32
        %dma_wait3A_776 = arith.constant 0 : i32
        %dma_wait3A_777 = arith.constant 0 : i32
        %dma_wait3A_778 = arith.constant 0 : i32
        %dma_wait3A_779 = tpu.memref_slice %arg8[%dma_wait3A_773, %dma_wait3A_777, %dma_wait3A_778] : memref<2x64x128xf32, #tpu.memory_space<vmem>> -> memref<1x8x128xf32, #tpu.memory_space<vmem>>
        %dma_wait3A_780 = tpu.memref_squeeze %dma_wait3A_779 : memref<1x8x128xf32, #tpu.memory_space<vmem>> -> memref<8x128xf32, #tpu.memory_space<vmem>>
        %dma_wait3A_781 = arith.constant 0 : i32
        %dma_wait3A_782 = arith.constant 0 : i32
        %dma_wait3A_783 = tpu.memref_slice %arg4[%dma_wait3A_774, %dma_wait3A_775, %dma_wait3A_776, %dma_wait3A_781, %dma_wait3A_782] : memref<50x8x128x8x128xf32, #tpu.memory_space<hbm>> -> memref<1x1x1x8x128xf32, #tpu.memory_space<hbm>>
        %dma_wait3A_784 = tpu.memref_squeeze %dma_wait3A_783 : memref<1x1x1x8x128xf32, #tpu.memory_space<hbm>> -> memref<8x128xf32, #tpu.memory_space<hbm>>
        %dma_wait3A_785 = arith.constant 0 : i32
        %dma_wait3A_786 = arith.constant 0 : i32
        %dma_wait3A_787 = tpu.memref_slice %arg4[%dma_wait3A_774, %dma_wait3A_775, %dma_wait3A_776, %dma_wait3A_785, %dma_wait3A_786] : memref<50x8x128x8x128xf32, #tpu.memory_space<hbm>> -> memref<1x1x1x8x128xf32, #tpu.memory_space<hbm>>
        %dma_wait3A_788 = tpu.memref_squeeze %dma_wait3A_787 : memref<1x1x1x8x128xf32, #tpu.memory_space<hbm>> -> memref<8x128xf32, #tpu.memory_space<hbm>>
        %dma_wait3A_789 = arith.constant 0 : i32
        %dma_wait3A_790 = arith.constant 0 : i32
        %dma_wait3A_791 = tpu.memref_slice %arg8[%dma_wait3A_773, %dma_wait3A_789, %dma_wait3A_790] : memref<2x64x128xf32, #tpu.memory_space<vmem>> -> memref<1x8x128xf32, #tpu.memory_space<vmem>>
        %dma_wait3A_792 = tpu.memref_squeeze %dma_wait3A_791 : memref<1x8x128xf32, #tpu.memory_space<vmem>> -> memref<8x128xf32, #tpu.memory_space<vmem>>
        tpu.wait_dma2 semaphore(%arg12 : memref<!tpu.dma_semaphore, #tpu.memory_space<semaphore_mem>>) src(%dma_wait3A_792 : memref<8x128xf32, #tpu.memory_space<vmem>>) dst(%dma_wait3A_788 : memref<8x128xf32, #tpu.memory_space<hbm>>)
        %dma_wait3A_793 = arith.constant 1 : i32
        %dma_wait3A_794 = arith.constant 0 : i32
        %dma_wait3A_795 = arith.constant 0 : i32
        %dma_wait3A_796 = arith.constant 0 : i32
        %dma_wait3A_797 = arith.constant 0 : i32
        %dma_wait3A_798 = arith.constant 0 : i32
        %dma_wait3A_799 = tpu.memref_slice %arg8[%dma_wait3A_793, %dma_wait3A_797, %dma_wait3A_798] : memref<2x64x128xf32, #tpu.memory_space<vmem>> -> memref<1x8x128xf32, #tpu.memory_space<vmem>>
        %dma_wait3A_800 = tpu.memref_squeeze %dma_wait3A_799 : memref<1x8x128xf32, #tpu.memory_space<vmem>> -> memref<8x128xf32, #tpu.memory_space<vmem>>
        %dma_wait3A_801 = arith.constant 0 : i32
        %dma_wait3A_802 = arith.constant 0 : i32
        %dma_wait3A_803 = tpu.memref_slice %arg4[%dma_wait3A_794, %dma_wait3A_795, %dma_wait3A_796, %dma_wait3A_801, %dma_wait3A_802] : memref<50x8x128x8x128xf32, #tpu.memory_space<hbm>> -> memref<1x1x1x8x128xf32, #tpu.memory_space<hbm>>
        %dma_wait3A_804 = tpu.memref_squeeze %dma_wait3A_803 : memref<1x1x1x8x128xf32, #tpu.memory_space<hbm>> -> memref<8x128xf32, #tpu.memory_space<hbm>>
        %dma_wait3A_805 = arith.constant 0 : i32
        %dma_wait3A_806 = arith.constant 0 : i32
        %dma_wait3A_807 = tpu.memref_slice %arg4[%dma_wait3A_794, %dma_wait3A_795, %dma_wait3A_796, %dma_wait3A_805, %dma_wait3A_806] : memref<50x8x128x8x128xf32, #tpu.memory_space<hbm>> -> memref<1x1x1x8x128xf32, #tpu.memory_space<hbm>>
        %dma_wait3A_808 = tpu.memref_squeeze %dma_wait3A_807 : memref<1x1x1x8x128xf32, #tpu.memory_space<hbm>> -> memref<8x128xf32, #tpu.memory_space<hbm>>
        %dma_wait3A_809 = arith.constant 0 : i32
        %dma_wait3A_810 = arith.constant 0 : i32
        %dma_wait3A_811 = tpu.memref_slice %arg8[%dma_wait3A_793, %dma_wait3A_809, %dma_wait3A_810] : memref<2x64x128xf32, #tpu.memory_space<vmem>> -> memref<1x8x128xf32, #tpu.memory_space<vmem>>
        %dma_wait3A_812 = tpu.memref_squeeze %dma_wait3A_811 : memref<1x8x128xf32, #tpu.memory_space<vmem>> -> memref<8x128xf32, #tpu.memory_space<vmem>>
        tpu.wait_dma2 semaphore(%arg12 : memref<!tpu.dma_semaphore, #tpu.memory_space<semaphore_mem>>) src(%dma_wait3A_812 : memref<8x128xf32, #tpu.memory_space<vmem>>) dst(%dma_wait3A_808 : memref<8x128xf32, #tpu.memory_space<hbm>>)
        %dma_wait3A_813 = arith.constant 1 : i32
        %dma_wait3A_814 = arith.constant 0 : i32
        %dma_wait3A_815 = arith.constant 0 : i32
        %dma_wait3A_816 = arith.constant 0 : i32
        %dma_wait3A_817 = arith.constant 0 : i32
        %dma_wait3A_818 = arith.constant 0 : i32
        %dma_wait3A_819 = tpu.memref_slice %arg8[%dma_wait3A_813, %dma_wait3A_817, %dma_wait3A_818] : memref<2x64x128xf32, #tpu.memory_space<vmem>> -> memref<1x8x128xf32, #tpu.memory_space<vmem>>
        %dma_wait3A_820 = tpu.memref_squeeze %dma_wait3A_819 : memref<1x8x128xf32, #tpu.memory_space<vmem>> -> memref<8x128xf32, #tpu.memory_space<vmem>>
        %dma_wait3A_821 = arith.constant 0 : i32
        %dma_wait3A_822 = arith.constant 0 : i32
        %dma_wait3A_823 = tpu.memref_slice %arg4[%dma_wait3A_814, %dma_wait3A_815, %dma_wait3A_816, %dma_wait3A_821, %dma_wait3A_822] : memref<50x8x128x8x128xf32, #tpu.memory_space<hbm>> -> memref<1x1x1x8x128xf32, #tpu.memory_space<hbm>>
        %dma_wait3A_824 = tpu.memref_squeeze %dma_wait3A_823 : memref<1x1x1x8x128xf32, #tpu.memory_space<hbm>> -> memref<8x128xf32, #tpu.memory_space<hbm>>
        %dma_wait3A_825 = arith.constant 0 : i32
        %dma_wait3A_826 = arith.constant 0 : i32
        %dma_wait3A_827 = tpu.memref_slice %arg4[%dma_wait3A_814, %dma_wait3A_815, %dma_wait3A_816, %dma_wait3A_825, %dma_wait3A_826] : memref<50x8x128x8x128xf32, #tpu.memory_space<hbm>> -> memref<1x1x1x8x128xf32, #tpu.memory_space<hbm>>
        %dma_wait3A_828 = tpu.memref_squeeze %dma_wait3A_827 : memref<1x1x1x8x128xf32, #tpu.memory_space<hbm>> -> memref<8x128xf32, #tpu.memory_space<hbm>>
        %dma_wait3A_829 = arith.constant 0 : i32
        %dma_wait3A_830 = arith.constant 0 : i32
        %dma_wait3A_831 = tpu.memref_slice %arg8[%dma_wait3A_813, %dma_wait3A_829, %dma_wait3A_830] : memref<2x64x128xf32, #tpu.memory_space<vmem>> -> memref<1x8x128xf32, #tpu.memory_space<vmem>>
        %dma_wait3A_832 = tpu.memref_squeeze %dma_wait3A_831 : memref<1x8x128xf32, #tpu.memory_space<vmem>> -> memref<8x128xf32, #tpu.memory_space<vmem>>
        tpu.wait_dma2 semaphore(%arg12 : memref<!tpu.dma_semaphore, #tpu.memory_space<semaphore_mem>>) src(%dma_wait3A_832 : memref<8x128xf32, #tpu.memory_space<vmem>>) dst(%dma_wait3A_828 : memref<8x128xf32, #tpu.memory_space<hbm>>)
        %dma_wait3A_833 = arith.constant 1 : i32
        %dma_wait3A_834 = arith.constant 0 : i32
        %dma_wait3A_835 = arith.constant 0 : i32
        %dma_wait3A_836 = arith.constant 0 : i32
        %dma_wait3A_837 = arith.constant 0 : i32
        %dma_wait3A_838 = arith.constant 0 : i32
        %dma_wait3A_839 = tpu.memref_slice %arg8[%dma_wait3A_833, %dma_wait3A_837, %dma_wait3A_838] : memref<2x64x128xf32, #tpu.memory_space<vmem>> -> memref<1x8x128xf32, #tpu.memory_space<vmem>>
        %dma_wait3A_840 = tpu.memref_squeeze %dma_wait3A_839 : memref<1x8x128xf32, #tpu.memory_space<vmem>> -> memref<8x128xf32, #tpu.memory_space<vmem>>
        %dma_wait3A_841 = arith.constant 0 : i32
        %dma_wait3A_842 = arith.constant 0 : i32
        %dma_wait3A_843 = tpu.memref_slice %arg4[%dma_wait3A_834, %dma_wait3A_835, %dma_wait3A_836, %dma_wait3A_841, %dma_wait3A_842] : memref<50x8x128x8x128xf32, #tpu.memory_space<hbm>> -> memref<1x1x1x8x128xf32, #tpu.memory_space<hbm>>
        %dma_wait3A_844 = tpu.memref_squeeze %dma_wait3A_843 : memref<1x1x1x8x128xf32, #tpu.memory_space<hbm>> -> memref<8x128xf32, #tpu.memory_space<hbm>>
        %dma_wait3A_845 = arith.constant 0 : i32
        %dma_wait3A_846 = arith.constant 0 : i32
        %dma_wait3A_847 = tpu.memref_slice %arg4[%dma_wait3A_834, %dma_wait3A_835, %dma_wait3A_836, %dma_wait3A_845, %dma_wait3A_846] : memref<50x8x128x8x128xf32, #tpu.memory_space<hbm>> -> memref<1x1x1x8x128xf32, #tpu.memory_space<hbm>>
        %dma_wait3A_848 = tpu.memref_squeeze %dma_wait3A_847 : memref<1x1x1x8x128xf32, #tpu.memory_space<hbm>> -> memref<8x128xf32, #tpu.memory_space<hbm>>
        %dma_wait3A_849 = arith.constant 0 : i32
        %dma_wait3A_850 = arith.constant 0 : i32
        %dma_wait3A_851 = tpu.memref_slice %arg8[%dma_wait3A_833, %dma_wait3A_849, %dma_wait3A_850] : memref<2x64x128xf32, #tpu.memory_space<vmem>> -> memref<1x8x128xf32, #tpu.memory_space<vmem>>
        %dma_wait3A_852 = tpu.memref_squeeze %dma_wait3A_851 : memref<1x8x128xf32, #tpu.memory_space<vmem>> -> memref<8x128xf32, #tpu.memory_space<vmem>>
        tpu.wait_dma2 semaphore(%arg12 : memref<!tpu.dma_semaphore, #tpu.memory_space<semaphore_mem>>) src(%dma_wait3A_852 : memref<8x128xf32, #tpu.memory_space<vmem>>) dst(%dma_wait3A_848 : memref<8x128xf32, #tpu.memory_space<hbm>>)
        %dma_wait3A_853 = arith.constant 1 : i32
        %dma_wait3A_854 = arith.constant 0 : i32
        %dma_wait3A_855 = arith.constant 0 : i32
        %dma_wait3A_856 = arith.constant 0 : i32
        %dma_wait3A_857 = arith.constant 0 : i32
        %dma_wait3A_858 = arith.constant 0 : i32
        %dma_wait3A_859 = tpu.memref_slice %arg8[%dma_wait3A_853, %dma_wait3A_857, %dma_wait3A_858] : memref<2x64x128xf32, #tpu.memory_space<vmem>> -> memref<1x8x128xf32, #tpu.memory_space<vmem>>
        %dma_wait3A_860 = tpu.memref_squeeze %dma_wait3A_859 : memref<1x8x128xf32, #tpu.memory_space<vmem>> -> memref<8x128xf32, #tpu.memory_space<vmem>>
        %dma_wait3A_861 = arith.constant 0 : i32
        %dma_wait3A_862 = arith.constant 0 : i32
        %dma_wait3A_863 = tpu.memref_slice %arg4[%dma_wait3A_854, %dma_wait3A_855, %dma_wait3A_856, %dma_wait3A_861, %dma_wait3A_862] : memref<50x8x128x8x128xf32, #tpu.memory_space<hbm>> -> memref<1x1x1x8x128xf32, #tpu.memory_space<hbm>>
        %dma_wait3A_864 = tpu.memref_squeeze %dma_wait3A_863 : memref<1x1x1x8x128xf32, #tpu.memory_space<hbm>> -> memref<8x128xf32, #tpu.memory_space<hbm>>
        %dma_wait3A_865 = arith.constant 0 : i32
        %dma_wait3A_866 = arith.constant 0 : i32
        %dma_wait3A_867 = tpu.memref_slice %arg4[%dma_wait3A_854, %dma_wait3A_855, %dma_wait3A_856, %dma_wait3A_865, %dma_wait3A_866] : memref<50x8x128x8x128xf32, #tpu.memory_space<hbm>> -> memref<1x1x1x8x128xf32, #tpu.memory_space<hbm>>
        %dma_wait3A_868 = tpu.memref_squeeze %dma_wait3A_867 : memref<1x1x1x8x128xf32, #tpu.memory_space<hbm>> -> memref<8x128xf32, #tpu.memory_space<hbm>>
        %dma_wait3A_869 = arith.constant 0 : i32
        %dma_wait3A_870 = arith.constant 0 : i32
        %dma_wait3A_871 = tpu.memref_slice %arg8[%dma_wait3A_853, %dma_wait3A_869, %dma_wait3A_870] : memref<2x64x128xf32, #tpu.memory_space<vmem>> -> memref<1x8x128xf32, #tpu.memory_space<vmem>>
        %dma_wait3A_872 = tpu.memref_squeeze %dma_wait3A_871 : memref<1x8x128xf32, #tpu.memory_space<vmem>> -> memref<8x128xf32, #tpu.memory_space<vmem>>
        tpu.wait_dma2 semaphore(%arg12 : memref<!tpu.dma_semaphore, #tpu.memory_space<semaphore_mem>>) src(%dma_wait3A_872 : memref<8x128xf32, #tpu.memory_space<vmem>>) dst(%dma_wait3A_868 : memref<8x128xf32, #tpu.memory_space<hbm>>)
      } else {
      }
      %scan3A_556 = arith.constant 0 : i32
      %scan3A_557 = arith.constant 0 : i32
      %scan3A_558 = arith.constant 64 : i32
      %scan3A_559 = arith.addi %scan3A_557, %scan3A_558 : i32
      %scan3A_560 = arith.constant 1 : i32
      scf.for %scan3A_713 = %scan3A_557 to %scan3A_559 step %scan3A_560  : i32 {
        %broadcast_in_dim3A = vector.broadcast %scan3A_713 : i32 to vector<16xi32>
        %add3A_714 = arith.constant 0 : i32
        %add3A_715 = vector.broadcast %add3A_714 : i32 to vector<16xi32>
        %add3A_716 = arith.addi %iota3A, %add3A_715 : vector<16xi32>
        %gather3A = arith.constant 1 : i32
        %gather3A_717 = arith.constant 0 : i32
        %gather3A_718 = arith.constant 0 : i32
        %gather3A_719 = tpu.memref_slice %arg7[%gather3A, %gather3A_717, %gather3A_718] : memref<2x128x64xf32, #tpu.memory_space<vmem>> -> memref<1x128x64xf32, #tpu.memory_space<vmem>>
        %gather3A_720 = tpu.memref_squeeze %gather3A_719 : memref<1x128x64xf32, #tpu.memory_space<vmem>> -> memref<128x64xf32, #tpu.memory_space<vmem>>
        %gather3A_721 = tpu.vector_load_idx %gather3A_720[%add3A_716, %broadcast_in_dim3A] : memref<128x64xf32, #tpu.memory_space<vmem>>[vector<16xi32>, vector<16xi32>], vector<16xf32>,
        %swap3A = arith.constant 1 : i32
        %swap3A_722 = arith.index_cast %swap3A : i32 to index
        %swap3A_723 = arith.index_cast %scan3A_713 : i32 to index
        %swap3A_724 = arith.constant 0 : index
        %swap3A_725 = tpu.vector_load %arg8[%swap3A_722, %swap3A_723, %swap3A_724] {strides = array<i32>} : memref<2x64x128xf32, #tpu.memory_space<vmem>>, vector<16xf32>,
        tpu.vector_store %arg8[%swap3A_722, %swap3A_723, %swap3A_724], %gather3A_721 {strides = array<i32>} : memref<2x64x128xf32, #tpu.memory_space<vmem>>, vector<16xf32>,
        %add3A_726 = arith.constant 16 : i32
        %add3A_727 = vector.broadcast %add3A_726 : i32 to vector<16xi32>
        %add3A_728 = arith.addi %iota3A, %add3A_727 : vector<16xi32>
        %gather3A_729 = arith.constant 1 : i32
        %gather3A_730 = arith.constant 0 : i32
        %gather3A_731 = arith.constant 0 : i32
        %gather3A_732 = tpu.memref_slice %arg7[%gather3A_729, %gather3A_730, %gather3A_731] : memref<2x128x64xf32, #tpu.memory_space<vmem>> -> memref<1x128x64xf32, #tpu.memory_space<vmem>>
        %gather3A_733 = tpu.memref_squeeze %gather3A_732 : memref<1x128x64xf32, #tpu.memory_space<vmem>> -> memref<128x64xf32, #tpu.memory_space<vmem>>
        %gather3A_734 = tpu.vector_load_idx %gather3A_733[%add3A_728, %broadcast_in_dim3A] : memref<128x64xf32, #tpu.memory_space<vmem>>[vector<16xi32>, vector<16xi32>], vector<16xf32>,
        %swap3A_735 = arith.constant 1 : i32
        %swap3A_736 = arith.index_cast %swap3A_735 : i32 to index
        %swap3A_737 = arith.index_cast %scan3A_713 : i32 to index
        %swap3A_738 = arith.constant 16 : index
        %swap3A_739 = tpu.vector_load %arg8[%swap3A_736, %swap3A_737, %swap3A_738] {strides = array<i32>} : memref<2x64x128xf32, #tpu.memory_space<vmem>>, vector<16xf32>,
        tpu.vector_store %arg8[%swap3A_736, %swap3A_737, %swap3A_738], %gather3A_734 {strides = array<i32>} : memref<2x64x128xf32, #tpu.memory_space<vmem>>, vector<16xf32>,
        %add3A_740 = arith.constant 32 : i32
        %add3A_741 = vector.broadcast %add3A_740 : i32 to vector<16xi32>
        %add3A_742 = arith.addi %iota3A, %add3A_741 : vector<16xi32>
        %gather3A_743 = arith.constant 1 : i32
        %gather3A_744 = arith.constant 0 : i32
        %gather3A_745 = arith.constant 0 : i32
        %gather3A_746 = tpu.memref_slice %arg7[%gather3A_743, %gather3A_744, %gather3A_745] : memref<2x128x64xf32, #tpu.memory_space<vmem>> -> memref<1x128x64xf32, #tpu.memory_space<vmem>>
        %gather3A_747 = tpu.memref_squeeze %gather3A_746 : memref<1x128x64xf32, #tpu.memory_space<vmem>> -> memref<128x64xf32, #tpu.memory_space<vmem>>
        %gather3A_748 = tpu.vector_load_idx %gather3A_747[%add3A_742, %broadcast_in_dim3A] : memref<128x64xf32, #tpu.memory_space<vmem>>[vector<16xi32>, vector<16xi32>], vector<16xf32>,
        %swap3A_749 = arith.constant 1 : i32
        %swap3A_750 = arith.index_cast %swap3A_749 : i32 to index
        %swap3A_751 = arith.index_cast %scan3A_713 : i32 to index
        %swap3A_752 = arith.constant 32 : index
        %swap3A_753 = tpu.vector_load %arg8[%swap3A_750, %swap3A_751, %swap3A_752] {strides = array<i32>} : memref<2x64x128xf32, #tpu.memory_space<vmem>>, vector<16xf32>,
        tpu.vector_store %arg8[%swap3A_750, %swap3A_751, %swap3A_752], %gather3A_748 {strides = array<i32>} : memref<2x64x128xf32, #tpu.memory_space<vmem>>, vector<16xf32>,
        %add3A_754 = arith.constant 48 : i32
        %add3A_755 = vector.broadcast %add3A_754 : i32 to vector<16xi32>
        %add3A_756 = arith.addi %iota3A, %add3A_755 : vector<16xi32>
        %gather3A_757 = arith.constant 1 : i32
        %gather3A_758 = arith.constant 0 : i32
        %gather3A_759 = arith.constant 0 : i32
        %gather3A_760 = tpu.memref_slice %arg7[%gather3A_757, %gather3A_758, %gather3A_759] : memref<2x128x64xf32, #tpu.memory_space<vmem>> -> memref<1x128x64xf32, #tpu.memory_space<vmem>>
        %gather3A_761 = tpu.memref_squeeze %gather3A_760 : memref<1x128x64xf32, #tpu.memory_space<vmem>> -> memref<128x64xf32, #tpu.memory_space<vmem>>
        %gather3A_762 = tpu.vector_load_idx %gather3A_761[%add3A_756, %broadcast_in_dim3A] : memref<128x64xf32, #tpu.memory_space<vmem>>[vector<16xi32>, vector<16xi32>], vector<16xf32>,
        %swap3A_763 = arith.constant 1 : i32
        %swap3A_764 = arith.index_cast %swap3A_763 : i32 to index
        %swap3A_765 = arith.index_cast %scan3A_713 : i32 to index
        %swap3A_766 = arith.constant 48 : index
        %swap3A_767 = tpu.vector_load %arg8[%swap3A_764, %swap3A_765, %swap3A_766] {strides = array<i32>} : memref<2x64x128xf32, #tpu.memory_space<vmem>>, vector<16xf32>,
        tpu.vector_store %arg8[%swap3A_764, %swap3A_765, %swap3A_766], %gather3A_762 {strides = array<i32>} : memref<2x64x128xf32, #tpu.memory_space<vmem>>, vector<16xf32>,
        %add3A_768 = arith.constant 64 : i32
        %add3A_769 = vector.broadcast %add3A_768 : i32 to vector<16xi32>
        %add3A_770 = arith.addi %iota3A, %add3A_769 : vector<16xi32>
        %gather3A_771 = arith.constant 1 : i32
        %gather3A_772 = arith.constant 0 : i32
        %gather3A_773 = arith.constant 0 : i32
        %gather3A_774 = tpu.memref_slice %arg7[%gather3A_771, %gather3A_772, %gather3A_773] : memref<2x128x64xf32, #tpu.memory_space<vmem>> -> memref<1x128x64xf32, #tpu.memory_space<vmem>>
        %gather3A_775 = tpu.memref_squeeze %gather3A_774 : memref<1x128x64xf32, #tpu.memory_space<vmem>> -> memref<128x64xf32, #tpu.memory_space<vmem>>
        %gather3A_776 = tpu.vector_load_idx %gather3A_775[%add3A_770, %broadcast_in_dim3A] : memref<128x64xf32, #tpu.memory_space<vmem>>[vector<16xi32>, vector<16xi32>], vector<16xf32>,
        %swap3A_777 = arith.constant 1 : i32
        %swap3A_778 = arith.index_cast %swap3A_777 : i32 to index
        %swap3A_779 = arith.index_cast %scan3A_713 : i32 to index
        %swap3A_780 = arith.constant 64 : index
        %swap3A_781 = tpu.vector_load %arg8[%swap3A_778, %swap3A_779, %swap3A_780] {strides = array<i32>} : memref<2x64x128xf32, #tpu.memory_space<vmem>>, vector<16xf32>,
        tpu.vector_store %arg8[%swap3A_778, %swap3A_779, %swap3A_780], %gather3A_776 {strides = array<i32>} : memref<2x64x128xf32, #tpu.memory_space<vmem>>, vector<16xf32>,
        %add3A_782 = arith.constant 80 : i32
        %add3A_783 = vector.broadcast %add3A_782 : i32 to vector<16xi32>
        %add3A_784 = arith.addi %iota3A, %add3A_783 : vector<16xi32>
        %gather3A_785 = arith.constant 1 : i32
        %gather3A_786 = arith.constant 0 : i32
        %gather3A_787 = arith.constant 0 : i32
        %gather3A_788 = tpu.memref_slice %arg7[%gather3A_785, %gather3A_786, %gather3A_787] : memref<2x128x64xf32, #tpu.memory_space<vmem>> -> memref<1x128x64xf32, #tpu.memory_space<vmem>>
        %gather3A_789 = tpu.memref_squeeze %gather3A_788 : memref<1x128x64xf32, #tpu.memory_space<vmem>> -> memref<128x64xf32, #tpu.memory_space<vmem>>
        %gather3A_790 = tpu.vector_load_idx %gather3A_789[%add3A_784, %broadcast_in_dim3A] : memref<128x64xf32, #tpu.memory_space<vmem>>[vector<16xi32>, vector<16xi32>], vector<16xf32>,
        %swap3A_791 = arith.constant 1 : i32
        %swap3A_792 = arith.index_cast %swap3A_791 : i32 to index
        %swap3A_793 = arith.index_cast %scan3A_713 : i32 to index
        %swap3A_794 = arith.constant 80 : index
        %swap3A_795 = tpu.vector_load %arg8[%swap3A_792, %swap3A_793, %swap3A_794] {strides = array<i32>} : memref<2x64x128xf32, #tpu.memory_space<vmem>>, vector<16xf32>,
        tpu.vector_store %arg8[%swap3A_792, %swap3A_793, %swap3A_794], %gather3A_790 {strides = array<i32>} : memref<2x64x128xf32, #tpu.memory_space<vmem>>, vector<16xf32>,
        %add3A_796 = arith.constant 96 : i32
        %add3A_797 = vector.broadcast %add3A_796 : i32 to vector<16xi32>
        %add3A_798 = arith.addi %iota3A, %add3A_797 : vector<16xi32>
        %gather3A_799 = arith.constant 1 : i32
        %gather3A_800 = arith.constant 0 : i32
        %gather3A_801 = arith.constant 0 : i32
        %gather3A_802 = tpu.memref_slice %arg7[%gather3A_799, %gather3A_800, %gather3A_801] : memref<2x128x64xf32, #tpu.memory_space<vmem>> -> memref<1x128x64xf32, #tpu.memory_space<vmem>>
        %gather3A_803 = tpu.memref_squeeze %gather3A_802 : memref<1x128x64xf32, #tpu.memory_space<vmem>> -> memref<128x64xf32, #tpu.memory_space<vmem>>
        %gather3A_804 = tpu.vector_load_idx %gather3A_803[%add3A_798, %broadcast_in_dim3A] : memref<128x64xf32, #tpu.memory_space<vmem>>[vector<16xi32>, vector<16xi32>], vector<16xf32>,
        %swap3A_805 = arith.constant 1 : i32
        %swap3A_806 = arith.index_cast %swap3A_805 : i32 to index
        %swap3A_807 = arith.index_cast %scan3A_713 : i32 to index
        %swap3A_808 = arith.constant 96 : index
        %swap3A_809 = tpu.vector_load %arg8[%swap3A_806, %swap3A_807, %swap3A_808] {strides = array<i32>} : memref<2x64x128xf32, #tpu.memory_space<vmem>>, vector<16xf32>,
        tpu.vector_store %arg8[%swap3A_806, %swap3A_807, %swap3A_808], %gather3A_804 {strides = array<i32>} : memref<2x64x128xf32, #tpu.memory_space<vmem>>, vector<16xf32>,
        %add3A_810 = arith.constant 112 : i32
        %add3A_811 = vector.broadcast %add3A_810 : i32 to vector<16xi32>
        %add3A_812 = arith.addi %iota3A, %add3A_811 : vector<16xi32>
        %gather3A_813 = arith.constant 1 : i32
        %gather3A_814 = arith.constant 0 : i32
        %gather3A_815 = arith.constant 0 : i32
        %gather3A_816 = tpu.memref_slice %arg7[%gather3A_813, %gather3A_814, %gather3A_815] : memref<2x128x64xf32, #tpu.memory_space<vmem>> -> memref<1x128x64xf32, #tpu.memory_space<vmem>>
        %gather3A_817 = tpu.memref_squeeze %gather3A_816 : memref<1x128x64xf32, #tpu.memory_space<vmem>> -> memref<128x64xf32, #tpu.memory_space<vmem>>
        %gather3A_818 = tpu.vector_load_idx %gather3A_817[%add3A_812, %broadcast_in_dim3A] : memref<128x64xf32, #tpu.memory_space<vmem>>[vector<16xi32>, vector<16xi32>], vector<16xf32>,
        %swap3A_819 = arith.constant 1 : i32
        %swap3A_820 = arith.index_cast %swap3A_819 : i32 to index
        %swap3A_821 = arith.index_cast %scan3A_713 : i32 to index
        %swap3A_822 = arith.constant 112 : index
        %swap3A_823 = tpu.vector_load %arg8[%swap3A_820, %swap3A_821, %swap3A_822] {strides = array<i32>} : memref<2x64x128xf32, #tpu.memory_space<vmem>>, vector<16xf32>,
        tpu.vector_store %arg8[%swap3A_820, %swap3A_821, %swap3A_822], %gather3A_818 {strides = array<i32>} : memref<2x64x128xf32, #tpu.memory_space<vmem>>, vector<16xf32>,
      }
      %scan3A_561 = arith.constant 64 : i32
      %shift_right_logical3A_562 = arith.constant 2 : i32
      %shift_right_logical3A_563 = arith.shrui %add3A_531, %shift_right_logical3A_562 : i32
      %and3A_564 = arith.constant 3 : i32
      %and3A_565 = arith.andi %add3A_531, %and3A_564 : i32
      %mul3A_566 = arith.constant 4 : i32
      %mul3A_567 = arith.muli %add3A, %mul3A_566 : i32
      %add3A_568 = arith.addi %mul3A_567, %and3A_565 : i32
      %dma_start3A_569 = arith.constant 1 : i32
      %dma_start3A_570 = arith.constant 0 : i32
      %dma_start3A_571 = arith.constant 0 : i32
      %dma_start3A_572 = arith.constant 0 : i32
      %dma_start3A_573 = tpu.memref_slice %arg8[%dma_start3A_569, %dma_start3A_571, %dma_start3A_572] : memref<2x64x128xf32, #tpu.memory_space<vmem>> -> memref<1x8x128xf32, #tpu.memory_space<vmem>>
      %dma_start3A_574 = tpu.memref_squeeze %dma_start3A_573 : memref<1x8x128xf32, #tpu.memory_space<vmem>> -> memref<8x128xf32, #tpu.memory_space<vmem>>
      %dma_start3A_575 = arith.constant 0 : i32
      %dma_start3A_576 = arith.constant 0 : i32
      %dma_start3A_577 = tpu.memref_slice %arg4[%shift_right_logical3A_563, %dma_start3A_570, %add3A_568, %dma_start3A_575, %dma_start3A_576] : memref<50x8x128x8x128xf32, #tpu.memory_space<hbm>> -> memref<1x1x1x8x128xf32, #tpu.memory_space<hbm>>
      %dma_start3A_578 = tpu.memref_squeeze %dma_start3A_577 : memref<1x1x1x8x128xf32, #tpu.memory_space<hbm>> -> memref<8x128xf32, #tpu.memory_space<hbm>>
      %dma_start3A_579 = arith.constant 0 : i32
      %dma_start3A_580 = arith.constant 0 : i32
      %dma_start3A_581 = tpu.memref_slice %arg4[%shift_right_logical3A_563, %dma_start3A_570, %add3A_568, %dma_start3A_579, %dma_start3A_580] : memref<50x8x128x8x128xf32, #tpu.memory_space<hbm>> -> memref<1x1x1x8x128xf32, #tpu.memory_space<hbm>>
      %dma_start3A_582 = tpu.memref_squeeze %dma_start3A_581 : memref<1x1x1x8x128xf32, #tpu.memory_space<hbm>> -> memref<8x128xf32, #tpu.memory_space<hbm>>
      %dma_start3A_583 = arith.constant 0 : i32
      %dma_start3A_584 = arith.constant 0 : i32
      %dma_start3A_585 = tpu.memref_slice %arg8[%dma_start3A_569, %dma_start3A_583, %dma_start3A_584] : memref<2x64x128xf32, #tpu.memory_space<vmem>> -> memref<1x8x128xf32, #tpu.memory_space<vmem>>
      %dma_start3A_586 = tpu.memref_squeeze %dma_start3A_585 : memref<1x8x128xf32, #tpu.memory_space<vmem>> -> memref<8x128xf32, #tpu.memory_space<vmem>>
      tpu.enqueue_dma source(%dma_start3A_586 : memref<8x128xf32, #tpu.memory_space<vmem>>) target(%dma_start3A_582 : memref<8x128xf32, #tpu.memory_space<hbm>>) target_semaphore(%arg12 : memref<!tpu.dma_semaphore, #tpu.memory_space<semaphore_mem>>)
      %dma_start3A_587 = arith.constant 1 : i32
      %dma_start3A_588 = arith.constant 1 : i32
      %dma_start3A_589 = arith.constant 8 : i32
      %dma_start3A_590 = arith.constant 0 : i32
      %dma_start3A_591 = tpu.memref_slice %arg8[%dma_start3A_587, %dma_start3A_589, %dma_start3A_590] : memref<2x64x128xf32, #tpu.memory_space<vmem>> -> memref<1x8x128xf32, #tpu.memory_space<vmem>>
      %dma_start3A_592 = tpu.memref_squeeze %dma_start3A_591 : memref<1x8x128xf32, #tpu.memory_space<vmem>> -> memref<8x128xf32, #tpu.memory_space<vmem>>
      %dma_start3A_593 = arith.constant 0 : i32
      %dma_start3A_594 = arith.constant 0 : i32
      %dma_start3A_595 = tpu.memref_slice %arg4[%shift_right_logical3A_563, %dma_start3A_588, %add3A_568, %dma_start3A_593, %dma_start3A_594] : memref<50x8x128x8x128xf32, #tpu.memory_space<hbm>> -> memref<1x1x1x8x128xf32, #tpu.memory_space<hbm>>
      %dma_start3A_596 = tpu.memref_squeeze %dma_start3A_595 : memref<1x1x1x8x128xf32, #tpu.memory_space<hbm>> -> memref<8x128xf32, #tpu.memory_space<hbm>>
      %dma_start3A_597 = arith.constant 0 : i32
      %dma_start3A_598 = arith.constant 0 : i32
      %dma_start3A_599 = tpu.memref_slice %arg4[%shift_right_logical3A_563, %dma_start3A_588, %add3A_568, %dma_start3A_597, %dma_start3A_598] : memref<50x8x128x8x128xf32, #tpu.memory_space<hbm>> -> memref<1x1x1x8x128xf32, #tpu.memory_space<hbm>>
      %dma_start3A_600 = tpu.memref_squeeze %dma_start3A_599 : memref<1x1x1x8x128xf32, #tpu.memory_space<hbm>> -> memref<8x128xf32, #tpu.memory_space<hbm>>
      %dma_start3A_601 = arith.constant 8 : i32
      %dma_start3A_602 = arith.constant 0 : i32
      %dma_start3A_603 = tpu.memref_slice %arg8[%dma_start3A_587, %dma_start3A_601, %dma_start3A_602] : memref<2x64x128xf32, #tpu.memory_space<vmem>> -> memref<1x8x128xf32, #tpu.memory_space<vmem>>
      %dma_start3A_604 = tpu.memref_squeeze %dma_start3A_603 : memref<1x8x128xf32, #tpu.memory_space<vmem>> -> memref<8x128xf32, #tpu.memory_space<vmem>>
      tpu.enqueue_dma source(%dma_start3A_604 : memref<8x128xf32, #tpu.memory_space<vmem>>) target(%dma_start3A_600 : memref<8x128xf32, #tpu.memory_space<hbm>>) target_semaphore(%arg12 : memref<!tpu.dma_semaphore, #tpu.memory_space<semaphore_mem>>)
      %dma_start3A_605 = arith.constant 1 : i32
      %dma_start3A_606 = arith.constant 2 : i32
      %dma_start3A_607 = arith.constant 16 : i32
      %dma_start3A_608 = arith.constant 0 : i32
      %dma_start3A_609 = tpu.memref_slice %arg8[%dma_start3A_605, %dma_start3A_607, %dma_start3A_608] : memref<2x64x128xf32, #tpu.memory_space<vmem>> -> memref<1x8x128xf32, #tpu.memory_space<vmem>>
      %dma_start3A_610 = tpu.memref_squeeze %dma_start3A_609 : memref<1x8x128xf32, #tpu.memory_space<vmem>> -> memref<8x128xf32, #tpu.memory_space<vmem>>
      %dma_start3A_611 = arith.constant 0 : i32
      %dma_start3A_612 = arith.constant 0 : i32
      %dma_start3A_613 = tpu.memref_slice %arg4[%shift_right_logical3A_563, %dma_start3A_606, %add3A_568, %dma_start3A_611, %dma_start3A_612] : memref<50x8x128x8x128xf32, #tpu.memory_space<hbm>> -> memref<1x1x1x8x128xf32, #tpu.memory_space<hbm>>
      %dma_start3A_614 = tpu.memref_squeeze %dma_start3A_613 : memref<1x1x1x8x128xf32, #tpu.memory_space<hbm>> -> memref<8x128xf32, #tpu.memory_space<hbm>>
      %dma_start3A_615 = arith.constant 0 : i32
      %dma_start3A_616 = arith.constant 0 : i32
      %dma_start3A_617 = tpu.memref_slice %arg4[%shift_right_logical3A_563, %dma_start3A_606, %add3A_568, %dma_start3A_615, %dma_start3A_616] : memref<50x8x128x8x128xf32, #tpu.memory_space<hbm>> -> memref<1x1x1x8x128xf32, #tpu.memory_space<hbm>>
      %dma_start3A_618 = tpu.memref_squeeze %dma_start3A_617 : memref<1x1x1x8x128xf32, #tpu.memory_space<hbm>> -> memref<8x128xf32, #tpu.memory_space<hbm>>
      %dma_start3A_619 = arith.constant 16 : i32
      %dma_start3A_620 = arith.constant 0 : i32
      %dma_start3A_621 = tpu.memref_slice %arg8[%dma_start3A_605, %dma_start3A_619, %dma_start3A_620] : memref<2x64x128xf32, #tpu.memory_space<vmem>> -> memref<1x8x128xf32, #tpu.memory_space<vmem>>
      %dma_start3A_622 = tpu.memref_squeeze %dma_start3A_621 : memref<1x8x128xf32, #tpu.memory_space<vmem>> -> memref<8x128xf32, #tpu.memory_space<vmem>>
      tpu.enqueue_dma source(%dma_start3A_622 : memref<8x128xf32, #tpu.memory_space<vmem>>) target(%dma_start3A_618 : memref<8x128xf32, #tpu.memory_space<hbm>>) target_semaphore(%arg12 : memref<!tpu.dma_semaphore, #tpu.memory_space<semaphore_mem>>)
      %dma_start3A_623 = arith.constant 1 : i32
      %dma_start3A_624 = arith.constant 3 : i32
      %dma_start3A_625 = arith.constant 24 : i32
      %dma_start3A_626 = arith.constant 0 : i32
      %dma_start3A_627 = tpu.memref_slice %arg8[%dma_start3A_623, %dma_start3A_625, %dma_start3A_626] : memref<2x64x128xf32, #tpu.memory_space<vmem>> -> memref<1x8x128xf32, #tpu.memory_space<vmem>>
      %dma_start3A_628 = tpu.memref_squeeze %dma_start3A_627 : memref<1x8x128xf32, #tpu.memory_space<vmem>> -> memref<8x128xf32, #tpu.memory_space<vmem>>
      %dma_start3A_629 = arith.constant 0 : i32
      %dma_start3A_630 = arith.constant 0 : i32
      %dma_start3A_631 = tpu.memref_slice %arg4[%shift_right_logical3A_563, %dma_start3A_624, %add3A_568, %dma_start3A_629, %dma_start3A_630] : memref<50x8x128x8x128xf32, #tpu.memory_space<hbm>> -> memref<1x1x1x8x128xf32, #tpu.memory_space<hbm>>
      %dma_start3A_632 = tpu.memref_squeeze %dma_start3A_631 : memref<1x1x1x8x128xf32, #tpu.memory_space<hbm>> -> memref<8x128xf32, #tpu.memory_space<hbm>>
      %dma_start3A_633 = arith.constant 0 : i32
      %dma_start3A_634 = arith.constant 0 : i32
      %dma_start3A_635 = tpu.memref_slice %arg4[%shift_right_logical3A_563, %dma_start3A_624, %add3A_568, %dma_start3A_633, %dma_start3A_634] : memref<50x8x128x8x128xf32, #tpu.memory_space<hbm>> -> memref<1x1x1x8x128xf32, #tpu.memory_space<hbm>>
      %dma_start3A_636 = tpu.memref_squeeze %dma_start3A_635 : memref<1x1x1x8x128xf32, #tpu.memory_space<hbm>> -> memref<8x128xf32, #tpu.memory_space<hbm>>
      %dma_start3A_637 = arith.constant 24 : i32
      %dma_start3A_638 = arith.constant 0 : i32
      %dma_start3A_639 = tpu.memref_slice %arg8[%dma_start3A_623, %dma_start3A_637, %dma_start3A_638] : memref<2x64x128xf32, #tpu.memory_space<vmem>> -> memref<1x8x128xf32, #tpu.memory_space<vmem>>
      %dma_start3A_640 = tpu.memref_squeeze %dma_start3A_639 : memref<1x8x128xf32, #tpu.memory_space<vmem>> -> memref<8x128xf32, #tpu.memory_space<vmem>>
      tpu.enqueue_dma source(%dma_start3A_640 : memref<8x128xf32, #tpu.memory_space<vmem>>) target(%dma_start3A_636 : memref<8x128xf32, #tpu.memory_space<hbm>>) target_semaphore(%arg12 : memref<!tpu.dma_semaphore, #tpu.memory_space<semaphore_mem>>)
      %dma_start3A_641 = arith.constant 1 : i32
      %dma_start3A_642 = arith.constant 4 : i32
      %dma_start3A_643 = arith.constant 32 : i32
      %dma_start3A_644 = arith.constant 0 : i32
      %dma_start3A_645 = tpu.memref_slice %arg8[%dma_start3A_641, %dma_start3A_643, %dma_start3A_644] : memref<2x64x128xf32, #tpu.memory_space<vmem>> -> memref<1x8x128xf32, #tpu.memory_space<vmem>>
      %dma_start3A_646 = tpu.memref_squeeze %dma_start3A_645 : memref<1x8x128xf32, #tpu.memory_space<vmem>> -> memref<8x128xf32, #tpu.memory_space<vmem>>
      %dma_start3A_647 = arith.constant 0 : i32
      %dma_start3A_648 = arith.constant 0 : i32
      %dma_start3A_649 = tpu.memref_slice %arg4[%shift_right_logical3A_563, %dma_start3A_642, %add3A_568, %dma_start3A_647, %dma_start3A_648] : memref<50x8x128x8x128xf32, #tpu.memory_space<hbm>> -> memref<1x1x1x8x128xf32, #tpu.memory_space<hbm>>
      %dma_start3A_650 = tpu.memref_squeeze %dma_start3A_649 : memref<1x1x1x8x128xf32, #tpu.memory_space<hbm>> -> memref<8x128xf32, #tpu.memory_space<hbm>>
      %dma_start3A_651 = arith.constant 0 : i32
      %dma_start3A_652 = arith.constant 0 : i32
      %dma_start3A_653 = tpu.memref_slice %arg4[%shift_right_logical3A_563, %dma_start3A_642, %add3A_568, %dma_start3A_651, %dma_start3A_652] : memref<50x8x128x8x128xf32, #tpu.memory_space<hbm>> -> memref<1x1x1x8x128xf32, #tpu.memory_space<hbm>>
      %dma_start3A_654 = tpu.memref_squeeze %dma_start3A_653 : memref<1x1x1x8x128xf32, #tpu.memory_space<hbm>> -> memref<8x128xf32, #tpu.memory_space<hbm>>
      %dma_start3A_655 = arith.constant 32 : i32
      %dma_start3A_656 = arith.constant 0 : i32
      %dma_start3A_657 = tpu.memref_slice %arg8[%dma_start3A_641, %dma_start3A_655, %dma_start3A_656] : memref<2x64x128xf32, #tpu.memory_space<vmem>> -> memref<1x8x128xf32, #tpu.memory_space<vmem>>
      %dma_start3A_658 = tpu.memref_squeeze %dma_start3A_657 : memref<1x8x128xf32, #tpu.memory_space<vmem>> -> memref<8x128xf32, #tpu.memory_space<vmem>>
      tpu.enqueue_dma source(%dma_start3A_658 : memref<8x128xf32, #tpu.memory_space<vmem>>) target(%dma_start3A_654 : memref<8x128xf32, #tpu.memory_space<hbm>>) target_semaphore(%arg12 : memref<!tpu.dma_semaphore, #tpu.memory_space<semaphore_mem>>)
      %dma_start3A_659 = arith.constant 1 : i32
      %dma_start3A_660 = arith.constant 5 : i32
      %dma_start3A_661 = arith.constant 40 : i32
      %dma_start3A_662 = arith.constant 0 : i32
      %dma_start3A_663 = tpu.memref_slice %arg8[%dma_start3A_659, %dma_start3A_661, %dma_start3A_662] : memref<2x64x128xf32, #tpu.memory_space<vmem>> -> memref<1x8x128xf32, #tpu.memory_space<vmem>>
      %dma_start3A_664 = tpu.memref_squeeze %dma_start3A_663 : memref<1x8x128xf32, #tpu.memory_space<vmem>> -> memref<8x128xf32, #tpu.memory_space<vmem>>
      %dma_start3A_665 = arith.constant 0 : i32
      %dma_start3A_666 = arith.constant 0 : i32
      %dma_start3A_667 = tpu.memref_slice %arg4[%shift_right_logical3A_563, %dma_start3A_660, %add3A_568, %dma_start3A_665, %dma_start3A_666] : memref<50x8x128x8x128xf32, #tpu.memory_space<hbm>> -> memref<1x1x1x8x128xf32, #tpu.memory_space<hbm>>
      %dma_start3A_668 = tpu.memref_squeeze %dma_start3A_667 : memref<1x1x1x8x128xf32, #tpu.memory_space<hbm>> -> memref<8x128xf32, #tpu.memory_space<hbm>>
      %dma_start3A_669 = arith.constant 0 : i32
      %dma_start3A_670 = arith.constant 0 : i32
      %dma_start3A_671 = tpu.memref_slice %arg4[%shift_right_logical3A_563, %dma_start3A_660, %add3A_568, %dma_start3A_669, %dma_start3A_670] : memref<50x8x128x8x128xf32, #tpu.memory_space<hbm>> -> memref<1x1x1x8x128xf32, #tpu.memory_space<hbm>>
      %dma_start3A_672 = tpu.memref_squeeze %dma_start3A_671 : memref<1x1x1x8x128xf32, #tpu.memory_space<hbm>> -> memref<8x128xf32, #tpu.memory_space<hbm>>
      %dma_start3A_673 = arith.constant 40 : i32
      %dma_start3A_674 = arith.constant 0 : i32
      %dma_start3A_675 = tpu.memref_slice %arg8[%dma_start3A_659, %dma_start3A_673, %dma_start3A_674] : memref<2x64x128xf32, #tpu.memory_space<vmem>> -> memref<1x8x128xf32, #tpu.memory_space<vmem>>
      %dma_start3A_676 = tpu.memref_squeeze %dma_start3A_675 : memref<1x8x128xf32, #tpu.memory_space<vmem>> -> memref<8x128xf32, #tpu.memory_space<vmem>>
      tpu.enqueue_dma source(%dma_start3A_676 : memref<8x128xf32, #tpu.memory_space<vmem>>) target(%dma_start3A_672 : memref<8x128xf32, #tpu.memory_space<hbm>>) target_semaphore(%arg12 : memref<!tpu.dma_semaphore, #tpu.memory_space<semaphore_mem>>)
      %dma_start3A_677 = arith.constant 1 : i32
      %dma_start3A_678 = arith.constant 6 : i32
      %dma_start3A_679 = arith.constant 48 : i32
      %dma_start3A_680 = arith.constant 0 : i32
      %dma_start3A_681 = tpu.memref_slice %arg8[%dma_start3A_677, %dma_start3A_679, %dma_start3A_680] : memref<2x64x128xf32, #tpu.memory_space<vmem>> -> memref<1x8x128xf32, #tpu.memory_space<vmem>>
      %dma_start3A_682 = tpu.memref_squeeze %dma_start3A_681 : memref<1x8x128xf32, #tpu.memory_space<vmem>> -> memref<8x128xf32, #tpu.memory_space<vmem>>
      %dma_start3A_683 = arith.constant 0 : i32
      %dma_start3A_684 = arith.constant 0 : i32
      %dma_start3A_685 = tpu.memref_slice %arg4[%shift_right_logical3A_563, %dma_start3A_678, %add3A_568, %dma_start3A_683, %dma_start3A_684] : memref<50x8x128x8x128xf32, #tpu.memory_space<hbm>> -> memref<1x1x1x8x128xf32, #tpu.memory_space<hbm>>
      %dma_start3A_686 = tpu.memref_squeeze %dma_start3A_685 : memref<1x1x1x8x128xf32, #tpu.memory_space<hbm>> -> memref<8x128xf32, #tpu.memory_space<hbm>>
      %dma_start3A_687 = arith.constant 0 : i32
      %dma_start3A_688 = arith.constant 0 : i32
      %dma_start3A_689 = tpu.memref_slice %arg4[%shift_right_logical3A_563, %dma_start3A_678, %add3A_568, %dma_start3A_687, %dma_start3A_688] : memref<50x8x128x8x128xf32, #tpu.memory_space<hbm>> -> memref<1x1x1x8x128xf32, #tpu.memory_space<hbm>>
      %dma_start3A_690 = tpu.memref_squeeze %dma_start3A_689 : memref<1x1x1x8x128xf32, #tpu.memory_space<hbm>> -> memref<8x128xf32, #tpu.memory_space<hbm>>
      %dma_start3A_691 = arith.constant 48 : i32
      %dma_start3A_692 = arith.constant 0 : i32
      %dma_start3A_693 = tpu.memref_slice %arg8[%dma_start3A_677, %dma_start3A_691, %dma_start3A_692] : memref<2x64x128xf32, #tpu.memory_space<vmem>> -> memref<1x8x128xf32, #tpu.memory_space<vmem>>
      %dma_start3A_694 = tpu.memref_squeeze %dma_start3A_693 : memref<1x8x128xf32, #tpu.memory_space<vmem>> -> memref<8x128xf32, #tpu.memory_space<vmem>>
      tpu.enqueue_dma source(%dma_start3A_694 : memref<8x128xf32, #tpu.memory_space<vmem>>) target(%dma_start3A_690 : memref<8x128xf32, #tpu.memory_space<hbm>>) target_semaphore(%arg12 : memref<!tpu.dma_semaphore, #tpu.memory_space<semaphore_mem>>)
      %dma_start3A_695 = arith.constant 1 : i32
      %dma_start3A_696 = arith.constant 7 : i32
      %dma_start3A_697 = arith.constant 56 : i32
      %dma_start3A_698 = arith.constant 0 : i32
      %dma_start3A_699 = tpu.memref_slice %arg8[%dma_start3A_695, %dma_start3A_697, %dma_start3A_698] : memref<2x64x128xf32, #tpu.memory_space<vmem>> -> memref<1x8x128xf32, #tpu.memory_space<vmem>>
      %dma_start3A_700 = tpu.memref_squeeze %dma_start3A_699 : memref<1x8x128xf32, #tpu.memory_space<vmem>> -> memref<8x128xf32, #tpu.memory_space<vmem>>
      %dma_start3A_701 = arith.constant 0 : i32
      %dma_start3A_702 = arith.constant 0 : i32
      %dma_start3A_703 = tpu.memref_slice %arg4[%shift_right_logical3A_563, %dma_start3A_696, %add3A_568, %dma_start3A_701, %dma_start3A_702] : memref<50x8x128x8x128xf32, #tpu.memory_space<hbm>> -> memref<1x1x1x8x128xf32, #tpu.memory_space<hbm>>
      %dma_start3A_704 = tpu.memref_squeeze %dma_start3A_703 : memref<1x1x1x8x128xf32, #tpu.memory_space<hbm>> -> memref<8x128xf32, #tpu.memory_space<hbm>>
      %dma_start3A_705 = arith.constant 0 : i32
      %dma_start3A_706 = arith.constant 0 : i32
      %dma_start3A_707 = tpu.memref_slice %arg4[%shift_right_logical3A_563, %dma_start3A_696, %add3A_568, %dma_start3A_705, %dma_start3A_706] : memref<50x8x128x8x128xf32, #tpu.memory_space<hbm>> -> memref<1x1x1x8x128xf32, #tpu.memory_space<hbm>>
      %dma_start3A_708 = tpu.memref_squeeze %dma_start3A_707 : memref<1x1x1x8x128xf32, #tpu.memory_space<hbm>> -> memref<8x128xf32, #tpu.memory_space<hbm>>
      %dma_start3A_709 = arith.constant 56 : i32
      %dma_start3A_710 = arith.constant 0 : i32
      %dma_start3A_711 = tpu.memref_slice %arg8[%dma_start3A_695, %dma_start3A_709, %dma_start3A_710] : memref<2x64x128xf32, #tpu.memory_space<vmem>> -> memref<1x8x128xf32, #tpu.memory_space<vmem>>
      %dma_start3A_712 = tpu.memref_squeeze %dma_start3A_711 : memref<1x8x128xf32, #tpu.memory_space<vmem>> -> memref<8x128xf32, #tpu.memory_space<vmem>>
      tpu.enqueue_dma source(%dma_start3A_712 : memref<8x128xf32, #tpu.memory_space<vmem>>) target(%dma_start3A_708 : memref<8x128xf32, #tpu.memory_space<hbm>>) target_semaphore(%arg12 : memref<!tpu.dma_semaphore, #tpu.memory_space<semaphore_mem>>)
    }
    %scan3A_28 = arith.constant 100 : i32
    %dma_wait3A = arith.constant 0 : i32
    %dma_wait3A_29 = arith.constant 0 : i32
    %dma_wait3A_30 = arith.constant 0 : i32
    %dma_wait3A_31 = arith.constant 0 : i32
    %dma_wait3A_32 = arith.constant 0 : i32
    %dma_wait3A_33 = arith.constant 0 : i32
    %dma_wait3A_34 = tpu.memref_slice %arg8[%dma_wait3A, %dma_wait3A_32, %dma_wait3A_33] : memref<2x64x128xf32, #tpu.memory_space<vmem>> -> memref<1x8x128xf32, #tpu.memory_space<vmem>>
    %dma_wait3A_35 = tpu.memref_squeeze %dma_wait3A_34 : memref<1x8x128xf32, #tpu.memory_space<vmem>> -> memref<8x128xf32, #tpu.memory_space<vmem>>
    %dma_wait3A_36 = arith.constant 0 : i32
    %dma_wait3A_37 = arith.constant 0 : i32
    %dma_wait3A_38 = tpu.memref_slice %arg4[%dma_wait3A_29, %dma_wait3A_30, %dma_wait3A_31, %dma_wait3A_36, %dma_wait3A_37] : memref<50x8x128x8x128xf32, #tpu.memory_space<hbm>> -> memref<1x1x1x8x128xf32, #tpu.memory_space<hbm>>
    %dma_wait3A_39 = tpu.memref_squeeze %dma_wait3A_38 : memref<1x1x1x8x128xf32, #tpu.memory_space<hbm>> -> memref<8x128xf32, #tpu.memory_space<hbm>>
    %dma_wait3A_40 = arith.constant 0 : i32
    %dma_wait3A_41 = arith.constant 0 : i32
    %dma_wait3A_42 = tpu.memref_slice %arg4[%dma_wait3A_29, %dma_wait3A_30, %dma_wait3A_31, %dma_wait3A_40, %dma_wait3A_41] : memref<50x8x128x8x128xf32, #tpu.memory_space<hbm>> -> memref<1x1x1x8x128xf32, #tpu.memory_space<hbm>>
    %dma_wait3A_43 = tpu.memref_squeeze %dma_wait3A_42 : memref<1x1x1x8x128xf32, #tpu.memory_space<hbm>> -> memref<8x128xf32, #tpu.memory_space<hbm>>
    %dma_wait3A_44 = arith.constant 0 : i32
    %dma_wait3A_45 = arith.constant 0 : i32
    %dma_wait3A_46 = tpu.memref_slice %arg8[%dma_wait3A, %dma_wait3A_44, %dma_wait3A_45] : memref<2x64x128xf32, #tpu.memory_space<vmem>> -> memref<1x8x128xf32, #tpu.memory_space<vmem>>
    %dma_wait3A_47 = tpu.memref_squeeze %dma_wait3A_46 : memref<1x8x128xf32, #tpu.memory_space<vmem>> -> memref<8x128xf32, #tpu.memory_space<vmem>>
    tpu.wait_dma2 semaphore(%arg11 : memref<!tpu.dma_semaphore, #tpu.memory_space<semaphore_mem>>) src(%dma_wait3A_47 : memref<8x128xf32, #tpu.memory_space<vmem>>) dst(%dma_wait3A_43 : memref<8x128xf32, #tpu.memory_space<hbm>>)
    %dma_wait3A_48 = arith.constant 0 : i32
    %dma_wait3A_49 = arith.constant 0 : i32
    %dma_wait3A_50 = arith.constant 0 : i32
    %dma_wait3A_51 = arith.constant 0 : i32
    %dma_wait3A_52 = arith.constant 0 : i32
    %dma_wait3A_53 = arith.constant 0 : i32
    %dma_wait3A_54 = tpu.memref_slice %arg8[%dma_wait3A_48, %dma_wait3A_52, %dma_wait3A_53] : memref<2x64x128xf32, #tpu.memory_space<vmem>> -> memref<1x8x128xf32, #tpu.memory_space<vmem>>
    %dma_wait3A_55 = tpu.memref_squeeze %dma_wait3A_54 : memref<1x8x128xf32, #tpu.memory_space<vmem>> -> memref<8x128xf32, #tpu.memory_space<vmem>>
    %dma_wait3A_56 = arith.constant 0 : i32
    %dma_wait3A_57 = arith.constant 0 : i32
    %dma_wait3A_58 = tpu.memref_slice %arg4[%dma_wait3A_49, %dma_wait3A_50, %dma_wait3A_51, %dma_wait3A_56, %dma_wait3A_57] : memref<50x8x128x8x128xf32, #tpu.memory_space<hbm>> -> memref<1x1x1x8x128xf32, #tpu.memory_space<hbm>>
    %dma_wait3A_59 = tpu.memref_squeeze %dma_wait3A_58 : memref<1x1x1x8x128xf32, #tpu.memory_space<hbm>> -> memref<8x128xf32, #tpu.memory_space<hbm>>
    %dma_wait3A_60 = arith.constant 0 : i32
    %dma_wait3A_61 = arith.constant 0 : i32
    %dma_wait3A_62 = tpu.memref_slice %arg4[%dma_wait3A_49, %dma_wait3A_50, %dma_wait3A_51, %dma_wait3A_60, %dma_wait3A_61] : memref<50x8x128x8x128xf32, #tpu.memory_space<hbm>> -> memref<1x1x1x8x128xf32, #tpu.memory_space<hbm>>
    %dma_wait3A_63 = tpu.memref_squeeze %dma_wait3A_62 : memref<1x1x1x8x128xf32, #tpu.memory_space<hbm>> -> memref<8x128xf32, #tpu.memory_space<hbm>>
    %dma_wait3A_64 = arith.constant 0 : i32
    %dma_wait3A_65 = arith.constant 0 : i32
    %dma_wait3A_66 = tpu.memref_slice %arg8[%dma_wait3A_48, %dma_wait3A_64, %dma_wait3A_65] : memref<2x64x128xf32, #tpu.memory_space<vmem>> -> memref<1x8x128xf32, #tpu.memory_space<vmem>>
    %dma_wait3A_67 = tpu.memref_squeeze %dma_wait3A_66 : memref<1x8x128xf32, #tpu.memory_space<vmem>> -> memref<8x128xf32, #tpu.memory_space<vmem>>
    tpu.wait_dma2 semaphore(%arg11 : memref<!tpu.dma_semaphore, #tpu.memory_space<semaphore_mem>>) src(%dma_wait3A_67 : memref<8x128xf32, #tpu.memory_space<vmem>>) dst(%dma_wait3A_63 : memref<8x128xf32, #tpu.memory_space<hbm>>)
    %dma_wait3A_68 = arith.constant 0 : i32
    %dma_wait3A_69 = arith.constant 0 : i32
    %dma_wait3A_70 = arith.constant 0 : i32
    %dma_wait3A_71 = arith.constant 0 : i32
    %dma_wait3A_72 = arith.constant 0 : i32
    %dma_wait3A_73 = arith.constant 0 : i32
    %dma_wait3A_74 = tpu.memref_slice %arg8[%dma_wait3A_68, %dma_wait3A_72, %dma_wait3A_73] : memref<2x64x128xf32, #tpu.memory_space<vmem>> -> memref<1x8x128xf32, #tpu.memory_space<vmem>>
    %dma_wait3A_75 = tpu.memref_squeeze %dma_wait3A_74 : memref<1x8x128xf32, #tpu.memory_space<vmem>> -> memref<8x128xf32, #tpu.memory_space<vmem>>
    %dma_wait3A_76 = arith.constant 0 : i32
    %dma_wait3A_77 = arith.constant 0 : i32
    %dma_wait3A_78 = tpu.memref_slice %arg4[%dma_wait3A_69, %dma_wait3A_70, %dma_wait3A_71, %dma_wait3A_76, %dma_wait3A_77] : memref<50x8x128x8x128xf32, #tpu.memory_space<hbm>> -> memref<1x1x1x8x128xf32, #tpu.memory_space<hbm>>
    %dma_wait3A_79 = tpu.memref_squeeze %dma_wait3A_78 : memref<1x1x1x8x128xf32, #tpu.memory_space<hbm>> -> memref<8x128xf32, #tpu.memory_space<hbm>>
    %dma_wait3A_80 = arith.constant 0 : i32
    %dma_wait3A_81 = arith.constant 0 : i32
    %dma_wait3A_82 = tpu.memref_slice %arg4[%dma_wait3A_69, %dma_wait3A_70, %dma_wait3A_71, %dma_wait3A_80, %dma_wait3A_81] : memref<50x8x128x8x128xf32, #tpu.memory_space<hbm>> -> memref<1x1x1x8x128xf32, #tpu.memory_space<hbm>>
    %dma_wait3A_83 = tpu.memref_squeeze %dma_wait3A_82 : memref<1x1x1x8x128xf32, #tpu.memory_space<hbm>> -> memref<8x128xf32, #tpu.memory_space<hbm>>
    %dma_wait3A_84 = arith.constant 0 : i32
    %dma_wait3A_85 = arith.constant 0 : i32
    %dma_wait3A_86 = tpu.memref_slice %arg8[%dma_wait3A_68, %dma_wait3A_84, %dma_wait3A_85] : memref<2x64x128xf32, #tpu.memory_space<vmem>> -> memref<1x8x128xf32, #tpu.memory_space<vmem>>
    %dma_wait3A_87 = tpu.memref_squeeze %dma_wait3A_86 : memref<1x8x128xf32, #tpu.memory_space<vmem>> -> memref<8x128xf32, #tpu.memory_space<vmem>>
    tpu.wait_dma2 semaphore(%arg11 : memref<!tpu.dma_semaphore, #tpu.memory_space<semaphore_mem>>) src(%dma_wait3A_87 : memref<8x128xf32, #tpu.memory_space<vmem>>) dst(%dma_wait3A_83 : memref<8x128xf32, #tpu.memory_space<hbm>>)
    %dma_wait3A_88 = arith.constant 0 : i32
    %dma_wait3A_89 = arith.constant 0 : i32
    %dma_wait3A_90 = arith.constant 0 : i32
    %dma_wait3A_91 = arith.constant 0 : i32
    %dma_wait3A_92 = arith.constant 0 : i32
    %dma_wait3A_93 = arith.constant 0 : i32
    %dma_wait3A_94 = tpu.memref_slice %arg8[%dma_wait3A_88, %dma_wait3A_92, %dma_wait3A_93] : memref<2x64x128xf32, #tpu.memory_space<vmem>> -> memref<1x8x128xf32, #tpu.memory_space<vmem>>
    %dma_wait3A_95 = tpu.memref_squeeze %dma_wait3A_94 : memref<1x8x128xf32, #tpu.memory_space<vmem>> -> memref<8x128xf32, #tpu.memory_space<vmem>>
    %dma_wait3A_96 = arith.constant 0 : i32
    %dma_wait3A_97 = arith.constant 0 : i32
    %dma_wait3A_98 = tpu.memref_slice %arg4[%dma_wait3A_89, %dma_wait3A_90, %dma_wait3A_91, %dma_wait3A_96, %dma_wait3A_97] : memref<50x8x128x8x128xf32, #tpu.memory_space<hbm>> -> memref<1x1x1x8x128xf32, #tpu.memory_space<hbm>>
    %dma_wait3A_99 = tpu.memref_squeeze %dma_wait3A_98 : memref<1x1x1x8x128xf32, #tpu.memory_space<hbm>> -> memref<8x128xf32, #tpu.memory_space<hbm>>
    %dma_wait3A_100 = arith.constant 0 : i32
    %dma_wait3A_101 = arith.constant 0 : i32
    %dma_wait3A_102 = tpu.memref_slice %arg4[%dma_wait3A_89, %dma_wait3A_90, %dma_wait3A_91, %dma_wait3A_100, %dma_wait3A_101] : memref<50x8x128x8x128xf32, #tpu.memory_space<hbm>> -> memref<1x1x1x8x128xf32, #tpu.memory_space<hbm>>
    %dma_wait3A_103 = tpu.memref_squeeze %dma_wait3A_102 : memref<1x1x1x8x128xf32, #tpu.memory_space<hbm>> -> memref<8x128xf32, #tpu.memory_space<hbm>>
    %dma_wait3A_104 = arith.constant 0 : i32
    %dma_wait3A_105 = arith.constant 0 : i32
    %dma_wait3A_106 = tpu.memref_slice %arg8[%dma_wait3A_88, %dma_wait3A_104, %dma_wait3A_105] : memref<2x64x128xf32, #tpu.memory_space<vmem>> -> memref<1x8x128xf32, #tpu.memory_space<vmem>>
    %dma_wait3A_107 = tpu.memref_squeeze %dma_wait3A_106 : memref<1x8x128xf32, #tpu.memory_space<vmem>> -> memref<8x128xf32, #tpu.memory_space<vmem>>
    tpu.wait_dma2 semaphore(%arg11 : memref<!tpu.dma_semaphore, #tpu.memory_space<semaphore_mem>>) src(%dma_wait3A_107 : memref<8x128xf32, #tpu.memory_space<vmem>>) dst(%dma_wait3A_103 : memref<8x128xf32, #tpu.memory_space<hbm>>)
    %dma_wait3A_108 = arith.constant 0 : i32
    %dma_wait3A_109 = arith.constant 0 : i32
    %dma_wait3A_110 = arith.constant 0 : i32
    %dma_wait3A_111 = arith.constant 0 : i32
    %dma_wait3A_112 = arith.constant 0 : i32
    %dma_wait3A_113 = arith.constant 0 : i32
    %dma_wait3A_114 = tpu.memref_slice %arg8[%dma_wait3A_108, %dma_wait3A_112, %dma_wait3A_113] : memref<2x64x128xf32, #tpu.memory_space<vmem>> -> memref<1x8x128xf32, #tpu.memory_space<vmem>>
    %dma_wait3A_115 = tpu.memref_squeeze %dma_wait3A_114 : memref<1x8x128xf32, #tpu.memory_space<vmem>> -> memref<8x128xf32, #tpu.memory_space<vmem>>
    %dma_wait3A_116 = arith.constant 0 : i32
    %dma_wait3A_117 = arith.constant 0 : i32
    %dma_wait3A_118 = tpu.memref_slice %arg4[%dma_wait3A_109, %dma_wait3A_110, %dma_wait3A_111, %dma_wait3A_116, %dma_wait3A_117] : memref<50x8x128x8x128xf32, #tpu.memory_space<hbm>> -> memref<1x1x1x8x128xf32, #tpu.memory_space<hbm>>
    %dma_wait3A_119 = tpu.memref_squeeze %dma_wait3A_118 : memref<1x1x1x8x128xf32, #tpu.memory_space<hbm>> -> memref<8x128xf32, #tpu.memory_space<hbm>>
    %dma_wait3A_120 = arith.constant 0 : i32
    %dma_wait3A_121 = arith.constant 0 : i32
    %dma_wait3A_122 = tpu.memref_slice %arg4[%dma_wait3A_109, %dma_wait3A_110, %dma_wait3A_111, %dma_wait3A_120, %dma_wait3A_121] : memref<50x8x128x8x128xf32, #tpu.memory_space<hbm>> -> memref<1x1x1x8x128xf32, #tpu.memory_space<hbm>>
    %dma_wait3A_123 = tpu.memref_squeeze %dma_wait3A_122 : memref<1x1x1x8x128xf32, #tpu.memory_space<hbm>> -> memref<8x128xf32, #tpu.memory_space<hbm>>
    %dma_wait3A_124 = arith.constant 0 : i32
    %dma_wait3A_125 = arith.constant 0 : i32
    %dma_wait3A_126 = tpu.memref_slice %arg8[%dma_wait3A_108, %dma_wait3A_124, %dma_wait3A_125] : memref<2x64x128xf32, #tpu.memory_space<vmem>> -> memref<1x8x128xf32, #tpu.memory_space<vmem>>
    %dma_wait3A_127 = tpu.memref_squeeze %dma_wait3A_126 : memref<1x8x128xf32, #tpu.memory_space<vmem>> -> memref<8x128xf32, #tpu.memory_space<vmem>>
    tpu.wait_dma2 semaphore(%arg11 : memref<!tpu.dma_semaphore, #tpu.memory_space<semaphore_mem>>) src(%dma_wait3A_127 : memref<8x128xf32, #tpu.memory_space<vmem>>) dst(%dma_wait3A_123 : memref<8x128xf32, #tpu.memory_space<hbm>>)
    %dma_wait3A_128 = arith.constant 0 : i32
    %dma_wait3A_129 = arith.constant 0 : i32
    %dma_wait3A_130 = arith.constant 0 : i32
    %dma_wait3A_131 = arith.constant 0 : i32
    %dma_wait3A_132 = arith.constant 0 : i32
    %dma_wait3A_133 = arith.constant 0 : i32
    %dma_wait3A_134 = tpu.memref_slice %arg8[%dma_wait3A_128, %dma_wait3A_132, %dma_wait3A_133] : memref<2x64x128xf32, #tpu.memory_space<vmem>> -> memref<1x8x128xf32, #tpu.memory_space<vmem>>
    %dma_wait3A_135 = tpu.memref_squeeze %dma_wait3A_134 : memref<1x8x128xf32, #tpu.memory_space<vmem>> -> memref<8x128xf32, #tpu.memory_space<vmem>>
    %dma_wait3A_136 = arith.constant 0 : i32
    %dma_wait3A_137 = arith.constant 0 : i32
    %dma_wait3A_138 = tpu.memref_slice %arg4[%dma_wait3A_129, %dma_wait3A_130, %dma_wait3A_131, %dma_wait3A_136, %dma_wait3A_137] : memref<50x8x128x8x128xf32, #tpu.memory_space<hbm>> -> memref<1x1x1x8x128xf32, #tpu.memory_space<hbm>>
    %dma_wait3A_139 = tpu.memref_squeeze %dma_wait3A_138 : memref<1x1x1x8x128xf32, #tpu.memory_space<hbm>> -> memref<8x128xf32, #tpu.memory_space<hbm>>
    %dma_wait3A_140 = arith.constant 0 : i32
    %dma_wait3A_141 = arith.constant 0 : i32
    %dma_wait3A_142 = tpu.memref_slice %arg4[%dma_wait3A_129, %dma_wait3A_130, %dma_wait3A_131, %dma_wait3A_140, %dma_wait3A_141] : memref<50x8x128x8x128xf32, #tpu.memory_space<hbm>> -> memref<1x1x1x8x128xf32, #tpu.memory_space<hbm>>
    %dma_wait3A_143 = tpu.memref_squeeze %dma_wait3A_142 : memref<1x1x1x8x128xf32, #tpu.memory_space<hbm>> -> memref<8x128xf32, #tpu.memory_space<hbm>>
    %dma_wait3A_144 = arith.constant 0 : i32
    %dma_wait3A_145 = arith.constant 0 : i32
    %dma_wait3A_146 = tpu.memref_slice %arg8[%dma_wait3A_128, %dma_wait3A_144, %dma_wait3A_145] : memref<2x64x128xf32, #tpu.memory_space<vmem>> -> memref<1x8x128xf32, #tpu.memory_space<vmem>>
    %dma_wait3A_147 = tpu.memref_squeeze %dma_wait3A_146 : memref<1x8x128xf32, #tpu.memory_space<vmem>> -> memref<8x128xf32, #tpu.memory_space<vmem>>
    tpu.wait_dma2 semaphore(%arg11 : memref<!tpu.dma_semaphore, #tpu.memory_space<semaphore_mem>>) src(%dma_wait3A_147 : memref<8x128xf32, #tpu.memory_space<vmem>>) dst(%dma_wait3A_143 : memref<8x128xf32, #tpu.memory_space<hbm>>)
    %dma_wait3A_148 = arith.constant 0 : i32
    %dma_wait3A_149 = arith.constant 0 : i32
    %dma_wait3A_150 = arith.constant 0 : i32
    %dma_wait3A_151 = arith.constant 0 : i32
    %dma_wait3A_152 = arith.constant 0 : i32
    %dma_wait3A_153 = arith.constant 0 : i32
    %dma_wait3A_154 = tpu.memref_slice %arg8[%dma_wait3A_148, %dma_wait3A_152, %dma_wait3A_153] : memref<2x64x128xf32, #tpu.memory_space<vmem>> -> memref<1x8x128xf32, #tpu.memory_space<vmem>>
    %dma_wait3A_155 = tpu.memref_squeeze %dma_wait3A_154 : memref<1x8x128xf32, #tpu.memory_space<vmem>> -> memref<8x128xf32, #tpu.memory_space<vmem>>
    %dma_wait3A_156 = arith.constant 0 : i32
    %dma_wait3A_157 = arith.constant 0 : i32
    %dma_wait3A_158 = tpu.memref_slice %arg4[%dma_wait3A_149, %dma_wait3A_150, %dma_wait3A_151, %dma_wait3A_156, %dma_wait3A_157] : memref<50x8x128x8x128xf32, #tpu.memory_space<hbm>> -> memref<1x1x1x8x128xf32, #tpu.memory_space<hbm>>
    %dma_wait3A_159 = tpu.memref_squeeze %dma_wait3A_158 : memref<1x1x1x8x128xf32, #tpu.memory_space<hbm>> -> memref<8x128xf32, #tpu.memory_space<hbm>>
    %dma_wait3A_160 = arith.constant 0 : i32
    %dma_wait3A_161 = arith.constant 0 : i32
    %dma_wait3A_162 = tpu.memref_slice %arg4[%dma_wait3A_149, %dma_wait3A_150, %dma_wait3A_151, %dma_wait3A_160, %dma_wait3A_161] : memref<50x8x128x8x128xf32, #tpu.memory_space<hbm>> -> memref<1x1x1x8x128xf32, #tpu.memory_space<hbm>>
    %dma_wait3A_163 = tpu.memref_squeeze %dma_wait3A_162 : memref<1x1x1x8x128xf32, #tpu.memory_space<hbm>> -> memref<8x128xf32, #tpu.memory_space<hbm>>
    %dma_wait3A_164 = arith.constant 0 : i32
    %dma_wait3A_165 = arith.constant 0 : i32
    %dma_wait3A_166 = tpu.memref_slice %arg8[%dma_wait3A_148, %dma_wait3A_164, %dma_wait3A_165] : memref<2x64x128xf32, #tpu.memory_space<vmem>> -> memref<1x8x128xf32, #tpu.memory_space<vmem>>
    %dma_wait3A_167 = tpu.memref_squeeze %dma_wait3A_166 : memref<1x8x128xf32, #tpu.memory_space<vmem>> -> memref<8x128xf32, #tpu.memory_space<vmem>>
    tpu.wait_dma2 semaphore(%arg11 : memref<!tpu.dma_semaphore, #tpu.memory_space<semaphore_mem>>) src(%dma_wait3A_167 : memref<8x128xf32, #tpu.memory_space<vmem>>) dst(%dma_wait3A_163 : memref<8x128xf32, #tpu.memory_space<hbm>>)
    %dma_wait3A_168 = arith.constant 0 : i32
    %dma_wait3A_169 = arith.constant 0 : i32
    %dma_wait3A_170 = arith.constant 0 : i32
    %dma_wait3A_171 = arith.constant 0 : i32
    %dma_wait3A_172 = arith.constant 0 : i32
    %dma_wait3A_173 = arith.constant 0 : i32
    %dma_wait3A_174 = tpu.memref_slice %arg8[%dma_wait3A_168, %dma_wait3A_172, %dma_wait3A_173] : memref<2x64x128xf32, #tpu.memory_space<vmem>> -> memref<1x8x128xf32, #tpu.memory_space<vmem>>
    %dma_wait3A_175 = tpu.memref_squeeze %dma_wait3A_174 : memref<1x8x128xf32, #tpu.memory_space<vmem>> -> memref<8x128xf32, #tpu.memory_space<vmem>>
    %dma_wait3A_176 = arith.constant 0 : i32
    %dma_wait3A_177 = arith.constant 0 : i32
    %dma_wait3A_178 = tpu.memref_slice %arg4[%dma_wait3A_169, %dma_wait3A_170, %dma_wait3A_171, %dma_wait3A_176, %dma_wait3A_177] : memref<50x8x128x8x128xf32, #tpu.memory_space<hbm>> -> memref<1x1x1x8x128xf32, #tpu.memory_space<hbm>>
    %dma_wait3A_179 = tpu.memref_squeeze %dma_wait3A_178 : memref<1x1x1x8x128xf32, #tpu.memory_space<hbm>> -> memref<8x128xf32, #tpu.memory_space<hbm>>
    %dma_wait3A_180 = arith.constant 0 : i32
    %dma_wait3A_181 = arith.constant 0 : i32
    %dma_wait3A_182 = tpu.memref_slice %arg4[%dma_wait3A_169, %dma_wait3A_170, %dma_wait3A_171, %dma_wait3A_180, %dma_wait3A_181] : memref<50x8x128x8x128xf32, #tpu.memory_space<hbm>> -> memref<1x1x1x8x128xf32, #tpu.memory_space<hbm>>
    %dma_wait3A_183 = tpu.memref_squeeze %dma_wait3A_182 : memref<1x1x1x8x128xf32, #tpu.memory_space<hbm>> -> memref<8x128xf32, #tpu.memory_space<hbm>>
    %dma_wait3A_184 = arith.constant 0 : i32
    %dma_wait3A_185 = arith.constant 0 : i32
    %dma_wait3A_186 = tpu.memref_slice %arg8[%dma_wait3A_168, %dma_wait3A_184, %dma_wait3A_185] : memref<2x64x128xf32, #tpu.memory_space<vmem>> -> memref<1x8x128xf32, #tpu.memory_space<vmem>>
    %dma_wait3A_187 = tpu.memref_squeeze %dma_wait3A_186 : memref<1x8x128xf32, #tpu.memory_space<vmem>> -> memref<8x128xf32, #tpu.memory_space<vmem>>
    tpu.wait_dma2 semaphore(%arg11 : memref<!tpu.dma_semaphore, #tpu.memory_space<semaphore_mem>>) src(%dma_wait3A_187 : memref<8x128xf32, #tpu.memory_space<vmem>>) dst(%dma_wait3A_183 : memref<8x128xf32, #tpu.memory_space<hbm>>)
    %dma_wait3A_188 = arith.constant 1 : i32
    %dma_wait3A_189 = arith.constant 0 : i32
    %dma_wait3A_190 = arith.constant 0 : i32
    %dma_wait3A_191 = arith.constant 0 : i32
    %dma_wait3A_192 = arith.constant 0 : i32
    %dma_wait3A_193 = arith.constant 0 : i32
    %dma_wait3A_194 = tpu.memref_slice %arg8[%dma_wait3A_188, %dma_wait3A_192, %dma_wait3A_193] : memref<2x64x128xf32, #tpu.memory_space<vmem>> -> memref<1x8x128xf32, #tpu.memory_space<vmem>>
    %dma_wait3A_195 = tpu.memref_squeeze %dma_wait3A_194 : memref<1x8x128xf32, #tpu.memory_space<vmem>> -> memref<8x128xf32, #tpu.memory_space<vmem>>
    %dma_wait3A_196 = arith.constant 0 : i32
    %dma_wait3A_197 = arith.constant 0 : i32
    %dma_wait3A_198 = tpu.memref_slice %arg4[%dma_wait3A_189, %dma_wait3A_190, %dma_wait3A_191, %dma_wait3A_196, %dma_wait3A_197] : memref<50x8x128x8x128xf32, #tpu.memory_space<hbm>> -> memref<1x1x1x8x128xf32, #tpu.memory_space<hbm>>
    %dma_wait3A_199 = tpu.memref_squeeze %dma_wait3A_198 : memref<1x1x1x8x128xf32, #tpu.memory_space<hbm>> -> memref<8x128xf32, #tpu.memory_space<hbm>>
    %dma_wait3A_200 = arith.constant 0 : i32
    %dma_wait3A_201 = arith.constant 0 : i32
    %dma_wait3A_202 = tpu.memref_slice %arg4[%dma_wait3A_189, %dma_wait3A_190, %dma_wait3A_191, %dma_wait3A_200, %dma_wait3A_201] : memref<50x8x128x8x128xf32, #tpu.memory_space<hbm>> -> memref<1x1x1x8x128xf32, #tpu.memory_space<hbm>>
    %dma_wait3A_203 = tpu.memref_squeeze %dma_wait3A_202 : memref<1x1x1x8x128xf32, #tpu.memory_space<hbm>> -> memref<8x128xf32, #tpu.memory_space<hbm>>
    %dma_wait3A_204 = arith.constant 0 : i32
    %dma_wait3A_205 = arith.constant 0 : i32
    %dma_wait3A_206 = tpu.memref_slice %arg8[%dma_wait3A_188, %dma_wait3A_204, %dma_wait3A_205] : memref<2x64x128xf32, #tpu.memory_space<vmem>> -> memref<1x8x128xf32, #tpu.memory_space<vmem>>
    %dma_wait3A_207 = tpu.memref_squeeze %dma_wait3A_206 : memref<1x8x128xf32, #tpu.memory_space<vmem>> -> memref<8x128xf32, #tpu.memory_space<vmem>>
    tpu.wait_dma2 semaphore(%arg12 : memref<!tpu.dma_semaphore, #tpu.memory_space<semaphore_mem>>) src(%dma_wait3A_207 : memref<8x128xf32, #tpu.memory_space<vmem>>) dst(%dma_wait3A_203 : memref<8x128xf32, #tpu.memory_space<hbm>>)
    %dma_wait3A_208 = arith.constant 1 : i32
    %dma_wait3A_209 = arith.constant 0 : i32
    %dma_wait3A_210 = arith.constant 0 : i32
    %dma_wait3A_211 = arith.constant 0 : i32
    %dma_wait3A_212 = arith.constant 0 : i32
    %dma_wait3A_213 = arith.constant 0 : i32
    %dma_wait3A_214 = tpu.memref_slice %arg8[%dma_wait3A_208, %dma_wait3A_212, %dma_wait3A_213] : memref<2x64x128xf32, #tpu.memory_space<vmem>> -> memref<1x8x128xf32, #tpu.memory_space<vmem>>
    %dma_wait3A_215 = tpu.memref_squeeze %dma_wait3A_214 : memref<1x8x128xf32, #tpu.memory_space<vmem>> -> memref<8x128xf32, #tpu.memory_space<vmem>>
    %dma_wait3A_216 = arith.constant 0 : i32
    %dma_wait3A_217 = arith.constant 0 : i32
    %dma_wait3A_218 = tpu.memref_slice %arg4[%dma_wait3A_209, %dma_wait3A_210, %dma_wait3A_211, %dma_wait3A_216, %dma_wait3A_217] : memref<50x8x128x8x128xf32, #tpu.memory_space<hbm>> -> memref<1x1x1x8x128xf32, #tpu.memory_space<hbm>>
    %dma_wait3A_219 = tpu.memref_squeeze %dma_wait3A_218 : memref<1x1x1x8x128xf32, #tpu.memory_space<hbm>> -> memref<8x128xf32, #tpu.memory_space<hbm>>
    %dma_wait3A_220 = arith.constant 0 : i32
    %dma_wait3A_221 = arith.constant 0 : i32
    %dma_wait3A_222 = tpu.memref_slice %arg4[%dma_wait3A_209, %dma_wait3A_210, %dma_wait3A_211, %dma_wait3A_220, %dma_wait3A_221] : memref<50x8x128x8x128xf32, #tpu.memory_space<hbm>> -> memref<1x1x1x8x128xf32, #tpu.memory_space<hbm>>
    %dma_wait3A_223 = tpu.memref_squeeze %dma_wait3A_222 : memref<1x1x1x8x128xf32, #tpu.memory_space<hbm>> -> memref<8x128xf32, #tpu.memory_space<hbm>>
    %dma_wait3A_224 = arith.constant 0 : i32
    %dma_wait3A_225 = arith.constant 0 : i32
    %dma_wait3A_226 = tpu.memref_slice %arg8[%dma_wait3A_208, %dma_wait3A_224, %dma_wait3A_225] : memref<2x64x128xf32, #tpu.memory_space<vmem>> -> memref<1x8x128xf32, #tpu.memory_space<vmem>>
    %dma_wait3A_227 = tpu.memref_squeeze %dma_wait3A_226 : memref<1x8x128xf32, #tpu.memory_space<vmem>> -> memref<8x128xf32, #tpu.memory_space<vmem>>
    tpu.wait_dma2 semaphore(%arg12 : memref<!tpu.dma_semaphore, #tpu.memory_space<semaphore_mem>>) src(%dma_wait3A_227 : memref<8x128xf32, #tpu.memory_space<vmem>>) dst(%dma_wait3A_223 : memref<8x128xf32, #tpu.memory_space<hbm>>)
    %dma_wait3A_228 = arith.constant 1 : i32
    %dma_wait3A_229 = arith.constant 0 : i32
    %dma_wait3A_230 = arith.constant 0 : i32
    %dma_wait3A_231 = arith.constant 0 : i32
    %dma_wait3A_232 = arith.constant 0 : i32
    %dma_wait3A_233 = arith.constant 0 : i32
    %dma_wait3A_234 = tpu.memref_slice %arg8[%dma_wait3A_228, %dma_wait3A_232, %dma_wait3A_233] : memref<2x64x128xf32, #tpu.memory_space<vmem>> -> memref<1x8x128xf32, #tpu.memory_space<vmem>>
    %dma_wait3A_235 = tpu.memref_squeeze %dma_wait3A_234 : memref<1x8x128xf32, #tpu.memory_space<vmem>> -> memref<8x128xf32, #tpu.memory_space<vmem>>
    %dma_wait3A_236 = arith.constant 0 : i32
    %dma_wait3A_237 = arith.constant 0 : i32
    %dma_wait3A_238 = tpu.memref_slice %arg4[%dma_wait3A_229, %dma_wait3A_230, %dma_wait3A_231, %dma_wait3A_236, %dma_wait3A_237] : memref<50x8x128x8x128xf32, #tpu.memory_space<hbm>> -> memref<1x1x1x8x128xf32, #tpu.memory_space<hbm>>
    %dma_wait3A_239 = tpu.memref_squeeze %dma_wait3A_238 : memref<1x1x1x8x128xf32, #tpu.memory_space<hbm>> -> memref<8x128xf32, #tpu.memory_space<hbm>>
    %dma_wait3A_240 = arith.constant 0 : i32
    %dma_wait3A_241 = arith.constant 0 : i32
    %dma_wait3A_242 = tpu.memref_slice %arg4[%dma_wait3A_229, %dma_wait3A_230, %dma_wait3A_231, %dma_wait3A_240, %dma_wait3A_241] : memref<50x8x128x8x128xf32, #tpu.memory_space<hbm>> -> memref<1x1x1x8x128xf32, #tpu.memory_space<hbm>>
    %dma_wait3A_243 = tpu.memref_squeeze %dma_wait3A_242 : memref<1x1x1x8x128xf32, #tpu.memory_space<hbm>> -> memref<8x128xf32, #tpu.memory_space<hbm>>
    %dma_wait3A_244 = arith.constant 0 : i32
    %dma_wait3A_245 = arith.constant 0 : i32
    %dma_wait3A_246 = tpu.memref_slice %arg8[%dma_wait3A_228, %dma_wait3A_244, %dma_wait3A_245] : memref<2x64x128xf32, #tpu.memory_space<vmem>> -> memref<1x8x128xf32, #tpu.memory_space<vmem>>
    %dma_wait3A_247 = tpu.memref_squeeze %dma_wait3A_246 : memref<1x8x128xf32, #tpu.memory_space<vmem>> -> memref<8x128xf32, #tpu.memory_space<vmem>>
    tpu.wait_dma2 semaphore(%arg12 : memref<!tpu.dma_semaphore, #tpu.memory_space<semaphore_mem>>) src(%dma_wait3A_247 : memref<8x128xf32, #tpu.memory_space<vmem>>) dst(%dma_wait3A_243 : memref<8x128xf32, #tpu.memory_space<hbm>>)
    %dma_wait3A_248 = arith.constant 1 : i32
    %dma_wait3A_249 = arith.constant 0 : i32
    %dma_wait3A_250 = arith.constant 0 : i32
    %dma_wait3A_251 = arith.constant 0 : i32
    %dma_wait3A_252 = arith.constant 0 : i32
    %dma_wait3A_253 = arith.constant 0 : i32
    %dma_wait3A_254 = tpu.memref_slice %arg8[%dma_wait3A_248, %dma_wait3A_252, %dma_wait3A_253] : memref<2x64x128xf32, #tpu.memory_space<vmem>> -> memref<1x8x128xf32, #tpu.memory_space<vmem>>
    %dma_wait3A_255 = tpu.memref_squeeze %dma_wait3A_254 : memref<1x8x128xf32, #tpu.memory_space<vmem>> -> memref<8x128xf32, #tpu.memory_space<vmem>>
    %dma_wait3A_256 = arith.constant 0 : i32
    %dma_wait3A_257 = arith.constant 0 : i32
    %dma_wait3A_258 = tpu.memref_slice %arg4[%dma_wait3A_249, %dma_wait3A_250, %dma_wait3A_251, %dma_wait3A_256, %dma_wait3A_257] : memref<50x8x128x8x128xf32, #tpu.memory_space<hbm>> -> memref<1x1x1x8x128xf32, #tpu.memory_space<hbm>>
    %dma_wait3A_259 = tpu.memref_squeeze %dma_wait3A_258 : memref<1x1x1x8x128xf32, #tpu.memory_space<hbm>> -> memref<8x128xf32, #tpu.memory_space<hbm>>
    %dma_wait3A_260 = arith.constant 0 : i32
    %dma_wait3A_261 = arith.constant 0 : i32
    %dma_wait3A_262 = tpu.memref_slice %arg4[%dma_wait3A_249, %dma_wait3A_250, %dma_wait3A_251, %dma_wait3A_260, %dma_wait3A_261] : memref<50x8x128x8x128xf32, #tpu.memory_space<hbm>> -> memref<1x1x1x8x128xf32, #tpu.memory_space<hbm>>
    %dma_wait3A_263 = tpu.memref_squeeze %dma_wait3A_262 : memref<1x1x1x8x128xf32, #tpu.memory_space<hbm>> -> memref<8x128xf32, #tpu.memory_space<hbm>>
    %dma_wait3A_264 = arith.constant 0 : i32
    %dma_wait3A_265 = arith.constant 0 : i32
    %dma_wait3A_266 = tpu.memref_slice %arg8[%dma_wait3A_248, %dma_wait3A_264, %dma_wait3A_265] : memref<2x64x128xf32, #tpu.memory_space<vmem>> -> memref<1x8x128xf32, #tpu.memory_space<vmem>>
    %dma_wait3A_267 = tpu.memref_squeeze %dma_wait3A_266 : memref<1x8x128xf32, #tpu.memory_space<vmem>> -> memref<8x128xf32, #tpu.memory_space<vmem>>
    tpu.wait_dma2 semaphore(%arg12 : memref<!tpu.dma_semaphore, #tpu.memory_space<semaphore_mem>>) src(%dma_wait3A_267 : memref<8x128xf32, #tpu.memory_space<vmem>>) dst(%dma_wait3A_263 : memref<8x128xf32, #tpu.memory_space<hbm>>)
    %dma_wait3A_268 = arith.constant 1 : i32
    %dma_wait3A_269 = arith.constant 0 : i32
    %dma_wait3A_270 = arith.constant 0 : i32
    %dma_wait3A_271 = arith.constant 0 : i32
    %dma_wait3A_272 = arith.constant 0 : i32
    %dma_wait3A_273 = arith.constant 0 : i32
    %dma_wait3A_274 = tpu.memref_slice %arg8[%dma_wait3A_268, %dma_wait3A_272, %dma_wait3A_273] : memref<2x64x128xf32, #tpu.memory_space<vmem>> -> memref<1x8x128xf32, #tpu.memory_space<vmem>>
    %dma_wait3A_275 = tpu.memref_squeeze %dma_wait3A_274 : memref<1x8x128xf32, #tpu.memory_space<vmem>> -> memref<8x128xf32, #tpu.memory_space<vmem>>
    %dma_wait3A_276 = arith.constant 0 : i32
    %dma_wait3A_277 = arith.constant 0 : i32
    %dma_wait3A_278 = tpu.memref_slice %arg4[%dma_wait3A_269, %dma_wait3A_270, %dma_wait3A_271, %dma_wait3A_276, %dma_wait3A_277] : memref<50x8x128x8x128xf32, #tpu.memory_space<hbm>> -> memref<1x1x1x8x128xf32, #tpu.memory_space<hbm>>
    %dma_wait3A_279 = tpu.memref_squeeze %dma_wait3A_278 : memref<1x1x1x8x128xf32, #tpu.memory_space<hbm>> -> memref<8x128xf32, #tpu.memory_space<hbm>>
    %dma_wait3A_280 = arith.constant 0 : i32
    %dma_wait3A_281 = arith.constant 0 : i32
    %dma_wait3A_282 = tpu.memref_slice %arg4[%dma_wait3A_269, %dma_wait3A_270, %dma_wait3A_271, %dma_wait3A_280, %dma_wait3A_281] : memref<50x8x128x8x128xf32, #tpu.memory_space<hbm>> -> memref<1x1x1x8x128xf32, #tpu.memory_space<hbm>>
    %dma_wait3A_283 = tpu.memref_squeeze %dma_wait3A_282 : memref<1x1x1x8x128xf32, #tpu.memory_space<hbm>> -> memref<8x128xf32, #tpu.memory_space<hbm>>
    %dma_wait3A_284 = arith.constant 0 : i32
    %dma_wait3A_285 = arith.constant 0 : i32
    %dma_wait3A_286 = tpu.memref_slice %arg8[%dma_wait3A_268, %dma_wait3A_284, %dma_wait3A_285] : memref<2x64x128xf32, #tpu.memory_space<vmem>> -> memref<1x8x128xf32, #tpu.memory_space<vmem>>
    %dma_wait3A_287 = tpu.memref_squeeze %dma_wait3A_286 : memref<1x8x128xf32, #tpu.memory_space<vmem>> -> memref<8x128xf32, #tpu.memory_space<vmem>>
    tpu.wait_dma2 semaphore(%arg12 : memref<!tpu.dma_semaphore, #tpu.memory_space<semaphore_mem>>) src(%dma_wait3A_287 : memref<8x128xf32, #tpu.memory_space<vmem>>) dst(%dma_wait3A_283 : memref<8x128xf32, #tpu.memory_space<hbm>>)
    %dma_wait3A_288 = arith.constant 1 : i32
    %dma_wait3A_289 = arith.constant 0 : i32
    %dma_wait3A_290 = arith.constant 0 : i32
    %dma_wait3A_291 = arith.constant 0 : i32
    %dma_wait3A_292 = arith.constant 0 : i32
    %dma_wait3A_293 = arith.constant 0 : i32
    %dma_wait3A_294 = tpu.memref_slice %arg8[%dma_wait3A_288, %dma_wait3A_292, %dma_wait3A_293] : memref<2x64x128xf32, #tpu.memory_space<vmem>> -> memref<1x8x128xf32, #tpu.memory_space<vmem>>
    %dma_wait3A_295 = tpu.memref_squeeze %dma_wait3A_294 : memref<1x8x128xf32, #tpu.memory_space<vmem>> -> memref<8x128xf32, #tpu.memory_space<vmem>>
    %dma_wait3A_296 = arith.constant 0 : i32
    %dma_wait3A_297 = arith.constant 0 : i32
    %dma_wait3A_298 = tpu.memref_slice %arg4[%dma_wait3A_289, %dma_wait3A_290, %dma_wait3A_291, %dma_wait3A_296, %dma_wait3A_297] : memref<50x8x128x8x128xf32, #tpu.memory_space<hbm>> -> memref<1x1x1x8x128xf32, #tpu.memory_space<hbm>>
    %dma_wait3A_299 = tpu.memref_squeeze %dma_wait3A_298 : memref<1x1x1x8x128xf32, #tpu.memory_space<hbm>> -> memref<8x128xf32, #tpu.memory_space<hbm>>
    %dma_wait3A_300 = arith.constant 0 : i32
    %dma_wait3A_301 = arith.constant 0 : i32
    %dma_wait3A_302 = tpu.memref_slice %arg4[%dma_wait3A_289, %dma_wait3A_290, %dma_wait3A_291, %dma_wait3A_300, %dma_wait3A_301] : memref<50x8x128x8x128xf32, #tpu.memory_space<hbm>> -> memref<1x1x1x8x128xf32, #tpu.memory_space<hbm>>
    %dma_wait3A_303 = tpu.memref_squeeze %dma_wait3A_302 : memref<1x1x1x8x128xf32, #tpu.memory_space<hbm>> -> memref<8x128xf32, #tpu.memory_space<hbm>>
    %dma_wait3A_304 = arith.constant 0 : i32
    %dma_wait3A_305 = arith.constant 0 : i32
    %dma_wait3A_306 = tpu.memref_slice %arg8[%dma_wait3A_288, %dma_wait3A_304, %dma_wait3A_305] : memref<2x64x128xf32, #tpu.memory_space<vmem>> -> memref<1x8x128xf32, #tpu.memory_space<vmem>>
    %dma_wait3A_307 = tpu.memref_squeeze %dma_wait3A_306 : memref<1x8x128xf32, #tpu.memory_space<vmem>> -> memref<8x128xf32, #tpu.memory_space<vmem>>
    tpu.wait_dma2 semaphore(%arg12 : memref<!tpu.dma_semaphore, #tpu.memory_space<semaphore_mem>>) src(%dma_wait3A_307 : memref<8x128xf32, #tpu.memory_space<vmem>>) dst(%dma_wait3A_303 : memref<8x128xf32, #tpu.memory_space<hbm>>)
    %dma_wait3A_308 = arith.constant 1 : i32
    %dma_wait3A_309 = arith.constant 0 : i32
    %dma_wait3A_310 = arith.constant 0 : i32
    %dma_wait3A_311 = arith.constant 0 : i32
    %dma_wait3A_312 = arith.constant 0 : i32
    %dma_wait3A_313 = arith.constant 0 : i32
    %dma_wait3A_314 = tpu.memref_slice %arg8[%dma_wait3A_308, %dma_wait3A_312, %dma_wait3A_313] : memref<2x64x128xf32, #tpu.memory_space<vmem>> -> memref<1x8x128xf32, #tpu.memory_space<vmem>>
    %dma_wait3A_315 = tpu.memref_squeeze %dma_wait3A_314 : memref<1x8x128xf32, #tpu.memory_space<vmem>> -> memref<8x128xf32, #tpu.memory_space<vmem>>
    %dma_wait3A_316 = arith.constant 0 : i32
    %dma_wait3A_317 = arith.constant 0 : i32
    %dma_wait3A_318 = tpu.memref_slice %arg4[%dma_wait3A_309, %dma_wait3A_310, %dma_wait3A_311, %dma_wait3A_316, %dma_wait3A_317] : memref<50x8x128x8x128xf32, #tpu.memory_space<hbm>> -> memref<1x1x1x8x128xf32, #tpu.memory_space<hbm>>
    %dma_wait3A_319 = tpu.memref_squeeze %dma_wait3A_318 : memref<1x1x1x8x128xf32, #tpu.memory_space<hbm>> -> memref<8x128xf32, #tpu.memory_space<hbm>>
    %dma_wait3A_320 = arith.constant 0 : i32
    %dma_wait3A_321 = arith.constant 0 : i32
    %dma_wait3A_322 = tpu.memref_slice %arg4[%dma_wait3A_309, %dma_wait3A_310, %dma_wait3A_311, %dma_wait3A_320, %dma_wait3A_321] : memref<50x8x128x8x128xf32, #tpu.memory_space<hbm>> -> memref<1x1x1x8x128xf32, #tpu.memory_space<hbm>>
    %dma_wait3A_323 = tpu.memref_squeeze %dma_wait3A_322 : memref<1x1x1x8x128xf32, #tpu.memory_space<hbm>> -> memref<8x128xf32, #tpu.memory_space<hbm>>
    %dma_wait3A_324 = arith.constant 0 : i32
    %dma_wait3A_325 = arith.constant 0 : i32
    %dma_wait3A_326 = tpu.memref_slice %arg8[%dma_wait3A_308, %dma_wait3A_324, %dma_wait3A_325] : memref<2x64x128xf32, #tpu.memory_space<vmem>> -> memref<1x8x128xf32, #tpu.memory_space<vmem>>
    %dma_wait3A_327 = tpu.memref_squeeze %dma_wait3A_326 : memref<1x8x128xf32, #tpu.memory_space<vmem>> -> memref<8x128xf32, #tpu.memory_space<vmem>>
    tpu.wait_dma2 semaphore(%arg12 : memref<!tpu.dma_semaphore, #tpu.memory_space<semaphore_mem>>) src(%dma_wait3A_327 : memref<8x128xf32, #tpu.memory_space<vmem>>) dst(%dma_wait3A_323 : memref<8x128xf32, #tpu.memory_space<hbm>>)
    %dma_wait3A_328 = arith.constant 1 : i32
    %dma_wait3A_329 = arith.constant 0 : i32
    %dma_wait3A_330 = arith.constant 0 : i32
    %dma_wait3A_331 = arith.constant 0 : i32
    %dma_wait3A_332 = arith.constant 0 : i32
    %dma_wait3A_333 = arith.constant 0 : i32
    %dma_wait3A_334 = tpu.memref_slice %arg8[%dma_wait3A_328, %dma_wait3A_332, %dma_wait3A_333] : memref<2x64x128xf32, #tpu.memory_space<vmem>> -> memref<1x8x128xf32, #tpu.memory_space<vmem>>
    %dma_wait3A_335 = tpu.memref_squeeze %dma_wait3A_334 : memref<1x8x128xf32, #tpu.memory_space<vmem>> -> memref<8x128xf32, #tpu.memory_space<vmem>>
    %dma_wait3A_336 = arith.constant 0 : i32
    %dma_wait3A_337 = arith.constant 0 : i32
    %dma_wait3A_338 = tpu.memref_slice %arg4[%dma_wait3A_329, %dma_wait3A_330, %dma_wait3A_331, %dma_wait3A_336, %dma_wait3A_337] : memref<50x8x128x8x128xf32, #tpu.memory_space<hbm>> -> memref<1x1x1x8x128xf32, #tpu.memory_space<hbm>>
    %dma_wait3A_339 = tpu.memref_squeeze %dma_wait3A_338 : memref<1x1x1x8x128xf32, #tpu.memory_space<hbm>> -> memref<8x128xf32, #tpu.memory_space<hbm>>
    %dma_wait3A_340 = arith.constant 0 : i32
    %dma_wait3A_341 = arith.constant 0 : i32
    %dma_wait3A_342 = tpu.memref_slice %arg4[%dma_wait3A_329, %dma_wait3A_330, %dma_wait3A_331, %dma_wait3A_340, %dma_wait3A_341] : memref<50x8x128x8x128xf32, #tpu.memory_space<hbm>> -> memref<1x1x1x8x128xf32, #tpu.memory_space<hbm>>
    %dma_wait3A_343 = tpu.memref_squeeze %dma_wait3A_342 : memref<1x1x1x8x128xf32, #tpu.memory_space<hbm>> -> memref<8x128xf32, #tpu.memory_space<hbm>>
    %dma_wait3A_344 = arith.constant 0 : i32
    %dma_wait3A_345 = arith.constant 0 : i32
    %dma_wait3A_346 = tpu.memref_slice %arg8[%dma_wait3A_328, %dma_wait3A_344, %dma_wait3A_345] : memref<2x64x128xf32, #tpu.memory_space<vmem>> -> memref<1x8x128xf32, #tpu.memory_space<vmem>>
    %dma_wait3A_347 = tpu.memref_squeeze %dma_wait3A_346 : memref<1x8x128xf32, #tpu.memory_space<vmem>> -> memref<8x128xf32, #tpu.memory_space<vmem>>
    tpu.wait_dma2 semaphore(%arg12 : memref<!tpu.dma_semaphore, #tpu.memory_space<semaphore_mem>>) src(%dma_wait3A_347 : memref<8x128xf32, #tpu.memory_space<vmem>>) dst(%dma_wait3A_343 : memref<8x128xf32, #tpu.memory_space<hbm>>)
    return
  }
}

</mosaic_0001>

<sc_bundles>
// kernel: kernel.3.cloned.1.call-start
scs
__scs_entry_jumppad:
0x0: {  	(pc) =	sbr.rel $0x88, $3  }
0x1: {  	(tag) =	ssettag $0x0;
	lr =	simm.s32 $0x1  }
0x2: {  	[smem:$0x3F9F] =	sst lr;
	_ =	strace $0xD0000000  }
0x3: {  	_ = 	snop  }
0x4: {  	_ = 	snop  }
0x5: {  	_ = 	snop  }
0x6: {  	_ = 	snop  }
0x7: {  	_ = 	snop  }
__scs_overlays_trampoline_lowered:
0x8: {  	[smem:$0x3FAE] =	sst s0  }
0x9: {  	[smem:$0x3FAF] =	sst s1  }
0xa: {  	[smem:$0x3FB0] =	sst s2  }
0xb: {  	[smem:$0x3FB1] =	sst s3  }
0xc: {  	[smem:$0x3FB2] =	sst s4  }
0xd: {  	[smem:$0x3FB3] =	sst s5  }
0xe: {  	[smem:$0x3FB4] =	sst s6  }
0xf: {  	[smem:$0x3FB5] =	sst s7  }
0x10: {  	[smem:$0x3FB6] =	sst s8  }
0x11: {  	[smem:$0x3FB7] =	sst s9;
	s0 =	simm.s32 @!p0 $0x0  }
0x12: {  	s1 =	sld [smem:$0x3F9D];
	s0 =	simm.s32 @p0 $0x1  }
0x13: {  	[smem:$0x3FB8] =	sst s0;
	s0 =	simm.s32 @!p1 $0x0  }
0x14: {  	s2 =	sld [smem:$0x3F9C];
	s0 =	simm.s32 @p1 $0x1  }
0x15: {  	[smem:$0x3FB9] =	sst s0;
	s0 =	simm.s32 @!p2 $0x0  }
0x16: {  	s3 =	sld [smem:$0x3FDB];
	s0 =	simm.s32 @p2 $0x1  }
0x17: {  	s4 =	simm.s32 $0x1BF5;
	[smem:$0x3FBB] =	sst s0  }
0x18: {  	s0 =	sld [smem:$0x3F9E];
	_ =	swait.ge [sflag:s4], $0x0  }
0x19: {  	s7 =	sld [smem:$0x3F9F]  }
0x1a: {  	s8 =	sadd.s32 $0xFFFFE003, lr  }
0x1b: {  	s9 =	sadd.s32 $0xFFFFFEF7, lr;
	s5 =	simm.s32 $0xFFFFFFFF;
	p2 =	slt.u32 s8, $0xFFFFF086  }
0x1c: {  	p1 =	slt.u32 s9, $0xF7A;
	s5 =	simm.s32 @!p2 $0x0  }
0x1d: {  	s5 =	simm.s32 @p1 $0x1;
	p0 =	seq.s32 s7, s2  }
0x1e: {  	s7 =	smul.u32 @!p0 $0xF7A, s2;
	p2 =	seq.s32 @!p0 s5, $0x0  }
0x1f: {  	s9 =	smul.u32 $0xF7A, s1;
	s8 =	simm.s32 @!p0 $0x1BF5;
	p2 =	por !p2, p0  }
0x20: {  	[sflag:s8] =	ssyncset.s32 @!p0 $0xFFFFF086;
	s6 =	sadd.s32 @!p0 s3, s7;
	s7 =	simm.s32 @!p0 $0x108  }
0x21: {  	s3 =	sadd.s32 s3, s9;
	s6 =	sadd.s32 @!p0 $0x88, s6;
	s7 =	simm.s32 @p2 $0x1082  }
0x22: {  	[simem:s7], [sflag:s8] =	dma.local @!p0 [hbm:s6], $0xF7A  }
0x23: {  	s9 =	sor.u32 $0xD0000000, s2;
	s6 =	simm.s32 $0x108;
	_ =	swait.ge @!p0 [sflag:s8], $0x0  }
0x24: {  	s3 =	sadd.s32 $0x88, s3;
	s6 =	simm.s32 @!p1 $0x1082;
	[sflag:s4] =	ssyncset.s32 $0xFFFFF086  }
0x25: {  	[simem:s6], [sflag:s4] =	dma.local [hbm:s3], $0xF7A  }
0x26: {  	[smem:$0x3F9F] =	sst s1;
	(tag) =	ssettag s2;
	_ =	strace s9  }
0x27: {  	s1 =	sld [smem:$0x3FAF]  }
0x28: {  	s2 =	sld [smem:$0x3FB0]  }
0x29: {  	s4 =	sld [smem:$0x3FB2]  }
0x2a: {  	p0 =	seq.s32 s5, $0x0;
	s5 =	sld [smem:$0x3FB3]  }
0x2b: {  	s6 =	sld [smem:$0x3FB4]  }
0x2c: {  	s7 =	sld [smem:$0x3FB5]  }
0x2d: {  	s3 =	simm.s32 $0x108;
	s8 =	sld [smem:$0x3FB6]  }
0x2e: {  	s3 =	simm.s32 @!p0 $0x1082;
	s9 =	sld [smem:$0x3FB7]  }
0x2f: {  	lr =	sadd.s32 s0, s3;
	s0 =	sld [smem:$0x3FAE]  }
0x30: {  	s3 =	sld [smem:$0x3FB1]  }
0x31: {  	[smem:$0x3FBA] =	sst s10  }
0x32: {  	s10 =	sld [smem:$0x3FB8];
	_ =	sdelay $0x3  }
0x33: {  	p0 =	seq.s32 s10, $0x1;
	s10 =	sld [smem:$0x3FBA];
	_ =	sdelay $0x3  }
0x34: {  	[smem:$0x3FBA] =	sst s10  }
0x35: {  	s10 =	sld [smem:$0x3FB9];
	_ =	sdelay $0x3  }
0x36: {  	p1 =	seq.s32 s10, $0x1;
	s10 =	sld [smem:$0x3FBA];
	_ =	sdelay $0x3  }
0x37: {  	[smem:$0x3FBA] =	sst s10  }
0x38: {  	s10 =	sld [smem:$0x3FBB]  }
0x39: {  	_ = 	snop;
	(pc) =	sbr.ind lr, $3  }
0x3a: {  	_ = 	snop  }
0x3b: {  	_ = 	snop  }
0x3c: {  	p2 =	seq.s32 s10, $0x1;
	s10 =	sld [smem:$0x3FBA]  }
0x3d: {  	_ =	shalt  }
0x3e: {  	_ =	shalt  }
0x3f: {  	_ =	shalt  }
0x40: {  	_ =	shalt  }
0x41: {  	_ =	shalt  }
0x42: {  	_ =	shalt  }
0x43: {  	_ =	shalt  }
0x44: {  	_ =	shalt  }
0x45: {  	_ =	shalt  }
0x46: {  	_ =	shalt  }
0x47: {  	_ =	shalt  }
0x48: {  	_ =	shalt  }
0x49: {  	_ =	shalt  }
0x4a: {  	_ =	shalt  }
0x4b: {  	_ =	shalt  }
0x4c: {  	_ =	shalt  }
0x4d: {  	_ =	shalt  }
0x4e: {  	_ =	shalt  }
0x4f: {  	_ =	shalt  }
0x50: {  	_ =	shalt  }
0x51: {  	_ =	shalt  }
0x52: {  	_ =	shalt  }
0x53: {  	_ =	shalt  }
0x54: {  	_ =	shalt  }
0x55: {  	_ =	shalt  }
0x56: {  	_ =	shalt  }
0x57: {  	_ =	shalt  }
0x58: {  	_ =	shalt  }
0x59: {  	_ =	shalt  }
0x5a: {  	_ =	shalt  }
0x5b: {  	_ =	shalt  }
0x5c: {  	_ =	shalt  }
0x5d: {  	_ =	shalt  }
0x5e: {  	_ =	shalt  }
0x5f: {  	_ =	shalt  }
0x60: {  	_ =	shalt  }
0x61: {  	_ =	shalt  }
0x62: {  	_ =	shalt  }
0x63: {  	_ =	shalt  }
0x64: {  	_ =	shalt  }
0x65: {  	_ =	shalt  }
0x66: {  	_ =	shalt  }
0x67: {  	_ =	shalt  }
0x68: {  	_ =	shalt  }
0x69: {  	_ =	shalt  }
0x6a: {  	_ =	shalt  }
0x6b: {  	_ =	shalt  }
0x6c: {  	_ =	shalt  }
0x6d: {  	_ =	shalt  }
0x6e: {  	_ =	shalt  }
0x6f: {  	_ =	shalt  }
0x70: {  	_ =	shalt  }
0x71: {  	_ =	shalt  }
0x72: {  	_ =	shalt  }
0x73: {  	_ =	shalt  }
0x74: {  	_ =	shalt  }
0x75: {  	_ =	shalt  }
0x76: {  	_ =	shalt  }
0x77: {  	_ =	shalt  }
0x78: {  	_ =	shalt  }
0x79: {  	_ =	shalt  }
0x7a: {  	_ =	shalt  }
0x7b: {  	_ =	shalt  }
0x7c: {  	_ =	shalt  }
0x7d: {  	_ =	shalt  }
0x7e: {  	_ =	shalt  }
0x7f: {  	_ =	shalt  }
0x80: {  	_ =	shalt  }
0x81: {  	_ =	shalt  }
0x82: {  	_ =	shalt  }
0x83: {  	_ =	shalt  }
0x84: {  	_ =	shalt  }
0x85: {  	_ =	shalt  }
0x86: {  	_ =	shalt  }
0x87: {  	_ =	shalt  }
.Lfunc_end0:
.L_simem_size_0:
called_computation_lowered:
.L_overlay_start_0:
0x88: {  	s2 =	sld [smem:$0x3FD9]  }
0x89: {  	s3 =	sld [smem:$0x3FFE];
	_ =	sdelay $0x1  }
0x8a: {  	s1 =	srdreg.scid  }
0x8b: {  	s0 =	sand.u32 $0x1, s1  }
0x8c: {  	s17 =	sshll.u32 s0, $0xA;
	s2 =	sadd.s32 s3, s2  }
0x8d: {  	s2 =	sadd.s32 s2, s17  }
0x8e: {  	[smem:$0x3FC6] =	sst s2  }
0x8f: {  	_ = 	snop  }
0x90: {  	s2 =	sld [smem:$0x3FD0];
	(tm) =	ssettm $0x1  }
0x91: {  	s18 =	sld [smem:$0x3FFB];
	_ =	sdelay $0x3  }
0x92: {  	_ =	strace s18  }
0x93: {  	s3 =	sld [smem:$0x3FFC];
	_ =	sdelay $0x3  }
0x94: {  	_ =	strace s3  }
0x95: {  	s3 =	sld [smem:$0x3FFD];
	_ =	sdelay $0x3  }
0x96: {  	_ =	strace s3  }
0x97: {  	_ =	strace $0x8FFFFFFF  }
0x98: {  	s19 =	sld [smem:$0x3FDB];
	_ =	sdelay $0x1  }
0x99: {  	s4 =	simm.s32 $_scs_section_size  }
0x9a: {  	s5 =	simm.s32 $_size__tile_overlayer_lowered;
	s6 =	simm.s32 $_tile_overlayer_lowered  }
0x9b: {  	s22 =	simm.s32 $0x1BFF;
	s21 =	sshll.u32 s6, $0x1;
	s3 =	sadd.s32 s4, s19  }
0x9c: {  	s7 =	simm.s32 $0x0;
	s20 =	sshll.u32 s5, $0x1;
	s5 =	sadd.s32 s21, s3  }
0x9d: {  	[timem:s7], [sflag:s22] =	dma.local [hbm:s5], s20  }
0x9e: {  	_ =	swait.ge [sflag:s22], s20  }
0x9f: {  	s4 =	ssub.s32 $0x0, s20;
	[sflag:s22] =	ssyncset.done $0x0  }
0xa0: {  	[sflag:s22] =	ssyncadd.s32 s4;
	_ =	sdelay $0x1  }
0xa1: {  	s23 =	simm.s32 $0x1B8B  }
0xa2: {  	_ =	swait.ge [sflag:s23], $0x1  }
0xa3: {  	[sflag:s23] =	ssyncset.done $0x0  }
0xa4: {  	s25 =	simm.s32 $0x1B8E;
	s24 =	sld [smem:$0x3FFE];
	[sflag:s23] =	ssyncadd.s32 $0xFFFFFFFF  }
0xa5: {  	s26 =	simm.s32 $execute0_lowered;
	[smem:$0x3FD2] =	sst s25  }
0xa6: {  	s5 =	sshll.u32 s26, $0x1;
	_ =	strace $0x80000046;
	[dreg:$0x1] =	wrdreg $0xFFFFFFFF  }
0xa7: {  	s28 =	simm.s32 $_size_execute0_lowered;
	s3 =	sadd.s32 s3, s5;
	[dreg:$0x0] =	wrdreg $0x0  }
0xa8: {  	s5 =	sshll.u32 s28, $0x1;
	[dreg:$0x2] =	wrdreg s3  }
0xa9: {  	[dreg:$0x3] =	wrdreg s5  }
0xaa: {  	[dreg:$0x4] =	wrdreg $0xC0  }
0xab: {  	_ =	task [dreg:s7], $0x5FFFF  }
0xac: {  	[dreg:$0x1] =	wrdreg $0xFFFFFFFF  }
0xad: {  	[dreg:$0x0] =	wrdreg $0x60  }
0xae: {  	[dreg:$0x2] =	wrdreg s24  }
0xaf: {  	[dreg:$0x3] =	wrdreg s2  }
0xb0: {  	[dreg:$0x4] =	wrdreg $0x9  }
0xb1: {  	_ =	task.clear_ibuf [dreg:s7], $0x5FFFF;
	_ =	strace $0x90000046  }
0xb2: {  	s29 =	simm.s32 $0x9;
	_ =	strace $0x80000048  }
0xb3: {  	_ =	swait.ge [sflag:s29], $0x1  }
0xb4: {  	[sflag:s29] =	ssyncadd.s32 $0xFFFFFFFF  }
0xb5: {  	_ =	strace $0x90000048  }
0xb6: {  	_ =	sfence  }
0xb7: {  	s30 =	sld [smem:$0x0];
	_ =	sdelay $0x2  }
0xb8: {  	s31 =	sshll.u32 s1, $0xD;
	s1 =	sshrl.u32 s1, $0x2  }
0xb9: {  	s3 =	sand.u32 $0x4000, s31;
	s1 =	sadd.s32 s1, s30  }
0xba: {  	s0 =	sor.u32 s3, s0;
	s1 =	sshll.u32 s1, $0x11  }
0xbb: {  	s0 =	sor.u32 s1, s0  }
0xbc: {  	s0 =	sadd.s32 $0x8F2B, s0  }
0xbd: {  	[sflag:s0] =	ssyncadd.remote.s32 $0x1  }
0xbe: {  	_ =	sfence.sel $0xFFFF  }
0xbf: {  	[dreg:$0x0] =	wrdreg $0xFFFFFFFF;
	(pc) =	sbr.abs _section_cstart, $3  }
0xc0: {  	[dreg:$0x1] =	wrdreg $0xFFFFFFFF  }
0xc1: {  	_ =	task.clear_ibuf [dreg:s7], $0x2FFFF;
	_ =	strace $0x9FFFFFFF  }
0xc2: {  	(tm) =	ssettm $0x7FFFFFFF  }
0xc3: {  	_ =	shalt  }
tec
execute0_lowered:
.L_overlay_start_1:
0x0: {  	(tag) =	ssettag $0x1  }
0x1: {  	v27 =	vlaneseq.u32  }
0x2: {  	v0 =	vmul.u32 $0x38, v27  }
0x3: {  	s0 =	rddreg [dreg:$0x0];
	s1 =	srdreg.scid  }
0x4: {  	s3 =	stileid.u32;
	s2 =	rddreg [dreg:$0x1];
	s9 =	simm.s32 $0x80;
	v27 =	vmul.u32 $0x40, v27;
	v1 =	vadd.s32 $0x380, v0;
	v2 =	vadd.s32 $0x700, v0  }
0x5: {  	s11 =	simm.s32 $0xD400;
	s12 =	simm.s32 $0xF400;
	s13 =	simm.s32 $0x1;
	v3 =	vadd.s32 $0xA80, v0;
	v4 =	vadd.s32 $0xE00, v0;
	v5 =	vadd.s32 $0x1180, v0  }
0x6: {  	s17 =	simm.s32 $0x12000;
	s18 =	simm.s32 $0x12400;
	s19 =	simm.s32 $0x12800;
	v6 =	vadd.s32 $0x1500, v0;
	v7 =	vadd.s32 $0x1880, v0;
	v8 =	vor.u32 $0x1C00, v0  }
0x7: {  	s20 =	simm.s32 $0x12C00;
	s21 =	simm.s32 $0x13000;
	s22 =	simm.s32 $0x2;
	v9 =	vadd.s32 $0x1F80, v0;
	v10 =	vadd.s32 $0x2300, v0;
	v11 =	vadd.s32 $0x2680, v0  }
0x8: {  	s23 =	simm.s32 $0x4;
	s24 =	simm.s32 $0x13400;
	s28 =	simm.s32 $0x14000;
	v12 =	vadd.s32 $0x2A00, v0;
	v13 =	vadd.s32 $0x2D80, v0;
	v14 =	vadd.s32 $0x3100, v0  }
0x9: {  	s29 =	simm.s32 $0x14400;
	s1 =	sand.u32 $0x1, s1;
	s4 =	sshll.u32 s3, $0x1;
	v15 =	vadd.s32 $0x3480, v0;
	v16 =	vor.u32 $0x3800, v0;
	v17 =	vadd.s32 $0x3B80, v0  }
0xa: {  	s30 =	simm.s32 $0x14800;
	s3 =	simm.s32 $0x0;
	s5 =	sor.u32 s1, s4;
	v18 =	vadd.s32 $0x3F00, v0;
	v19 =	vadd.s32 $0x4280, v0;
	v20 =	vadd.s32 $0x4600, v0  }
0xb: {  	[smem:$0x7FF] =	sst s3;
	s1 =	ssub.s32 $0x2, s1;
	s4 =	smul.u32 $0xE00, s5;
	v21 =	vadd.s32 $0x4980, v0;
	v22 =	vadd.s32 $0x4D00, v0;
	v23 =	vadd.s32 $0x5080, v0  }
0xc: {  	s31 =	simm.s32 $0x14C00;
	_ =	strace $0x80000047;
	s25 =	sshrl.u32 s1, $0x1;
	v24 =	vor.u32 $0x5400, v0;
	v25 =	vadd.s32 $0x5780, v0;
	v26 =	vadd.s32 $0x5B00, v0  }
0xd: {  	v28 =	vadd.s32 $0x5E80, v0;
	v29 =	vadd.s32 $0x6200, v0;
	v30 =	vadd.s32 $0x6580, v0;
	s6 =	sadd.s32 s4, s0;
	s4 =	sadd.s32 $0xF42A00, s0;
	s0 =	ssub.s32 s1, s25  }
0xe: {  	v31 =	vadd.s32 $0x6900, v0;
	v32 =	vadd.s32 $0x6C80, v0;
	v33 =	vor.u32 $0x400, v27;
	s25 =	simm.s32 $0x13800;
	s1 =	simm.s32 $0x15000;
	s26 =	sadd.s32 $0x600, s6  }
0xf: {  	v34 =	vor.u32 $0x800, v27;
	v35 =	vor.u32 $0xC00, v27;
	v36 =	vor.u32 $0x1000, v27;
	s6 =	sshll.u32 s5, $0x2;
	s0 =	smax.u32 s0, $0x1;
	[dreg:$0x3] =	wrdreg s26  }
0x10: {  	v37 =	vor.u32 $0x1400, v27;
	v38 =	vor.u32 $0x1800, v27;
	v39 =	vor.u32 $0x1C00, v27;
	s5 =	simm.s32 $0x0;
	[dreg:$0x4] =	wrdreg s0;
	s26 =	simm.s32 $0x13C00  }
.LBB2_1:
0x11: {  	v40 =	vmov s3  }
0x12: {  	[dreg:$0x5] =	wrdreg s5;
	v40 =	vand.u32 $0x3F, v40  }
0x13: {  	s0 =	rddreg [dreg:$0x3];
	s15 =	simm.s32 $0x5;
	v41 =	vadd.s32 v0, v40  }
0x14: {  	[tilespmem:s3], [sflag:$0x5] =	stream.linear.gather [hbm4b:s0+s3], $0x7000, $0x38;
	[tilespmem:$0x15400] =	vst v63  }
0x15: {  	_ =	swait.ge [sflag:s15], $0x7000  }
0x16: {  	[sflag:s15] =	ssyncset.done $0x0  }
0x17: {  	[sflag:s15] =	ssyncadd.s32 $0xFFFF9000  }
0x18: {  	v41 =	vld.idx.msk [tilespmem:v41+s3+$0x0], $0xffff  }
0x19: {  	v42 =	vadd.s32 v1, v40;
	_ =	sdelay $0x2  }
0x1a: {  	s5 =	simm.s32 $0x7100  }
0x1b: {  	[tilespmem:s5+$0xFFFFFF00] =	vst v41  }
0x1c: {  	v41 =	vld.idx.msk [tilespmem:v42+s3+$0x0], $0xffff  }
0x1d: {  	v53 =	vadd.s32 v2, v40;
	_ =	sdelay $0x3  }
0x1e: {  	[tilespmem:s5+$0xFFFFFF10] =	vst v41  }
0x1f: {  	v41 =	vld.idx.msk [tilespmem:v53+s3+$0x0], $0xffff  }
0x20: {  	v54 =	vadd.s32 v3, v40;
	_ =	sdelay $0x3  }
0x21: {  	[tilespmem:s5+$0xFFFFFF20] =	vst v41  }
0x22: {  	v41 =	vld.idx.msk [tilespmem:v54+s3+$0x0], $0xffff  }
0x23: {  	v55 =	vadd.s32 v4, v40;
	_ =	sdelay $0x3  }
0x24: {  	[tilespmem:s5+$0xFFFFFF30] =	vst v41  }
0x25: {  	v41 =	vld.idx.msk [tilespmem:v55+s3+$0x0], $0xffff  }
0x26: {  	v56 =	vadd.s32 v5, v40;
	_ =	sdelay $0x3  }
0x27: {  	[tilespmem:s5+$0xFFFFFF40] =	vst v41  }
0x28: {  	v41 =	vld.idx.msk [tilespmem:v56+s3+$0x0], $0xffff  }
0x29: {  	v57 =	vadd.s32 v6, v40;
	_ =	sdelay $0x3  }
0x2a: {  	[tilespmem:s5+$0xFFFFFF50] =	vst v41  }
0x2b: {  	v41 =	vld.idx.msk [tilespmem:v57+s3+$0x0], $0xffff  }
0x2c: {  	v58 =	vadd.s32 v7, v40;
	_ =	sdelay $0x3  }
0x2d: {  	[tilespmem:s5+$0xFFFFFF60] =	vst v41  }
0x2e: {  	v41 =	vld.idx.msk [tilespmem:v58+s3+$0x0], $0xffff  }
0x2f: {  	v59 =	vadd.s32 v8, v40;
	_ =	sdelay $0x3  }
0x30: {  	[tilespmem:s5+$0xFFFFFF70] =	vst v41  }
0x31: {  	v41 =	vld.idx.msk [tilespmem:v59+s3+$0x0], $0xffff  }
0x32: {  	v60 =	vadd.s32 v9, v40;
	_ =	sdelay $0x3  }
0x33: {  	[tilespmem:s5+$0xFFFFFF80] =	vst v41  }
0x34: {  	v41 =	vld.idx.msk [tilespmem:v60+s3+$0x0], $0xffff  }
0x35: {  	v61 =	vadd.s32 v10, v40;
	_ =	sdelay $0x3  }
0x36: {  	[tilespmem:s5+$0xFFFFFF90] =	vst v41  }
0x37: {  	v41 =	vld.idx.msk [tilespmem:v61+s3+$0x0], $0xffff  }
0x38: {  	v62 =	vadd.s32 v11, v40;
	_ =	sdelay $0x3  }
0x39: {  	[tilespmem:s5+$0xFFFFFFA0] =	vst v41  }
0x3a: {  	v41 =	vld.idx.msk [tilespmem:v62+s3+$0x0], $0xffff  }
0x3b: {  	v63 =	vadd.s32 v12, v40;
	_ =	sdelay $0x3  }
0x3c: {  	[tilespmem:s5+$0xFFFFFFB0] =	vst v41  }
0x3d: {  	v41 =	vld.idx.msk [tilespmem:v63+s3+$0x0], $0xffff  }
0x3e: {  	v45 =	vadd.s32 v13, v40;
	_ =	sdelay $0x3  }
0x3f: {  	[tilespmem:s5+$0xFFFFFFC0] =	vst v41  }
0x40: {  	v41 =	vld.idx.msk [tilespmem:v45+s3+$0x0], $0xffff  }
0x41: {  	v46 =	vadd.s32 v14, v40;
	_ =	sdelay $0x3  }
0x42: {  	[tilespmem:s5+$0xFFFFFFD0] =	vst v41  }
0x43: {  	v41 =	vld.idx.msk [tilespmem:v46+s3+$0x0], $0xffff  }
0x44: {  	v47 =	vadd.s32 v15, v40;
	_ =	sdelay $0x3  }
0x45: {  	[tilespmem:s5+$0xFFFFFFE0] =	vst v41  }
0x46: {  	v41 =	vld.idx.msk [tilespmem:v47+s3+$0x0], $0xffff  }
0x47: {  	v48 =	vadd.s32 v16, v40;
	_ =	sdelay $0x3  }
0x48: {  	[tilespmem:s5+$0xFFFFFFF0] =	vst v41  }
0x49: {  	v41 =	vld.idx.msk [tilespmem:v48+s3+$0x0], $0xffff  }
0x4a: {  	v49 =	vadd.s32 v17, v40;
	_ =	sdelay $0x3  }
0x4b: {  	[tilespmem:s5+$0x0] =	vst v41  }
0x4c: {  	v41 =	vld.idx.msk [tilespmem:v49+s3+$0x0], $0xffff  }
0x4d: {  	v50 =	vadd.s32 v18, v40;
	_ =	sdelay $0x3  }
0x4e: {  	[tilespmem:s5+$0x10] =	vst v41  }
0x4f: {  	v41 =	vld.idx.msk [tilespmem:v50+s3+$0x0], $0xffff  }
0x50: {  	v51 =	vadd.s32 v19, v40;
	_ =	sdelay $0x3  }
0x51: {  	[tilespmem:s5+$0x20] =	vst v41  }
0x52: {  	v41 =	vld.idx.msk [tilespmem:v51+s3+$0x0], $0xffff  }
0x53: {  	v52 =	vadd.s32 v20, v40;
	_ =	sdelay $0x3  }
0x54: {  	[tilespmem:s5+$0x30] =	vst v41  }
0x55: {  	v41 =	vld.idx.msk [tilespmem:v52+s3+$0x0], $0xffff  }
0x56: {  	v53 =	vadd.s32 v21, v40;
	_ =	sdelay $0x3  }
0x57: {  	[tilespmem:s5+$0x40] =	vst v41  }
0x58: {  	v41 =	vld.idx.msk [tilespmem:v53+s3+$0x0], $0xffff  }
0x59: {  	v54 =	vadd.s32 v22, v40;
	_ =	sdelay $0x3  }
0x5a: {  	[tilespmem:s5+$0x50] =	vst v41  }
0x5b: {  	v41 =	vld.idx.msk [tilespmem:v54+s3+$0x0], $0xffff  }
0x5c: {  	v55 =	vadd.s32 v23, v40;
	_ =	sdelay $0x3  }
0x5d: {  	[tilespmem:s5+$0x60] =	vst v41  }
0x5e: {  	v41 =	vld.idx.msk [tilespmem:v55+s3+$0x0], $0xffff  }
0x5f: {  	v56 =	vadd.s32 v24, v40;
	_ =	sdelay $0x3  }
0x60: {  	[tilespmem:s5+$0x70] =	vst v41  }
0x61: {  	v41 =	vld.idx.msk [tilespmem:v56+s3+$0x0], $0xffff  }
0x62: {  	v57 =	vadd.s32 v25, v40;
	_ =	sdelay $0x3  }
0x63: {  	[tilespmem:s5+$0x80] =	vst v41  }
0x64: {  	v41 =	vld.idx.msk [tilespmem:v57+s3+$0x0], $0xffff  }
0x65: {  	v58 =	vadd.s32 v26, v40;
	_ =	sdelay $0x3  }
0x66: {  	[tilespmem:s5+$0x90] =	vst v41  }
0x67: {  	v41 =	vld.idx.msk [tilespmem:v58+s3+$0x0], $0xffff  }
0x68: {  	v59 =	vadd.s32 v28, v40;
	_ =	sdelay $0x3  }
0x69: {  	[tilespmem:s5+$0xA0] =	vst v41  }
0x6a: {  	v41 =	vld.idx.msk [tilespmem:v59+s3+$0x0], $0xffff  }
0x6b: {  	v60 =	vadd.s32 v29, v40;
	_ =	sdelay $0x3  }
0x6c: {  	[tilespmem:s5+$0xB0] =	vst v41  }
0x6d: {  	v41 =	vld.idx.msk [tilespmem:v60+s3+$0x0], $0xffff  }
0x6e: {  	v61 =	vadd.s32 v30, v40;
	_ =	sdelay $0x3  }
0x6f: {  	[tilespmem:s5+$0xC0] =	vst v41  }
0x70: {  	v41 =	vld.idx.msk [tilespmem:v61+s3+$0x0], $0xffff  }
0x71: {  	v62 =	vadd.s32 v31, v40;
	_ =	sdelay $0x3  }
0x72: {  	[tilespmem:s5+$0xD0] =	vst v41  }
0x73: {  	v41 =	vld.idx.msk [tilespmem:v62+s3+$0x0], $0xffff  }
0x74: {  	v63 =	vadd.s32 v32, v40;
	_ =	sdelay $0x3  }
0x75: {  	s16 =	simm.s32 $0x1;
	[tilespmem:s5+$0xE0] =	vst v41  }
0x76: {  	s7 =	simm.s32 $0x2;
	v40 =	vmov s16;
	v41 =	vld.idx.msk [tilespmem:v63+s3+$0x0], $0xffff  }
.LBB2_2:
0x77: {  	p0 =	sne.s32 s7, $0x31;
	v40 =	vand.u32 $0x3F, v40  }
0x78: {  	v42 =	vadd.s32 v0, v40;
	_ =	sdelay $0x3  }
0x79: {  	[tilespmem:s5+$0xF0] =	vst v41  }
0x7a: {  	v41 =	vld.idx.msk [tilespmem:v42+s3+$0x0], $0xffff;
	_ =	sdelay $0x1  }
0x7b: {  	v42 =	vadd.s32 v1, v40;
	_ =	sdelay $0x2  }
0x7c: {  	s5 =	sadd.s32 $0x200, s5  }
0x7d: {  	[tilespmem:s5+$0xFFFFFF00] =	vst v41  }
0x7e: {  	v41 =	vld.idx.msk [tilespmem:v42+s3+$0x0], $0xffff;
	_ =	sdelay $0x1  }
0x7f: {  	v42 =	vadd.s32 v2, v40;
	_ =	sdelay $0x3  }
0x80: {  	[tilespmem:s5+$0xFFFFFF10] =	vst v41  }
0x81: {  	v41 =	vld.idx.msk [tilespmem:v42+s3+$0x0], $0xffff;
	_ =	sdelay $0x1  }
0x82: {  	v42 =	vadd.s32 v3, v40;
	_ =	sdelay $0x3  }
0x83: {  	[tilespmem:s5+$0xFFFFFF20] =	vst v41  }
0x84: {  	v41 =	vld.idx.msk [tilespmem:v42+s3+$0x0], $0xffff;
	_ =	sdelay $0x1  }
0x85: {  	v42 =	vadd.s32 v4, v40;
	_ =	sdelay $0x3  }
0x86: {  	[tilespmem:s5+$0xFFFFFF30] =	vst v41  }
0x87: {  	v41 =	vld.idx.msk [tilespmem:v42+s3+$0x0], $0xffff;
	_ =	sdelay $0x1  }
0x88: {  	v42 =	vadd.s32 v5, v40;
	_ =	sdelay $0x3  }
0x89: {  	[tilespmem:s5+$0xFFFFFF40] =	vst v41  }
0x8a: {  	v41 =	vld.idx.msk [tilespmem:v42+s3+$0x0], $0xffff;
	_ =	sdelay $0x1  }
0x8b: {  	v42 =	vadd.s32 v6, v40;
	_ =	sdelay $0x3  }
0x8c: {  	[tilespmem:s5+$0xFFFFFF50] =	vst v41  }
0x8d: {  	v41 =	vld.idx.msk [tilespmem:v42+s3+$0x0], $0xffff;
	_ =	sdelay $0x1  }
0x8e: {  	v42 =	vadd.s32 v7, v40;
	_ =	sdelay $0x3  }
0x8f: {  	[tilespmem:s5+$0xFFFFFF60] =	vst v41  }
0x90: {  	v41 =	vld.idx.msk [tilespmem:v42+s3+$0x0], $0xffff;
	_ =	sdelay $0x1  }
0x91: {  	v42 =	vadd.s32 v8, v40;
	_ =	sdelay $0x3  }
0x92: {  	[tilespmem:s5+$0xFFFFFF70] =	vst v41  }
0x93: {  	v41 =	vld.idx.msk [tilespmem:v42+s3+$0x0], $0xffff;
	_ =	sdelay $0x1  }
0x94: {  	v42 =	vadd.s32 v9, v40;
	_ =	sdelay $0x3  }
0x95: {  	[tilespmem:s5+$0xFFFFFF80] =	vst v41  }
0x96: {  	v41 =	vld.idx.msk [tilespmem:v42+s3+$0x0], $0xffff;
	_ =	sdelay $0x1  }
0x97: {  	v42 =	vadd.s32 v10, v40;
	_ =	sdelay $0x3  }
0x98: {  	[tilespmem:s5+$0xFFFFFF90] =	vst v41  }
0x99: {  	v41 =	vld.idx.msk [tilespmem:v42+s3+$0x0], $0xffff;
	_ =	sdelay $0x1  }
0x9a: {  	v42 =	vadd.s32 v11, v40;
	_ =	sdelay $0x3  }
0x9b: {  	[tilespmem:s5+$0xFFFFFFA0] =	vst v41  }
0x9c: {  	v41 =	vld.idx.msk [tilespmem:v42+s3+$0x0], $0xffff;
	_ =	sdelay $0x1  }
0x9d: {  	v42 =	vadd.s32 v12, v40;
	_ =	sdelay $0x3  }
0x9e: {  	[tilespmem:s5+$0xFFFFFFB0] =	vst v41  }
0x9f: {  	v41 =	vld.idx.msk [tilespmem:v42+s3+$0x0], $0xffff;
	_ =	sdelay $0x1  }
0xa0: {  	v42 =	vadd.s32 v13, v40;
	_ =	sdelay $0x3  }
0xa1: {  	[tilespmem:s5+$0xFFFFFFC0] =	vst v41  }
0xa2: {  	v41 =	vld.idx.msk [tilespmem:v42+s3+$0x0], $0xffff;
	_ =	sdelay $0x1  }
0xa3: {  	v42 =	vadd.s32 v14, v40;
	_ =	sdelay $0x3  }
0xa4: {  	[tilespmem:s5+$0xFFFFFFD0] =	vst v41  }
0xa5: {  	v41 =	vld.idx.msk [tilespmem:v42+s3+$0x0], $0xffff;
	_ =	sdelay $0x1  }
0xa6: {  	v42 =	vadd.s32 v15, v40;
	_ =	sdelay $0x3  }
0xa7: {  	[tilespmem:s5+$0xFFFFFFE0] =	vst v41  }
0xa8: {  	v41 =	vld.idx.msk [tilespmem:v42+s3+$0x0], $0xffff;
	_ =	sdelay $0x1  }
0xa9: {  	v42 =	vadd.s32 v16, v40;
	_ =	sdelay $0x3  }
0xaa: {  	[tilespmem:s5+$0xFFFFFFF0] =	vst v41  }
0xab: {  	v41 =	vld.idx.msk [tilespmem:v42+s3+$0x0], $0xffff;
	_ =	sdelay $0x1  }
0xac: {  	v42 =	vadd.s32 v17, v40;
	_ =	sdelay $0x3  }
0xad: {  	[tilespmem:s5+$0x0] =	vst v41  }
0xae: {  	v41 =	vld.idx.msk [tilespmem:v42+s3+$0x0], $0xffff;
	_ =	sdelay $0x1  }
0xaf: {  	v42 =	vadd.s32 v18, v40;
	_ =	sdelay $0x3  }
0xb0: {  	[tilespmem:s5+$0x10] =	vst v41  }
0xb1: {  	v41 =	vld.idx.msk [tilespmem:v42+s3+$0x0], $0xffff;
	_ =	sdelay $0x1  }
0xb2: {  	v42 =	vadd.s32 v19, v40;
	_ =	sdelay $0x3  }
0xb3: {  	[tilespmem:s5+$0x20] =	vst v41  }
0xb4: {  	v41 =	vld.idx.msk [tilespmem:v42+s3+$0x0], $0xffff;
	_ =	sdelay $0x1  }
0xb5: {  	v42 =	vadd.s32 v20, v40;
	_ =	sdelay $0x3  }
0xb6: {  	[tilespmem:s5+$0x30] =	vst v41  }
0xb7: {  	v41 =	vld.idx.msk [tilespmem:v42+s3+$0x0], $0xffff;
	_ =	sdelay $0x1  }
0xb8: {  	v42 =	vadd.s32 v21, v40;
	_ =	sdelay $0x3  }
0xb9: {  	[tilespmem:s5+$0x40] =	vst v41  }
0xba: {  	v41 =	vld.idx.msk [tilespmem:v42+s3+$0x0], $0xffff;
	_ =	sdelay $0x1  }
0xbb: {  	v42 =	vadd.s32 v22, v40;
	_ =	sdelay $0x3  }
0xbc: {  	[tilespmem:s5+$0x50] =	vst v41  }
0xbd: {  	v41 =	vld.idx.msk [tilespmem:v42+s3+$0x0], $0xffff;
	_ =	sdelay $0x1  }
0xbe: {  	v42 =	vadd.s32 v23, v40;
	_ =	sdelay $0x3  }
0xbf: {  	[tilespmem:s5+$0x60] =	vst v41  }
0xc0: {  	v41 =	vld.idx.msk [tilespmem:v42+s3+$0x0], $0xffff;
	_ =	sdelay $0x1  }
0xc1: {  	v42 =	vadd.s32 v24, v40;
	_ =	sdelay $0x3  }
0xc2: {  	[tilespmem:s5+$0x70] =	vst v41  }
0xc3: {  	v41 =	vld.idx.msk [tilespmem:v42+s3+$0x0], $0xffff;
	_ =	sdelay $0x1  }
0xc4: {  	v42 =	vadd.s32 v25, v40;
	_ =	sdelay $0x3  }
0xc5: {  	[tilespmem:s5+$0x80] =	vst v41  }
0xc6: {  	v41 =	vld.idx.msk [tilespmem:v42+s3+$0x0], $0xffff;
	_ =	sdelay $0x1  }
0xc7: {  	v42 =	vadd.s32 v26, v40;
	_ =	sdelay $0x3  }
0xc8: {  	[tilespmem:s5+$0x90] =	vst v41  }
0xc9: {  	v41 =	vld.idx.msk [tilespmem:v42+s3+$0x0], $0xffff;
	_ =	sdelay $0x1  }
0xca: {  	v42 =	vadd.s32 v28, v40;
	_ =	sdelay $0x3  }
0xcb: {  	[tilespmem:s5+$0xA0] =	vst v41  }
0xcc: {  	v41 =	vld.idx.msk [tilespmem:v42+s3+$0x0], $0xffff;
	_ =	sdelay $0x1  }
0xcd: {  	v42 =	vadd.s32 v29, v40;
	_ =	sdelay $0x3  }
0xce: {  	[tilespmem:s5+$0xB0] =	vst v41  }
0xcf: {  	v41 =	vld.idx.msk [tilespmem:v42+s3+$0x0], $0xffff;
	_ =	sdelay $0x1  }
0xd0: {  	v42 =	vadd.s32 v30, v40;
	_ =	sdelay $0x3  }
0xd1: {  	[tilespmem:s5+$0xC0] =	vst v41  }
0xd2: {  	v41 =	vld.idx.msk [tilespmem:v42+s3+$0x0], $0xffff;
	_ =	sdelay $0x1  }
0xd3: {  	v42 =	vadd.s32 v31, v40;
	_ =	sdelay $0x3  }
0xd4: {  	[tilespmem:s5+$0xD0] =	vst v41  }
0xd5: {  	v41 =	vld.idx.msk [tilespmem:v42+s3+$0x0], $0xffff;
	_ =	sdelay $0x1  }
0xd6: {  	v42 =	vadd.s32 v32, v40  }
.Ltmp0:
0xd7: {  	(pc) =	sbr.rel @p0 .LBB2_2-.Ltmp0, $3  }
0xd8: {  	_ =	sdelay $0x1  }
0xd9: {  	[tilespmem:s5+$0xE0] =	vst v41  }
0xda: {  	v40 =	vmov s7;
	s7 =	sadd.s32 $0x1, s7;
	v41 =	vld.idx.msk [tilespmem:v42+s3+$0x0], $0xffff  }
0xdb: {  	v40 =	vand.u32 $0x3F, v40  }
0xdc: {  	v42 =	vadd.s32 v0, v40;
	_ =	sdelay $0x3  }
0xdd: {  	[tilespmem:s5+$0xF0] =	vst v41  }
0xde: {  	v41 =	vld.idx.msk [tilespmem:v42+s3+$0x0], $0xffff  }
0xdf: {  	v53 =	vadd.s32 v1, v40;
	_ =	sdelay $0x2  }
0xe0: {  	s0 =	sadd.s32 $0x200, s5  }
0xe1: {  	[tilespmem:s0+$0xFFFFFF00] =	vst v41  }
0xe2: {  	v41 =	vld.idx.msk [tilespmem:v53+s3+$0x0], $0xffff  }
0xe3: {  	v54 =	vadd.s32 v2, v40;
	_ =	sdelay $0x3  }
0xe4: {  	[tilespmem:s0+$0xFFFFFF10] =	vst v41  }
0xe5: {  	v41 =	vld.idx.msk [tilespmem:v54+s3+$0x0], $0xffff  }
0xe6: {  	v55 =	vadd.s32 v3, v40;
	_ =	sdelay $0x3  }
0xe7: {  	[tilespmem:s0+$0xFFFFFF20] =	vst v41  }
0xe8: {  	v41 =	vld.idx.msk [tilespmem:v55+s3+$0x0], $0xffff  }
0xe9: {  	v56 =	vadd.s32 v4, v40;
	_ =	sdelay $0x3  }
0xea: {  	[tilespmem:s0+$0xFFFFFF30] =	vst v41  }
0xeb: {  	v41 =	vld.idx.msk [tilespmem:v56+s3+$0x0], $0xffff  }
0xec: {  	v57 =	vadd.s32 v5, v40;
	_ =	sdelay $0x3  }
0xed: {  	[tilespmem:s0+$0xFFFFFF40] =	vst v41  }
0xee: {  	v41 =	vld.idx.msk [tilespmem:v57+s3+$0x0], $0xffff  }
0xef: {  	v58 =	vadd.s32 v6, v40;
	_ =	sdelay $0x3  }
0xf0: {  	[tilespmem:s0+$0xFFFFFF50] =	vst v41  }
0xf1: {  	v41 =	vld.idx.msk [tilespmem:v58+s3+$0x0], $0xffff  }
0xf2: {  	v59 =	vadd.s32 v7, v40;
	_ =	sdelay $0x3  }
0xf3: {  	[tilespmem:s0+$0xFFFFFF60] =	vst v41  }
0xf4: {  	v41 =	vld.idx.msk [tilespmem:v59+s3+$0x0], $0xffff  }
0xf5: {  	v60 =	vadd.s32 v8, v40;
	_ =	sdelay $0x3  }
0xf6: {  	[tilespmem:s0+$0xFFFFFF70] =	vst v41  }
0xf7: {  	v41 =	vld.idx.msk [tilespmem:v60+s3+$0x0], $0xffff  }
0xf8: {  	v61 =	vadd.s32 v9, v40;
	_ =	sdelay $0x3  }
0xf9: {  	[tilespmem:s0+$0xFFFFFF80] =	vst v41  }
0xfa: {  	v41 =	vld.idx.msk [tilespmem:v61+s3+$0x0], $0xffff  }
0xfb: {  	v62 =	vadd.s32 v10, v40;
	_ =	sdelay $0x3  }
0xfc: {  	[tilespmem:s0+$0xFFFFFF90] =	vst v41  }
0xfd: {  	v41 =	vld.idx.msk [tilespmem:v62+s3+$0x0], $0xffff  }
0xfe: {  	v63 =	vadd.s32 v11, v40;
	_ =	sdelay $0x3  }
0xff: {  	[tilespmem:s0+$0xFFFFFFA0] =	vst v41  }
0x100: {  	v41 =	vld.idx.msk [tilespmem:v63+s3+$0x0], $0xffff  }
0x101: {  	v45 =	vadd.s32 v12, v40;
	_ =	sdelay $0x3  }
0x102: {  	[tilespmem:s0+$0xFFFFFFB0] =	vst v41  }
0x103: {  	v41 =	vld.idx.msk [tilespmem:v45+s3+$0x0], $0xffff  }
0x104: {  	v46 =	vadd.s32 v13, v40;
	_ =	sdelay $0x3  }
0x105: {  	[tilespmem:s0+$0xFFFFFFC0] =	vst v41  }
0x106: {  	v41 =	vld.idx.msk [tilespmem:v46+s3+$0x0], $0xffff  }
0x107: {  	v47 =	vadd.s32 v14, v40;
	_ =	sdelay $0x3  }
0x108: {  	[tilespmem:s0+$0xFFFFFFD0] =	vst v41  }
0x109: {  	v41 =	vld.idx.msk [tilespmem:v47+s3+$0x0], $0xffff  }
0x10a: {  	v48 =	vadd.s32 v15, v40;
	_ =	sdelay $0x3  }
0x10b: {  	[tilespmem:s0+$0xFFFFFFE0] =	vst v41  }
0x10c: {  	v41 =	vld.idx.msk [tilespmem:v48+s3+$0x0], $0xffff  }
0x10d: {  	v49 =	vadd.s32 v16, v40;
	_ =	sdelay $0x3  }
0x10e: {  	[tilespmem:s0+$0xFFFFFFF0] =	vst v41  }
0x10f: {  	v41 =	vld.idx.msk [tilespmem:v49+s3+$0x0], $0xffff  }
0x110: {  	v50 =	vadd.s32 v17, v40;
	_ =	sdelay $0x3  }
0x111: {  	[tilespmem:s0+$0x0] =	vst v41  }
0x112: {  	v41 =	vld.idx.msk [tilespmem:v50+s3+$0x0], $0xffff  }
0x113: {  	v51 =	vadd.s32 v18, v40;
	_ =	sdelay $0x3  }
0x114: {  	[tilespmem:s0+$0x10] =	vst v41  }
0x115: {  	v41 =	vld.idx.msk [tilespmem:v51+s3+$0x0], $0xffff  }
0x116: {  	v52 =	vadd.s32 v19, v40;
	_ =	sdelay $0x3  }
0x117: {  	[tilespmem:s0+$0x20] =	vst v41  }
0x118: {  	v41 =	vld.idx.msk [tilespmem:v52+s3+$0x0], $0xffff  }
0x119: {  	v53 =	vadd.s32 v20, v40;
	_ =	sdelay $0x3  }
0x11a: {  	[tilespmem:s0+$0x30] =	vst v41  }
0x11b: {  	v41 =	vld.idx.msk [tilespmem:v53+s3+$0x0], $0xffff  }
0x11c: {  	v54 =	vadd.s32 v21, v40;
	_ =	sdelay $0x3  }
0x11d: {  	[tilespmem:s0+$0x40] =	vst v41  }
0x11e: {  	v41 =	vld.idx.msk [tilespmem:v54+s3+$0x0], $0xffff  }
0x11f: {  	v55 =	vadd.s32 v22, v40;
	_ =	sdelay $0x3  }
0x120: {  	[tilespmem:s0+$0x50] =	vst v41  }
0x121: {  	v41 =	vld.idx.msk [tilespmem:v55+s3+$0x0], $0xffff  }
0x122: {  	v56 =	vadd.s32 v23, v40;
	_ =	sdelay $0x3  }
0x123: {  	[tilespmem:s0+$0x60] =	vst v41  }
0x124: {  	v41 =	vld.idx.msk [tilespmem:v56+s3+$0x0], $0xffff  }
0x125: {  	v57 =	vadd.s32 v24, v40;
	_ =	sdelay $0x3  }
0x126: {  	[tilespmem:s0+$0x70] =	vst v41  }
0x127: {  	v41 =	vld.idx.msk [tilespmem:v57+s3+$0x0], $0xffff  }
0x128: {  	v58 =	vadd.s32 v25, v40;
	_ =	sdelay $0x3  }
0x129: {  	[tilespmem:s0+$0x80] =	vst v41  }
0x12a: {  	v41 =	vld.idx.msk [tilespmem:v58+s3+$0x0], $0xffff  }
0x12b: {  	v59 =	vadd.s32 v26, v40;
	_ =	sdelay $0x3  }
0x12c: {  	[tilespmem:s0+$0x90] =	vst v41  }
0x12d: {  	v41 =	vld.idx.msk [tilespmem:v59+s3+$0x0], $0xffff  }
0x12e: {  	v60 =	vadd.s32 v28, v40;
	_ =	sdelay $0x3  }
0x12f: {  	[tilespmem:s0+$0xA0] =	vst v41  }
0x130: {  	v41 =	vld.idx.msk [tilespmem:v60+s3+$0x0], $0xffff  }
0x131: {  	v61 =	vadd.s32 v29, v40;
	_ =	sdelay $0x3  }
0x132: {  	[tilespmem:s0+$0xB0] =	vst v41  }
0x133: {  	v41 =	vld.idx.msk [tilespmem:v61+s3+$0x0], $0xffff  }
0x134: {  	v62 =	vadd.s32 v30, v40;
	_ =	sdelay $0x3  }
0x135: {  	[tilespmem:s0+$0xC0] =	vst v41  }
0x136: {  	v41 =	vld.idx.msk [tilespmem:v62+s3+$0x0], $0xffff  }
0x137: {  	v63 =	vadd.s32 v31, v40;
	_ =	sdelay $0x3  }
0x138: {  	[tilespmem:s0+$0xD0] =	vst v41  }
0x139: {  	v41 =	vld.idx.msk [tilespmem:v63+s3+$0x0], $0xffff  }
0x13a: {  	v40 =	vadd.s32 v32, v40;
	_ =	sdelay $0x3  }
0x13b: {  	[tilespmem:s0+$0xE0] =	vst v41  }
0x13c: {  	v40 =	vld.idx.msk [tilespmem:v40+s3+$0x0], $0xffff;
	_ =	sdelay $0x4  }
0x13d: {  	s16 =	simm.s32 $0x7000;
	s7 =	simm.s32 $0x0;
	s5 =	simm.s32 $0x0;
	[tilespmem:s0+$0xF0] =	vst v40  }
0x13e: {  	[tilespmem:s11], [sflag:$0x1] =	stream.indirect.gather [hbm4b:s4+s9], $0x40, s16, s9, $0xb8;
	[tilespmem:$0x15400] =	vst v63  }
.LBB2_4:
0x13f: {  	s8 =	sshllo.u32 s7, $0x1  }
0x140: {  	s0 =	sshll.u32 s7, $0x8;
	s10 =	sshll.u32 s8, $0x7  }
0x141: {  	s14 =	sand.u32 $0x7E00, s0;
	s10 =	sand.u32 $0x180, s10  }
0x142: {  	s10 =	sor.u32 s10, s14  }
0x143: {  	s10 =	sadd.s32 $0x7000, s10  }
0x144: {  	[tilespmem:s12], [sflag:$0x2] =	stream.indirect.gather [hbm4b:s4+s9], $0x40, s10, s9, $0xb8;
	[tilespmem:$0x15400] =	vst v63  }
0x145: {  	_ =	swait.ge [sflag:s13], $0x2000  }
0x146: {  	p0 =	seq.s32 s7, $0x0;
	[sflag:s13] =	ssyncset.done $0x0  }
0x147: {  	s10 =	simm.s32 @!p0 $0x3;
	[sflag:s13] =	ssyncadd.s32 $0xFFFFE000  }
0x148: {  	_ =	swait.ge @!p0 [sflag:s10], $0x400  }
0x149: {  	[sflag:s10] =	ssyncset.done @!p0 $0x0  }
0x14a: {  	[sflag:s10] =	ssyncadd.s32 @!p0 $0xFFFFFC00  }
0x14b: {  	_ =	swait.ge @!p0 [sflag:s10], $0x400  }
0x14c: {  	[sflag:s10] =	ssyncset.done @!p0 $0x0  }
0x14d: {  	[sflag:s10] =	ssyncadd.s32 @!p0 $0xFFFFFC00  }
0x14e: {  	_ =	swait.ge @!p0 [sflag:s10], $0x400  }
0x14f: {  	[sflag:s10] =	ssyncset.done @!p0 $0x0  }
0x150: {  	[sflag:s10] =	ssyncadd.s32 @!p0 $0xFFFFFC00  }
0x151: {  	_ =	swait.ge @!p0 [sflag:s10], $0x400  }
0x152: {  	[sflag:s10] =	ssyncset.done @!p0 $0x0  }
0x153: {  	[sflag:s10] =	ssyncadd.s32 @!p0 $0xFFFFFC00  }
0x154: {  	_ =	swait.ge @!p0 [sflag:s10], $0x400  }
0x155: {  	[sflag:s10] =	ssyncset.done @!p0 $0x0  }
0x156: {  	[sflag:s10] =	ssyncadd.s32 @!p0 $0xFFFFFC00  }
0x157: {  	v40 =	vmov s5;
	_ =	swait.ge @!p0 [sflag:s10], $0x400  }
0x158: {  	v40 =	vand.u32 $0x3F, v40;
	[sflag:s10] =	ssyncset.done @!p0 $0x0  }
0x159: {  	v40 =	vbroadcast v40, $0x0;
	[sflag:s10] =	ssyncadd.s32 @!p0 $0xFFFFFC00  }
0x15a: {  	_ =	swait.ge @!p0 [sflag:s10], $0x400  }
0x15b: {  	v41 =	vor.u32 v27, v40;
	[sflag:s10] =	ssyncset.done @!p0 $0x0  }
0x15c: {  	[sflag:s10] =	ssyncadd.s32 @!p0 $0xFFFFFC00  }
0x15d: {  	_ =	swait.ge @!p0 [sflag:s10], $0x400  }
0x15e: {  	[sflag:s10] =	ssyncset.done @!p0 $0x0  }
0x15f: {  	[sflag:s10] =	ssyncadd.s32 @!p0 $0xFFFFFC00  }
0x160: {  	v41 =	vld.idx.msk [tilespmem:v41+s11+$0x0], $0xffff  }
0x161: {  	v42 =	vor.u32 v33, v40;
	_ =	sdelay $0x2  }
0x162: {  	s14 =	simm.s32 $0x11440  }
0x163: {  	[tilespmem:s14+$0xFFFFFFC0] =	vst v41  }
0x164: {  	v41 =	vld.idx.msk [tilespmem:v42+s11+$0x0], $0xffff  }
0x165: {  	v59 =	vor.u32 v34, v40;
	_ =	sdelay $0x3  }
0x166: {  	[tilespmem:s14+$0xFFFFFFD0] =	vst v41  }
0x167: {  	v41 =	vld.idx.msk [tilespmem:v59+s11+$0x0], $0xffff  }
0x168: {  	v60 =	vor.u32 v35, v40;
	_ =	sdelay $0x3  }
0x169: {  	[tilespmem:s14+$0xFFFFFFE0] =	vst v41  }
0x16a: {  	v41 =	vld.idx.msk [tilespmem:v60+s11+$0x0], $0xffff  }
0x16b: {  	v61 =	vor.u32 v36, v40;
	_ =	sdelay $0x3  }
0x16c: {  	[tilespmem:s14+$0xFFFFFFF0] =	vst v41  }
0x16d: {  	v41 =	vld.idx.msk [tilespmem:v61+s11+$0x0], $0xffff  }
0x16e: {  	v62 =	vor.u32 v37, v40;
	_ =	sdelay $0x3  }
0x16f: {  	[tilespmem:s14+$0x0] =	vst v41  }
0x170: {  	v41 =	vld.idx.msk [tilespmem:v62+s11+$0x0], $0xffff  }
0x171: {  	v63 =	vor.u32 v38, v40;
	_ =	sdelay $0x3  }
0x172: {  	[tilespmem:s14+$0x10] =	vst v41  }
0x173: {  	v41 =	vld.idx.msk [tilespmem:v63+s11+$0x0], $0xffff  }
0x174: {  	v40 =	vor.u32 v39, v40;
	_ =	sdelay $0x1  }
0x175: {  	s15 =	simm.s32 $0x1  }
0x176: {  	s10 =	sshll.u32 s7, $0x1;
	v42 =	vmov s15;
	s15 =	simm.s32 $0x2  }
.LBB2_5:
0x177: {  	p1 =	sne.s32 s15, $0x3F;
	v42 =	vand.u32 $0x3F, v42;
	[tilespmem:s14+$0x20] =	vst v41  }
0x178: {  	v42 =	vbroadcast v42, $0x0;
	v40 =	vld.idx.msk [tilespmem:v40+s11+$0x0], $0xffff;
	_ =	sdelay $0x1  }
0x179: {  	v41 =	vor.u32 v27, v42;
	_ =	sdelay $0x3  }
0x17a: {  	[tilespmem:s14+$0x30] =	vst v40  }
0x17b: {  	v40 =	vld.idx.msk [tilespmem:v41+s11+$0x0], $0xffff;
	_ =	sdelay $0x1  }
0x17c: {  	v41 =	vor.u32 v33, v42;
	_ =	sdelay $0x2  }
0x17d: {  	s14 =	sadd.s32 $0x80, s14  }
0x17e: {  	[tilespmem:s14+$0xFFFFFFC0] =	vst v40  }
0x17f: {  	v40 =	vld.idx.msk [tilespmem:v41+s11+$0x0], $0xffff;
	_ =	sdelay $0x1  }
0x180: {  	v41 =	vor.u32 v34, v42;
	_ =	sdelay $0x3  }
0x181: {  	[tilespmem:s14+$0xFFFFFFD0] =	vst v40  }
0x182: {  	v40 =	vld.idx.msk [tilespmem:v41+s11+$0x0], $0xffff;
	_ =	sdelay $0x1  }
0x183: {  	v41 =	vor.u32 v35, v42;
	_ =	sdelay $0x3  }
0x184: {  	[tilespmem:s14+$0xFFFFFFE0] =	vst v40  }
0x185: {  	v40 =	vld.idx.msk [tilespmem:v41+s11+$0x0], $0xffff;
	_ =	sdelay $0x1  }
0x186: {  	v41 =	vor.u32 v36, v42;
	_ =	sdelay $0x3  }
0x187: {  	[tilespmem:s14+$0xFFFFFFF0] =	vst v40  }
0x188: {  	v40 =	vld.idx.msk [tilespmem:v41+s11+$0x0], $0xffff;
	_ =	sdelay $0x1  }
0x189: {  	v41 =	vor.u32 v37, v42;
	_ =	sdelay $0x3  }
0x18a: {  	[tilespmem:s14+$0x0] =	vst v40  }
0x18b: {  	v40 =	vld.idx.msk [tilespmem:v41+s11+$0x0], $0xffff;
	_ =	sdelay $0x1  }
0x18c: {  	v41 =	vor.u32 v38, v42;
	_ =	sdelay $0x3  }
0x18d: {  	[tilespmem:s14+$0x10] =	vst v40  }
0x18e: {  	v41 =	vld.idx.msk [tilespmem:v41+s11+$0x0], $0xffff  }
.Ltmp1:
0x18f: {  	(pc) =	sbr.rel @p1 .LBB2_5-.Ltmp1, $2  }
0x190: {  	v40 =	vor.u32 v39, v42;
	_ =	sdelay $0x2  }
0x191: {  	v42 =	vmov s15;
	s15 =	sadd.s32 $0x1, s15  }
0x192: {  	_ =	sdelay $0x1  }
0x193: {  	v42 =	vand.u32 $0x3F, v42  }
0x194: {  	[tilespmem:s14+$0x20] =	vst v41;
	v57 =	vbroadcast v42, $0x0  }
0x195: {  	v40 =	vld.idx.msk [tilespmem:v40+s11+$0x0], $0xffff  }
0x196: {  	v42 =	vor.u32 v27, v57;
	_ =	sdelay $0x3  }
0x197: {  	[tilespmem:s14+$0x30] =	vst v40  }
0x198: {  	v40 =	vld.idx.msk [tilespmem:v42+s11+$0x0], $0xffff  }
0x199: {  	v58 =	vor.u32 v33, v57;
	_ =	sdelay $0x2  }
0x19a: {  	s14 =	sadd.s32 $0x80, s14  }
0x19b: {  	[tilespmem:s14+$0xFFFFFFC0] =	vst v40  }
0x19c: {  	v40 =	vld.idx.msk [tilespmem:v58+s11+$0x0], $0xffff  }
0x19d: {  	v59 =	vor.u32 v34, v57;
	_ =	sdelay $0x3  }
0x19e: {  	[tilespmem:s14+$0xFFFFFFD0] =	vst v40  }
0x19f: {  	v40 =	vld.idx.msk [tilespmem:v59+s11+$0x0], $0xffff  }
0x1a0: {  	v60 =	vor.u32 v35, v57;
	_ =	sdelay $0x3  }
0x1a1: {  	[tilespmem:s14+$0xFFFFFFE0] =	vst v40  }
0x1a2: {  	v40 =	vld.idx.msk [tilespmem:v60+s11+$0x0], $0xffff  }
0x1a3: {  	v61 =	vor.u32 v36, v57;
	_ =	sdelay $0x3  }
0x1a4: {  	[tilespmem:s14+$0xFFFFFFF0] =	vst v40  }
0x1a5: {  	v40 =	vld.idx.msk [tilespmem:v61+s11+$0x0], $0xffff  }
0x1a6: {  	v62 =	vor.u32 v37, v57;
	_ =	sdelay $0x3  }
0x1a7: {  	[tilespmem:s14+$0x0] =	vst v40  }
0x1a8: {  	v40 =	vld.idx.msk [tilespmem:v62+s11+$0x0], $0xffff  }
0x1a9: {  	v63 =	vor.u32 v38, v57;
	_ =	sdelay $0x3  }
0x1aa: {  	[tilespmem:s14+$0x10] =	vst v40  }
0x1ab: {  	v40 =	vld.idx.msk [tilespmem:v63+s11+$0x0], $0xffff  }
0x1ac: {  	v41 =	vor.u32 v39, v57;
	_ =	sdelay $0x3  }
0x1ad: {  	[tilespmem:s14+$0x20] =	vst v40  }
0x1ae: {  	s10 =	sand.u32 $0x2, s10;
	v40 =	vld.idx.msk [tilespmem:v41+s11+$0x0], $0xffff  }
0x1af: {  	s16 =	sshll.u32 s7, $0x13;
	s15 =	sor.u32 s6, s10  }
0x1b0: {  	s10 =	sand.u32 $0x3F00000, s16;
	s15 =	sshll.u32 s15, $0xA  }
0x1b1: {  	s15 =	sor.u32 s10, s15  }
0x1b2: {  	s15 =	sshrl.u32 s15, $0x3  }
0x1b3: {  	s16 =	simm.s32 $0x11400;
	[tilespmem:s14+$0x30] =	vst v40;
	s14 =	sadd.s32 s2, s15  }
0x1b4: {  	[hbm4b:s14+s3] =	stream.linear.scatter [tilespmem:s16], [sflag:$0x3], $0x400, $0x38;
	[tilespmem:$0x15400] =	vst v63  }
0x1b5: {  	s15 =	sadd.s32 $0x4000, s14;
	s16 =	simm.s32 $0x11800  }
0x1b6: {  	[hbm4b:s15+s3] =	stream.linear.scatter [tilespmem:s16], [sflag:$0x3], $0x400, $0x38;
	[tilespmem:$0x15400] =	vst v63  }
0x1b7: {  	s15 =	sadd.s32 $0x8000, s14;
	s16 =	simm.s32 $0x11C00  }
0x1b8: {  	[hbm4b:s15+s3] =	stream.linear.scatter [tilespmem:s16], [sflag:$0x3], $0x400, $0x38;
	[tilespmem:$0x15400] =	vst v63  }
0x1b9: {  	s16 =	sadd.s32 $0xC000, s14  }
0x1ba: {  	[hbm4b:s16+s3] =	stream.linear.scatter [tilespmem:s17], [sflag:$0x3], $0x400, $0x38;
	[tilespmem:$0x15400] =	vst v63  }
0x1bb: {  	s16 =	sadd.s32 $0x10000, s14  }
0x1bc: {  	[hbm4b:s16+s3] =	stream.linear.scatter [tilespmem:s18], [sflag:$0x3], $0x400, $0x38;
	[tilespmem:$0x15400] =	vst v63  }
0x1bd: {  	p1 =	sne.s32 s7, $0x63;
	s16 =	sadd.s32 $0x14000, s14  }
0x1be: {  	[hbm4b:s16+s3] =	stream.linear.scatter [tilespmem:s19], [sflag:$0x3], $0x400, $0x38;
	[tilespmem:$0x15400] =	vst v63  }
.Ltmp2:
0x1bf: {  	_ = 	snop;
	(pc) =	sbr.rel @p1 .LBB2_8-.Ltmp2, $4  }
0x1c0: {  	s16 =	sadd.s32 $0x18000, s14  }
0x1c1: {  	[hbm4b:s16+s3] =	stream.linear.scatter [tilespmem:s20], [sflag:$0x3], $0x400, $0x38;
	[tilespmem:$0x15400] =	vst v63  }
0x1c2: {  	s14 =	sadd.s32 $0x1C000, s14  }
0x1c3: {  	[hbm4b:s14+s3] =	stream.linear.scatter [tilespmem:s21], [sflag:$0x3], $0x400, $0x38;
	[tilespmem:$0x15400] =	vst v63  }
.Ltmp3:
0x1c4: {  	(pc) =	sbr.rel .LBB2_9-.Ltmp3, $4  }
0x1c5: {  	_ = 	snop  }
0x1c6: {  	_ =	swait.ge [sflag:s22], $0x2000  }
0x1c7: {  	[sflag:s22] =	ssyncset.done $0x0  }
0x1c8: {  	[sflag:s22] =	ssyncadd.s32 $0xFFFFE000  }
.LBB2_8:
0x1c9: {  	s0 =	sadd.s32 $0x100, s0  }
0x1ca: {  	s0 =	sand.u32 $0xFF00, s0  }
.Ltmp4:
0x1cb: {  	s0 =	sadd.s32 $0x7000, s0;
	(pc) =	sbr.rel @p0 .LBB2_10-.Ltmp4, $4  }
0x1cc: {  	[tilespmem:s11], [sflag:$0x1] =	stream.indirect.gather [hbm4b:s4+s9], $0x40, s0, s9, $0xb8;
	[tilespmem:$0x15400] =	vst v63  }
0x1cd: {  	_ =	swait.ge [sflag:s22], $0x2000  }
0x1ce: {  	[sflag:s22] =	ssyncset.done $0x0  }
0x1cf: {  	[sflag:s22] =	ssyncadd.s32 $0xFFFFE000  }
.LBB2_9:
0x1d0: {  	_ =	swait.ge [sflag:s23], $0x400  }
0x1d1: {  	[sflag:s23] =	ssyncset.done $0x0  }
0x1d2: {  	[sflag:s23] =	ssyncadd.s32 $0xFFFFFC00  }
0x1d3: {  	_ =	swait.ge [sflag:s23], $0x400  }
0x1d4: {  	[sflag:s23] =	ssyncset.done $0x0  }
0x1d5: {  	[sflag:s23] =	ssyncadd.s32 $0xFFFFFC00  }
0x1d6: {  	_ =	swait.ge [sflag:s23], $0x400  }
0x1d7: {  	[sflag:s23] =	ssyncset.done $0x0  }
0x1d8: {  	[sflag:s23] =	ssyncadd.s32 $0xFFFFFC00  }
0x1d9: {  	_ =	swait.ge [sflag:s23], $0x400  }
0x1da: {  	[sflag:s23] =	ssyncset.done $0x0  }
0x1db: {  	[sflag:s23] =	ssyncadd.s32 $0xFFFFFC00  }
0x1dc: {  	_ =	swait.ge [sflag:s23], $0x400  }
0x1dd: {  	[sflag:s23] =	ssyncset.done $0x0  }
0x1de: {  	[sflag:s23] =	ssyncadd.s32 $0xFFFFFC00  }
0x1df: {  	_ =	swait.ge [sflag:s23], $0x400  }
0x1e0: {  	[sflag:s23] =	ssyncset.done $0x0  }
0x1e1: {  	[sflag:s23] =	ssyncadd.s32 $0xFFFFFC00  }
0x1e2: {  	_ =	swait.ge [sflag:s23], $0x400  }
0x1e3: {  	[sflag:s23] =	ssyncset.done $0x0  }
0x1e4: {  	[sflag:s23] =	ssyncadd.s32 $0xFFFFFC00  }
0x1e5: {  	_ =	swait.ge [sflag:s23], $0x400  }
0x1e6: {  	[sflag:s23] =	ssyncset.done $0x0  }
0x1e7: {  	[sflag:s23] =	ssyncadd.s32 $0xFFFFFC00  }
.LBB2_10:
0x1e8: {  	s0 =	simm.s32 $0x0  }
0x1e9: {  	v40 =	vmov s0  }
0x1ea: {  	v40 =	vand.u32 $0x3F, v40  }
0x1eb: {  	v40 =	vbroadcast v40, $0x0;
	_ =	sdelay $0x1  }
0x1ec: {  	v41 =	vor.u32 v27, v40;
	_ =	sdelay $0x4  }
0x1ed: {  	v41 =	vld.idx.msk [tilespmem:v41+s12+$0x0], $0xffff  }
0x1ee: {  	v42 =	vor.u32 v33, v40;
	_ =	sdelay $0x2  }
0x1ef: {  	s0 =	simm.s32 $0x13470  }
0x1f0: {  	[tilespmem:s0+$0xFFFFFF90] =	vst v41  }
0x1f1: {  	v41 =	vld.idx.msk [tilespmem:v42+s12+$0x0], $0xffff  }
0x1f2: {  	v59 =	vor.u32 v34, v40;
	_ =	sdelay $0x3  }
0x1f3: {  	[tilespmem:s0+$0xFFFFFFA0] =	vst v41  }
0x1f4: {  	v41 =	vld.idx.msk [tilespmem:v59+s12+$0x0], $0xffff  }
0x1f5: {  	v60 =	vor.u32 v35, v40;
	_ =	sdelay $0x3  }
0x1f6: {  	[tilespmem:s0+$0xFFFFFFB0] =	vst v41  }
0x1f7: {  	v41 =	vld.idx.msk [tilespmem:v60+s12+$0x0], $0xffff  }
0x1f8: {  	v61 =	vor.u32 v36, v40;
	_ =	sdelay $0x3  }
0x1f9: {  	[tilespmem:s0+$0xFFFFFFC0] =	vst v41  }
0x1fa: {  	v41 =	vld.idx.msk [tilespmem:v61+s12+$0x0], $0xffff  }
0x1fb: {  	v62 =	vor.u32 v37, v40;
	_ =	sdelay $0x3  }
0x1fc: {  	[tilespmem:s0+$0xFFFFFFD0] =	vst v41  }
0x1fd: {  	v41 =	vld.idx.msk [tilespmem:v62+s12+$0x0], $0xffff  }
0x1fe: {  	v63 =	vor.u32 v38, v40;
	_ =	sdelay $0x3  }
0x1ff: {  	[tilespmem:s0+$0xFFFFFFE0] =	vst v41  }
0x200: {  	v41 =	vld.idx.msk [tilespmem:v63+s12+$0x0], $0xffff  }
0x201: {  	v40 =	vor.u32 v39, v40;
	_ =	sdelay $0x1  }
0x202: {  	s14 =	simm.s32 $0x1  }
0x203: {  	v42 =	vmov s14;
	s14 =	simm.s32 $0x2  }
.LBB2_11:
0x204: {  	p0 =	sne.s32 s14, $0x3F;
	v42 =	vand.u32 $0x3F, v42;
	[tilespmem:s0+$0xFFFFFFF0] =	vst v41  }
0x205: {  	v42 =	vbroadcast v42, $0x0;
	v40 =	vld.idx.msk [tilespmem:v40+s12+$0x0], $0xffff;
	_ =	sdelay $0x1  }
0x206: {  	v41 =	vor.u32 v27, v42;
	_ =	sdelay $0x3  }
0x207: {  	[tilespmem:s0+$0x0] =	vst v40  }
0x208: {  	v40 =	vld.idx.msk [tilespmem:v41+s12+$0x0], $0xffff;
	_ =	sdelay $0x1  }
0x209: {  	v41 =	vor.u32 v33, v42;
	_ =	sdelay $0x2  }
0x20a: {  	s0 =	sadd.s32 $0x80, s0  }
0x20b: {  	[tilespmem:s0+$0xFFFFFF90] =	vst v40  }
0x20c: {  	v40 =	vld.idx.msk [tilespmem:v41+s12+$0x0], $0xffff;
	_ =	sdelay $0x1  }
0x20d: {  	v41 =	vor.u32 v34, v42;
	_ =	sdelay $0x3  }
0x20e: {  	[tilespmem:s0+$0xFFFFFFA0] =	vst v40  }
0x20f: {  	v40 =	vld.idx.msk [tilespmem:v41+s12+$0x0], $0xffff;
	_ =	sdelay $0x1  }
0x210: {  	v41 =	vor.u32 v35, v42;
	_ =	sdelay $0x3  }
0x211: {  	[tilespmem:s0+$0xFFFFFFB0] =	vst v40  }
0x212: {  	v40 =	vld.idx.msk [tilespmem:v41+s12+$0x0], $0xffff;
	_ =	sdelay $0x1  }
0x213: {  	v41 =	vor.u32 v36, v42;
	_ =	sdelay $0x3  }
0x214: {  	[tilespmem:s0+$0xFFFFFFC0] =	vst v40  }
0x215: {  	v40 =	vld.idx.msk [tilespmem:v41+s12+$0x0], $0xffff;
	_ =	sdelay $0x1  }
0x216: {  	v41 =	vor.u32 v37, v42;
	_ =	sdelay $0x3  }
0x217: {  	[tilespmem:s0+$0xFFFFFFD0] =	vst v40  }
0x218: {  	v40 =	vld.idx.msk [tilespmem:v41+s12+$0x0], $0xffff;
	_ =	sdelay $0x1  }
0x219: {  	v41 =	vor.u32 v38, v42;
	_ =	sdelay $0x3  }
0x21a: {  	[tilespmem:s0+$0xFFFFFFE0] =	vst v40  }
0x21b: {  	v41 =	vld.idx.msk [tilespmem:v41+s12+$0x0], $0xffff  }
.Ltmp5:
0x21c: {  	(pc) =	sbr.rel @p0 .LBB2_11-.Ltmp5, $2  }
0x21d: {  	v40 =	vor.u32 v39, v42;
	_ =	sdelay $0x2  }
0x21e: {  	v42 =	vmov s14;
	s14 =	sadd.s32 $0x1, s14  }
0x21f: {  	_ =	sdelay $0x1  }
0x220: {  	v42 =	vand.u32 $0x3F, v42  }
0x221: {  	[tilespmem:s0+$0xFFFFFFF0] =	vst v41;
	v57 =	vbroadcast v42, $0x0  }
0x222: {  	v40 =	vld.idx.msk [tilespmem:v40+s12+$0x0], $0xffff  }
0x223: {  	v42 =	vor.u32 v27, v57;
	_ =	sdelay $0x3  }
0x224: {  	[tilespmem:s0+$0x0] =	vst v40  }
0x225: {  	v40 =	vld.idx.msk [tilespmem:v42+s12+$0x0], $0xffff  }
0x226: {  	v58 =	vor.u32 v33, v57;
	_ =	sdelay $0x2  }
0x227: {  	s15 =	sadd.s32 $0x80, s0  }
0x228: {  	[tilespmem:s15+$0xFFFFFF90] =	vst v40  }
0x229: {  	v40 =	vld.idx.msk [tilespmem:v58+s12+$0x0], $0xffff  }
0x22a: {  	v59 =	vor.u32 v34, v57;
	_ =	sdelay $0x3  }
0x22b: {  	[tilespmem:s15+$0xFFFFFFA0] =	vst v40  }
0x22c: {  	v40 =	vld.idx.msk [tilespmem:v59+s12+$0x0], $0xffff  }
0x22d: {  	v60 =	vor.u32 v35, v57;
	_ =	sdelay $0x3  }
0x22e: {  	[tilespmem:s15+$0xFFFFFFB0] =	vst v40  }
0x22f: {  	v40 =	vld.idx.msk [tilespmem:v60+s12+$0x0], $0xffff  }
0x230: {  	v61 =	vor.u32 v36, v57;
	_ =	sdelay $0x3  }
0x231: {  	[tilespmem:s15+$0xFFFFFFC0] =	vst v40  }
0x232: {  	v40 =	vld.idx.msk [tilespmem:v61+s12+$0x0], $0xffff  }
0x233: {  	v62 =	vor.u32 v37, v57;
	_ =	sdelay $0x3  }
0x234: {  	[tilespmem:s15+$0xFFFFFFD0] =	vst v40  }
0x235: {  	v40 =	vld.idx.msk [tilespmem:v62+s12+$0x0], $0xffff  }
0x236: {  	v63 =	vor.u32 v38, v57;
	_ =	sdelay $0x3  }
0x237: {  	[tilespmem:s15+$0xFFFFFFE0] =	vst v40  }
0x238: {  	v40 =	vld.idx.msk [tilespmem:v63+s12+$0x0], $0xffff  }
0x239: {  	v41 =	vor.u32 v39, v57;
	_ =	sdelay $0x3  }
0x23a: {  	[tilespmem:s15+$0xFFFFFFF0] =	vst v40  }
0x23b: {  	s8 =	sand.u32 $0x3, s8;
	v40 =	vld.idx.msk [tilespmem:v41+s12+$0x0], $0xffff  }
0x23c: {  	s8 =	sor.u32 s6, s8  }
0x23d: {  	s8 =	sshll.u32 s8, $0xA  }
0x23e: {  	s8 =	sor.u32 s10, s8  }
0x23f: {  	s8 =	sshrl.u32 s8, $0x3  }
0x240: {  	s0 =	sadd.s32 s2, s8;
	[tilespmem:s15+$0x0] =	vst v40  }
0x241: {  	[hbm4b:s0+s3] =	stream.linear.scatter [tilespmem:s24], [sflag:$0x4], $0x400, $0x38;
	[tilespmem:$0x15400] =	vst v63  }
0x242: {  	s8 =	sadd.s32 $0x4000, s0  }
0x243: {  	[hbm4b:s8+s3] =	stream.linear.scatter [tilespmem:s25], [sflag:$0x4], $0x400, $0x38;
	[tilespmem:$0x15400] =	vst v63  }
0x244: {  	s16 =	sadd.s32 $0x8000, s0  }
0x245: {  	[hbm4b:s16+s3] =	stream.linear.scatter [tilespmem:s26], [sflag:$0x4], $0x400, $0x38;
	[tilespmem:$0x15400] =	vst v63  }
0x246: {  	s10 =	sadd.s32 $0xC000, s0  }
0x247: {  	[hbm4b:s10+s3] =	stream.linear.scatter [tilespmem:s28], [sflag:$0x4], $0x400, $0x38;
	[tilespmem:$0x15400] =	vst v63  }
0x248: {  	s7 =	sadd.s32 $0x1, s7;
	s14 =	sadd.s32 $0x10000, s0  }
0x249: {  	[hbm4b:s14+s3] =	stream.linear.scatter [tilespmem:s29], [sflag:$0x4], $0x400, $0x38;
	[tilespmem:$0x15400] =	vst v63  }
0x24a: {  	p0 =	sne.s32 s7, $0x64;
	s15 =	sadd.s32 $0x14000, s0  }
0x24b: {  	[hbm4b:s15+s3] =	stream.linear.scatter [tilespmem:s30], [sflag:$0x4], $0x400, $0x38;
	[tilespmem:$0x15400] =	vst v63  }
.Ltmp6:
0x24c: {  	_ = 	snop;
	(pc) =	sbr.rel @p0 .LBB2_4-.Ltmp6, $4  }
0x24d: {  	s16 =	sadd.s32 $0x18000, s0  }
0x24e: {  	[hbm4b:s16+s3] =	stream.linear.scatter [tilespmem:s31], [sflag:$0x4], $0x400, $0x38;
	[tilespmem:$0x15400] =	vst v63  }
0x24f: {  	s0 =	sadd.s32 $0x1C000, s0  }
0x250: {  	[hbm4b:s0+s3] =	stream.linear.scatter [tilespmem:s1], [sflag:$0x4], $0x400, $0x38;
	[tilespmem:$0x15400] =	vst v63  }
0x251: {  	s0 =	simm.s32 $0x3  }
0x252: {  	_ =	swait.ge [sflag:s0], $0x400  }
0x253: {  	[sflag:s0] =	ssyncset.done $0x0  }
0x254: {  	[sflag:s0] =	ssyncadd.s32 $0xFFFFFC00  }
0x255: {  	_ =	swait.ge [sflag:s0], $0x400  }
0x256: {  	[sflag:s0] =	ssyncset.done $0x0  }
0x257: {  	[sflag:s0] =	ssyncadd.s32 $0xFFFFFC00  }
0x258: {  	_ =	swait.ge [sflag:s0], $0x400  }
0x259: {  	[sflag:s0] =	ssyncset.done $0x0  }
0x25a: {  	[sflag:s0] =	ssyncadd.s32 $0xFFFFFC00  }
0x25b: {  	_ =	swait.ge [sflag:s0], $0x400  }
0x25c: {  	[sflag:s0] =	ssyncset.done $0x0  }
0x25d: {  	[sflag:s0] =	ssyncadd.s32 $0xFFFFFC00  }
0x25e: {  	_ =	swait.ge [sflag:s0], $0x400  }
0x25f: {  	[sflag:s0] =	ssyncset.done $0x0  }
0x260: {  	[sflag:s0] =	ssyncadd.s32 $0xFFFFFC00  }
0x261: {  	_ =	swait.ge [sflag:s0], $0x400  }
0x262: {  	[sflag:s0] =	ssyncset.done $0x0  }
0x263: {  	[sflag:s0] =	ssyncadd.s32 $0xFFFFFC00  }
0x264: {  	_ =	swait.ge [sflag:s0], $0x400  }
0x265: {  	[sflag:s0] =	ssyncset.done $0x0  }
0x266: {  	[sflag:s0] =	ssyncadd.s32 $0xFFFFFC00  }
0x267: {  	_ =	swait.ge [sflag:s0], $0x400  }
0x268: {  	[sflag:s0] =	ssyncset.done $0x0  }
0x269: {  	[sflag:s0] =	ssyncadd.s32 $0xFFFFFC00  }
0x26a: {  	_ =	swait.ge [sflag:s23], $0x400  }
0x26b: {  	[sflag:s23] =	ssyncset.done $0x0  }
0x26c: {  	[sflag:s23] =	ssyncadd.s32 $0xFFFFFC00  }
0x26d: {  	_ =	swait.ge [sflag:s23], $0x400  }
0x26e: {  	[sflag:s23] =	ssyncset.done $0x0  }
0x26f: {  	[sflag:s23] =	ssyncadd.s32 $0xFFFFFC00  }
0x270: {  	_ =	swait.ge [sflag:s23], $0x400  }
0x271: {  	[sflag:s23] =	ssyncset.done $0x0  }
0x272: {  	[sflag:s23] =	ssyncadd.s32 $0xFFFFFC00  }
0x273: {  	_ =	swait.ge [sflag:s23], $0x400  }
0x274: {  	[sflag:s23] =	ssyncset.done $0x0  }
0x275: {  	[sflag:s23] =	ssyncadd.s32 $0xFFFFFC00  }
0x276: {  	_ =	swait.ge [sflag:s23], $0x400  }
0x277: {  	[sflag:s23] =	ssyncset.done $0x0  }
0x278: {  	[sflag:s23] =	ssyncadd.s32 $0xFFFFFC00  }
0x279: {  	_ =	swait.ge [sflag:s23], $0x400  }
0x27a: {  	[sflag:s23] =	ssyncset.done $0x0  }
0x27b: {  	[sflag:s23] =	ssyncadd.s32 $0xFFFFFC00  }
0x27c: {  	_ =	swait.ge [sflag:s23], $0x400  }
0x27d: {  	[sflag:s23] =	ssyncset.done $0x0  }
0x27e: {  	[sflag:s23] =	ssyncadd.s32 $0xFFFFFC00  }
0x27f: {  	_ =	swait.ge [sflag:s23], $0x400  }
0x280: {  	s5 =	rddreg [dreg:$0x5]  }
0x281: {  	s16 =	rddreg [dreg:$0x4];
	s5 =	sadd.s32 $0x1, s5  }
0x282: {  	p0 =	sne.s32 s5, s16  }
.Ltmp7:
0x283: {  	_ = 	snop;
	(pc) =	sbr.rel @p0 .LBB2_1-.Ltmp7, $3  }
0x284: {  	_ =	sdelay $0x1  }
0x285: {  	[sflag:s23] =	ssyncset.done $0x0  }
0x286: {  	[sflag:s23] =	ssyncadd.s32 $0xFFFFFC00  }
0x287: {  	_ =	sfence.sel $0x180000  }
0x288: {  	[bflag:$0x0] =	sbarrier.arrive $0xFFFF  }
0x289: {  	_ =	strace $0x90000047  }
0x28a: {  	s0 =	stileid.u32;
	[bflag:$0x2] =	sbarrier.arrive $0xFFFF  }
0x28b: {  	p0 =	sne.s32 s0, $0x0;
	s0 =	rddreg [dreg:$0x2]  }
0x28c: {  	s0 =	sadd.s32 @!p0 $0x100000, s0  }
0x28d: {  	[sflag:s0] =	ssyncadd.tile.s32 @!p0 $0x1;
	_ =	shalt  }
.Lfunc_end2:
_tile_overlayer_lowered:
.L_overlay_start_2:
0x28e: {  	(tag) =	ssettag $0x2  }
0x28f: {  	s0 =	rddreg [dreg:$0x0];
	s2 =	stileid.u32  }
0x290: {  	s1 =	rddreg [dreg:$0x1];
	p0 =	sne.s32 s2, $0x0  }
0x291: {  	s3 =	rddreg [dreg:$0x2];
	[bflag:$0x3] =	sbarrier.arrive $0xFFFF;
	s2 =	simm.s32 @!p0 $0x1C05  }
0x292: {  	[timem:s3], [sflag:s2] =	dma.local @!p0 [hbm:s0], s1  }
0x293: {  	s0 =	simm.s32 @!p0 $0x5  }
0x294: {  	_ =	swait.ge @!p0 [sflag:s0], s1  }
0x295: {  	s1 =	ssub.s32 @!p0 $0x0, s1;
	[sflag:s0] =	ssyncset.done @!p0 $0x0  }
0x296: {  	[sflag:s0] =	ssyncadd.s32 @!p0 s1  }
0x297: {  	[bflag:$0x3] =	sbarrier.arrive $0xFFFF  }
0x298: {  	_ =	shalt  }

</sc_bundles>
